<compile_context>
chip_gen: v7x
topology: tpu7x:2x2x1
jax: 0.10.2.dev20260603
libtpu: 0.0.44.dev20260713+nightly
codegen_flags: <defaults>
</compile_context>

<pallas_src>
import functools

import jax
import jax.numpy as jnp
from jax import lax
from jax.experimental import pallas as pl
from jax.experimental.pallas import tpu as pltpu
from jax.experimental.pallas import tpu_sc as plsc

N = 10000
E = 160000
D = 256
DH = 128
CH = 128
EP = 163840
NCHUNK = EP // CH
CPT = NCHUNK // 16
RPT = 632
NP = 16 * RPT
BM = 1000

_mesh = plsc.VectorSubcoreMesh(core_axis_name="c", subcore_axis_name="s")



CPT_DEG = NCHUNK // 32


def _deg_body(col_hbm, ones_hbm, zeros_hbm, out_hbm, col_v, ones_v, acc_sh):
    c = lax.axis_index("c")
    s = lax.axis_index("s")
    base = s * RPT
    pltpu.sync_copy(zeros_hbm.at[pl.ds(base, RPT)], acc_sh.at[pl.ds(base, RPT)])
    pltpu.sync_copy(ones_hbm, ones_v)
    wid = c * 16 + s
    pltpu.sync_copy(col_hbm.at[pl.ds(wid * CPT_DEG, CPT_DEG)], col_v)
    plsc.subcore_barrier()

    def chunk(j, carry):
        pltpu.sync_copy(ones_v, acc_sh.at[col_v.at[j]], add=True)
        return carry

    lax.fori_loop(0, CPT_DEG, chunk, 0)
    plsc.subcore_barrier()
    pltpu.sync_copy(acc_sh.at[pl.ds(base, RPT)], out_hbm.at[c, pl.ds(base, RPT)])


_sc_degree = pl.kernel(
    _deg_body,
    mesh=_mesh,
    out_type=jax.ShapeDtypeStruct((2, NP, DH), jnp.float32),
    scratch_types=[
        pltpu.VMEM((CPT_DEG, CH), jnp.int32),
        pltpu.VMEM((CH, DH), jnp.float32),
        pltpu.VMEM_SHARED((NP, DH), jnp.float32),
    ],
)


HALF = CPT // 2


def _scat_body(table_hbm, rowc_hbm, col_hbm, zeros_hbm, out_hbm,
               idx_v, col_v, rows_v, acc_sh, g0, g1, s0, s1):
    c = lax.axis_index("c")
    s = lax.axis_index("s")
    base = s * RPT
    pltpu.sync_copy(zeros_hbm.at[pl.ds(base, RPT)], acc_sh.at[pl.ds(base, RPT)])
    for h in range(2):
        pltpu.sync_copy(rowc_hbm.at[c, pl.ds(s * CPT + h * HALF, HALF)], idx_v)
        pltpu.sync_copy(col_hbm.at[pl.ds(s * CPT + h * HALF, HALF)], col_v)
        if h == 0:
            plsc.subcore_barrier()

        def pair(i, carry):
            gd0 = pltpu.async_copy(table_hbm.at[idx_v.at[2 * i]],
                                   rows_v.at[0], g0)
            gd1 = pltpu.async_copy(table_hbm.at[idx_v.at[2 * i + 1]],
                                   rows_v.at[1], g1)
            gd0.wait()
            sd0 = pltpu.async_copy(rows_v.at[0], acc_sh.at[col_v.at[2 * i]],
                                   s0, add=True)
            gd1.wait()
            sd1 = pltpu.async_copy(rows_v.at[1],
                                   acc_sh.at[col_v.at[2 * i + 1]],
                                   s1, add=True)
            sd0.wait()
            sd1.wait()
            return carry

        lax.fori_loop(0, HALF // 2, pair, 0)
    plsc.subcore_barrier()
    pltpu.sync_copy(acc_sh.at[pl.ds(base, RPT)], out_hbm.at[c, pl.ds(base, RPT)])


_sc_scatter = pl.kernel(
    _scat_body,
    mesh=_mesh,
    out_type=jax.ShapeDtypeStruct((2, NP, DH), jnp.float32),
    scratch_types=[
        pltpu.VMEM((HALF, CH), jnp.int32),
        pltpu.VMEM((HALF, CH), jnp.int32),
        pltpu.VMEM((2, CH, DH), jnp.float32),
        pltpu.VMEM_SHARED((NP, DH), jnp.float32),
    ] + [pltpu.SemaphoreType.DMA] * 4,
)



def _mmT(a, w):
    return lax.dot_general(a, w, (((1,), (1,)), ((), ())),
                           preferred_element_type=jnp.float32)


def _pre_body(dacc_ref, x_ref, dinv_ref, ystk_ref):
    deg = dacc_ref[0, :, 0:1] + dacc_ref[1, :, 0:1] + 1.0
    dinv = lax.rsqrt(deg)
    dinv_ref[...] = dinv
    y = x_ref[...] * dinv
    ystk_ref[0] = y[:, :DH]
    ystk_ref[1] = y[:, DH:]


def _tc_pre(dacc, x):
    return pl.pallas_call(
        _pre_body,
        grid=(N // BM,),
        in_specs=[
            pl.BlockSpec((2, BM, DH), lambda i: (0, i, 0)),
            pl.BlockSpec((BM, D), lambda i: (i, 0)),
        ],
        out_specs=[
            pl.BlockSpec((BM, 1), lambda i: (i, 0)),
            pl.BlockSpec((2, BM, DH), lambda i: (0, i, 0)),
        ],
        out_shape=[
            jax.ShapeDtypeStruct((N, 1), jnp.float32),
            jax.ShapeDtypeStruct((2, N, DH), jnp.float32),
        ],
    )(dacc, x)


def _mid_body(acc_ref, ystk_ref, dinv_ref, w_ref, b_ref, out_ref):
    dinv = dinv_ref[...]
    g0 = (acc_ref[0] + ystk_ref[0]) * dinv
    g1 = (acc_ref[1] + ystk_ref[1]) * dinv
    w = w_ref[...]
    h = _mmT(g0, w[:, :DH]) + _mmT(g1, w[:, DH:]) + b_ref[...]
    y = jnp.maximum(h, 0.0) * dinv
    out_ref[0] = y[:, :DH]
    out_ref[1] = y[:, DH:]


def _tc_mid(acc, ystk, dinv, w, b):
    return pl.pallas_call(
        _mid_body,
        grid=(N // BM,),
        in_specs=[
            pl.BlockSpec((2, BM, DH), lambda i: (0, i, 0)),
            pl.BlockSpec((2, BM, DH), lambda i: (0, i, 0)),
            pl.BlockSpec((BM, 1), lambda i: (i, 0)),
            pl.BlockSpec((D, D), lambda i: (0, 0)),
            pl.BlockSpec((1, D), lambda i: (0, 0)),
        ],
        out_specs=pl.BlockSpec((2, BM, DH), lambda i: (0, i, 0)),
        out_shape=jax.ShapeDtypeStruct((2, N, DH), jnp.float32),
    )(acc, ystk, dinv, w, b)


def _fin_body(acc_ref, ystk_ref, dinv_ref, w_ref, b_ref, out_ref):
    dinv = dinv_ref[...]
    g0 = (acc_ref[0] + ystk_ref[0]) * dinv
    g1 = (acc_ref[1] + ystk_ref[1]) * dinv
    w = w_ref[...]
    out_ref[...] = _mmT(g0, w[:, :DH]) + _mmT(g1, w[:, DH:]) + b_ref[...]


def _tc_fin(acc, ystk, dinv, w, b):
    return pl.pallas_call(
        _fin_body,
        grid=(N // BM,),
        in_specs=[
            pl.BlockSpec((2, BM, DH), lambda i: (0, i, 0)),
            pl.BlockSpec((2, BM, DH), lambda i: (0, i, 0)),
            pl.BlockSpec((BM, 1), lambda i: (i, 0)),
            pl.BlockSpec((D, D), lambda i: (0, 0)),
            pl.BlockSpec((1, D), lambda i: (0, 0)),
        ],
        out_specs=pl.BlockSpec((BM, D), lambda i: (i, 0)),
        out_shape=jax.ShapeDtypeStruct((N, D), jnp.float32),
    )(acc, ystk, dinv, w, b)



def kernel(x, edge_index, edge_type, W1, b1, W2, b2, W3, b3):
    del edge_type
    row = edge_index[0].astype(jnp.int32)
    col = edge_index[1].astype(jnp.int32)
    pad = EP - E
    row_p = jnp.concatenate([row, jnp.zeros((pad,), jnp.int32)]).reshape(NCHUNK, CH)
    rowc = jnp.stack([row_p, row_p + N])
    col_p = jnp.concatenate([col, jnp.full((pad,), N, jnp.int32)]).reshape(NCHUNK, CH)
    zeros128 = jnp.zeros((NP, DH), jnp.float32)
    ones128 = jnp.ones((CH, DH), jnp.float32)

    dacc = _sc_degree(col_p, ones128, zeros128)
    dinv, ystk = _tc_pre(dacc, x)

    for w, b, last in ((W1, b1, False), (W2, b2, False), (W3, b3, True)):
        table = ystk.reshape(2 * N, DH)
        acc = _sc_scatter(table, rowc, col_p, zeros128)
        if last:
            return _tc_fin(acc, ystk, dinv, w, b.reshape(1, D))
        ystk = _tc_mid(acc, ystk, dinv, w, b.reshape(1, D))

# --- scband reference (transcript-rebuilt; emitter-appended) ---
"""Pipeline reference for scband-sg-47545287966774 (READ-ONLY COPY).

The authoritative reference and input builder live on the scoring server;
editing this copy changes nothing except your own understanding.
"""

import jax, jax.numpy as jnp
import numpy as np

NUM_NODES = 10000
NUM_EDGES = 160000
D_IN = 256
D_HID = 256
D_OUT = 256

def setup_inputs(seed: int = 0) -> dict:
    key = jax.random.key(seed)
    ks = [jax.random.fold_in(key, i) for i in range(10)]
    x = jax.random.normal(ks[0], (NUM_NODES, D_IN), dtype=jnp.float32)
    edge_index = jax.random.randint(ks[1], (2, NUM_EDGES), 0, NUM_NODES, dtype=jnp.int64)
    edge_type = jax.random.randint(ks[2], (NUM_EDGES,), 0, 8, dtype=jnp.int64)
    s1 = 1.0 / np.sqrt(D_IN)
    s2 = 1.0 / np.sqrt(D_HID)
    W1 = jax.random.uniform(ks[3], (D_HID, D_IN), jnp.float32, -s1, s1)
    b1 = jax.random.uniform(ks[4], (D_HID,), jnp.float32, -s1, s1)
    W2 = jax.random.uniform(ks[5], (D_HID, D_HID), jnp.float32, -s2, s2)
    b2 = jax.random.uniform(ks[6], (D_HID,), jnp.float32, -s2, s2)
    W3 = jax.random.uniform(ks[7], (D_OUT, D_HID), jnp.float32, -s2, s2)
    b3 = jax.random.uniform(ks[8], (D_OUT,), jnp.float32, -s2, s2)
    return {"x": x, "edge_index": edge_index, "edge_type": edge_type,
            "W1": W1, "b1": b1, "W2": W2, "b2": b2, "W3": W3, "b3": b3}

def _sgc_propagate(x, edge_index, num_nodes):
    # SGConv (K=1) propagation with gcn_norm and self-loops:
    # out = D^{-1/2} (A + I) D^{-1/2} x
    row = edge_index[0]
    col = edge_index[1]
    loop = jnp.arange(num_nodes, dtype=row.dtype)
    row2 = jnp.concatenate([row, loop])
    col2 = jnp.concatenate([col, loop])
    ew = jnp.ones((row2.shape[0],), dtype=x.dtype)
    deg = jax.ops.segment_sum(ew, col2, num_segments=num_nodes)
    deg_inv_sqrt = jnp.where(deg > 0, 1.0 / jnp.sqrt(deg), 0.0)
    norm = deg_inv_sqrt[row2] * ew * deg_inv_sqrt[col2]
    msg = jnp.take(x, row2, axis=0) * norm[:, None]
    out = jax.ops.segment_sum(msg, col2, num_segments=num_nodes)
    return out

def reference(x, edge_index, edge_type, W1, b1, W2, b2, W3, b3):
    # edge_type is unused by the original forward (passed but ignored)
    h = _sgc_propagate(x, edge_index, NUM_NODES)
    h = h @ W1.T + b1
    h = jax.nn.relu(h)  # dropout is identity in eval mode
    h = _sgc_propagate(h, edge_index, NUM_NODES)
    h = h @ W2.T + b2
    h = jax.nn.relu(h)
    h = _sgc_propagate(h, edge_index, NUM_NODES)
    h = h @ W3.T + b3
    return h

if __name__ == "__main__":
    import jax
    _d = setup_inputs()
    print(jax.jit(kernel)(*tuple(_d.values())))

</pallas_src>

<mosaic_0001>
#map = affine_map<(d0, d1) -> (0, 0)>
#map1 = affine_map<(d0, d1) -> (0, 0, 0)>
module attributes {stable_mosaic.version = 14 : i64} {
  func.func @_deg_body(%arg0: i32, %arg1: i32, %arg2: memref<1280x128xi32, #tpu.memory_space<hbm>>, %arg3: memref<128x128xf32, #tpu.memory_space<hbm>>, %arg4: memref<10112x128xf32, #tpu.memory_space<hbm>>, %arg5: memref<2x10112x128xf32, #tpu.memory_space<hbm>>, %arg6: memref<40x128xi32, #tpu.memory_space<vmem>>, %arg7: memref<128x128xf32, #tpu.memory_space<vmem>>, %arg8: memref<10112x128xf32, #tpu.memory_space<vmem_shared>>) attributes {dimension_semantics = [#tpu.dimension_semantics<core_parallel>, #tpu.dimension_semantics<subcore_parallel>], iteration_bounds = array<i64: 2, 16>, scalar_prefetch = 0 : i64, scratch_operands = 3 : i64, tpu.core_type = #tpu.core_type<sc_vector_subcore>, window_params = [{transform_indices = #map}, {transform_indices = #map}, {transform_indices = #map}, {transform_indices = #map1}]} {
    %mul3A = arith.constant 632 : i32
    %mul3A_0 = arith.muli %arg1, %mul3A : i32
    "tpu.region"() ({
      %run_scoped3A = tpu.sem_alloc : memref<!tpu.dma_semaphore, #tpu.memory_space<semaphore_mem>>
      %dma_start3A = arith.constant 0 : i32
      %dma_start3A_11 = tpu.memref_slice %arg8[%mul3A_0, %dma_start3A] : memref<10112x128xf32, #tpu.memory_space<vmem_shared>> -> memref<632x128xf32, #tpu.memory_space<vmem_shared>>
      %dma_start3A_12 = arith.constant 0 : i32
      %dma_start3A_13 = tpu.memref_slice %arg4[%mul3A_0, %dma_start3A_12] : memref<10112x128xf32, #tpu.memory_space<hbm>> -> memref<632x128xf32, #tpu.memory_space<hbm>>
      tpu.enqueue_dma source(%dma_start3A_13 : memref<632x128xf32, #tpu.memory_space<hbm>>) target(%dma_start3A_11 : memref<632x128xf32, #tpu.memory_space<vmem_shared>>) target_semaphore(%run_scoped3A : memref<!tpu.dma_semaphore, #tpu.memory_space<semaphore_mem>>)
      %dma_wait3A = arith.constant 0 : i32
      %dma_wait3A_14 = tpu.memref_slice %arg8[%mul3A_0, %dma_wait3A] : memref<10112x128xf32, #tpu.memory_space<vmem_shared>> -> memref<632x128xf32, #tpu.memory_space<vmem_shared>>
      %dma_wait3A_15 = arith.constant 0 : i32
      %dma_wait3A_16 = tpu.memref_slice %arg4[%mul3A_0, %dma_wait3A_15] : memref<10112x128xf32, #tpu.memory_space<hbm>> -> memref<632x128xf32, #tpu.memory_space<hbm>>
      tpu.wait_dma2 semaphore(%run_scoped3A : memref<!tpu.dma_semaphore, #tpu.memory_space<semaphore_mem>>) src(%dma_wait3A_16 : memref<632x128xf32, #tpu.memory_space<hbm>>) dst(%dma_wait3A_14 : memref<632x128xf32, #tpu.memory_space<vmem_shared>>)
      tpu.yield
    }) : () -> ()
    "tpu.region"() ({
      %run_scoped3A = tpu.sem_alloc : memref<!tpu.dma_semaphore, #tpu.memory_space<semaphore_mem>>
      tpu.enqueue_dma source(%arg3 : memref<128x128xf32, #tpu.memory_space<hbm>>) target(%arg7 : memref<128x128xf32, #tpu.memory_space<vmem>>) target_semaphore(%run_scoped3A : memref<!tpu.dma_semaphore, #tpu.memory_space<semaphore_mem>>)
      tpu.wait_dma2 semaphore(%run_scoped3A : memref<!tpu.dma_semaphore, #tpu.memory_space<semaphore_mem>>) src(%arg3 : memref<128x128xf32, #tpu.memory_space<hbm>>) dst(%arg7 : memref<128x128xf32, #tpu.memory_space<vmem>>)
      tpu.yield
    }) : () -> ()
    %mul3A_1 = arith.constant 16 : i32
    %mul3A_2 = arith.muli %arg0, %mul3A_1 : i32
    %add3A = arith.addi %mul3A_2, %arg1 : i32
    %mul3A_3 = arith.constant 40 : i32
    %mul3A_4 = arith.muli %add3A, %mul3A_3 : i32
    "tpu.region"() ({
      %run_scoped3A = tpu.sem_alloc : memref<!tpu.dma_semaphore, #tpu.memory_space<semaphore_mem>>
      %dma_start3A = arith.constant 0 : i32
      %dma_start3A_11 = tpu.memref_slice %arg2[%mul3A_4, %dma_start3A] : memref<1280x128xi32, #tpu.memory_space<hbm>> -> memref<40x128xi32, #tpu.memory_space<hbm>>
      %dma_start3A_12 = arith.constant 0 : i32
      %dma_start3A_13 = tpu.memref_slice %arg2[%mul3A_4, %dma_start3A_12] : memref<1280x128xi32, #tpu.memory_space<hbm>> -> memref<40x128xi32, #tpu.memory_space<hbm>>
      tpu.enqueue_dma source(%dma_start3A_13 : memref<40x128xi32, #tpu.memory_space<hbm>>) target(%arg6 : memref<40x128xi32, #tpu.memory_space<vmem>>) target_semaphore(%run_scoped3A : memref<!tpu.dma_semaphore, #tpu.memory_space<semaphore_mem>>)
      %dma_wait3A = arith.constant 0 : i32
      %dma_wait3A_14 = tpu.memref_slice %arg2[%mul3A_4, %dma_wait3A] : memref<1280x128xi32, #tpu.memory_space<hbm>> -> memref<40x128xi32, #tpu.memory_space<hbm>>
      %dma_wait3A_15 = arith.constant 0 : i32
      %dma_wait3A_16 = tpu.memref_slice %arg2[%mul3A_4, %dma_wait3A_15] : memref<1280x128xi32, #tpu.memory_space<hbm>> -> memref<40x128xi32, #tpu.memory_space<hbm>>
      tpu.wait_dma2 semaphore(%run_scoped3A : memref<!tpu.dma_semaphore, #tpu.memory_space<semaphore_mem>>) src(%dma_wait3A_16 : memref<40x128xi32, #tpu.memory_space<hbm>>) dst(%arg6 : memref<40x128xi32, #tpu.memory_space<vmem>>)
      tpu.yield
    }) : () -> ()
    %barrier3A = arith.constant 0 : index
    tpu.barrier barrier_id(%barrier3A)
    %scan3A = arith.constant 0 : i32
    %scan3A_5 = arith.constant 0 : i32
    %scan3A_6 = arith.constant 40 : i32
    %scan3A_7 = arith.addi %scan3A_5, %scan3A_6 : i32
    %scan3A_8 = arith.constant 1 : i32
    scf.for %scan3A_11 = %scan3A_5 to %scan3A_7 step %scan3A_8  : i32 {
      "tpu.region"() ({
        %run_scoped3A = tpu.sem_alloc : memref<!tpu.dma_semaphore, #tpu.memory_space<semaphore_mem>>
        %dma_start3A = arith.constant 0 : i32
        %dma_start3A_12 = tpu.memref_slice %arg6[%scan3A_11, %dma_start3A] : memref<40x128xi32, #tpu.memory_space<vmem>> -> memref<1x128xi32, #tpu.memory_space<vmem>>
        %dma_start3A_13 = tpu.memref_squeeze %dma_start3A_12 : memref<1x128xi32, #tpu.memory_space<vmem>> -> memref<128xi32, #tpu.memory_space<vmem>>
        %dma_start3A_14 = arith.constant 0 : i32
        %dma_start3A_15 = arith.constant 0 : i32
        %dma_start3A_16 = tpu.memref_slice %arg8[%dma_start3A_14, %dma_start3A_15] : memref<10112x128xf32, #tpu.memory_space<vmem_shared>> -> memref<10112x128xf32, #tpu.memory_space<vmem_shared>>
        tpu.enqueue_indirect_dma source(%arg7 : memref<128x128xf32, #tpu.memory_space<vmem>>) target(%dma_start3A_16 : memref<10112x128xf32, #tpu.memory_space<vmem_shared>>) offsets(%dma_start3A_13 : memref<128xi32, #tpu.memory_space<vmem>>) semaphore(%run_scoped3A : memref<!tpu.dma_semaphore, #tpu.memory_space<semaphore_mem>>) {add = true}
        %dma_wait3A = arith.constant 0 : i32
        %dma_wait3A_17 = tpu.memref_slice %arg6[%scan3A_11, %dma_wait3A] : memref<40x128xi32, #tpu.memory_space<vmem>> -> memref<1x128xi32, #tpu.memory_space<vmem>>
        %dma_wait3A_18 = tpu.memref_squeeze %dma_wait3A_17 : memref<1x128xi32, #tpu.memory_space<vmem>> -> memref<128xi32, #tpu.memory_space<vmem>>
        %dma_wait3A_19 = arith.constant 0 : i32
        %dma_wait3A_20 = arith.constant 0 : i32
        %dma_wait3A_21 = tpu.memref_slice %arg8[%dma_wait3A_19, %dma_wait3A_20] : memref<10112x128xf32, #tpu.memory_space<vmem_shared>> -> memref<10112x128xf32, #tpu.memory_space<vmem_shared>>
        tpu.wait_indirect_dma semaphore(%run_scoped3A : memref<!tpu.dma_semaphore, #tpu.memory_space<semaphore_mem>>) src(%arg7 : memref<128x128xf32, #tpu.memory_space<vmem>>) dst(%dma_wait3A_21 : memref<10112x128xf32, #tpu.memory_space<vmem_shared>>)
        tpu.yield
      }) : () -> ()
    }
    %scan3A_9 = arith.constant 40 : i32
    %barrier3A_10 = arith.constant 0 : index
    tpu.barrier barrier_id(%barrier3A_10)
    "tpu.region"() ({
      %run_scoped3A = tpu.sem_alloc : memref<!tpu.dma_semaphore, #tpu.memory_space<semaphore_mem>>
      %dma_start3A = arith.constant 0 : i32
      %dma_start3A_11 = tpu.memref_slice %arg5[%arg0, %mul3A_0, %dma_start3A] : memref<2x10112x128xf32, #tpu.memory_space<hbm>> -> memref<1x632x128xf32, #tpu.memory_space<hbm>>
      %dma_start3A_12 = tpu.memref_squeeze %dma_start3A_11 : memref<1x632x128xf32, #tpu.memory_space<hbm>> -> memref<632x128xf32, #tpu.memory_space<hbm>>
      %dma_start3A_13 = arith.constant 0 : i32
      %dma_start3A_14 = tpu.memref_slice %arg8[%mul3A_0, %dma_start3A_13] : memref<10112x128xf32, #tpu.memory_space<vmem_shared>> -> memref<632x128xf32, #tpu.memory_space<vmem_shared>>
      tpu.enqueue_dma source(%dma_start3A_14 : memref<632x128xf32, #tpu.memory_space<vmem_shared>>) target(%dma_start3A_12 : memref<632x128xf32, #tpu.memory_space<hbm>>) target_semaphore(%run_scoped3A : memref<!tpu.dma_semaphore, #tpu.memory_space<semaphore_mem>>)
      %dma_wait3A = arith.constant 0 : i32
      %dma_wait3A_15 = tpu.memref_slice %arg5[%arg0, %mul3A_0, %dma_wait3A] : memref<2x10112x128xf32, #tpu.memory_space<hbm>> -> memref<1x632x128xf32, #tpu.memory_space<hbm>>
      %dma_wait3A_16 = tpu.memref_squeeze %dma_wait3A_15 : memref<1x632x128xf32, #tpu.memory_space<hbm>> -> memref<632x128xf32, #tpu.memory_space<hbm>>
      %dma_wait3A_17 = arith.constant 0 : i32
      %dma_wait3A_18 = tpu.memref_slice %arg8[%mul3A_0, %dma_wait3A_17] : memref<10112x128xf32, #tpu.memory_space<vmem_shared>> -> memref<632x128xf32, #tpu.memory_space<vmem_shared>>
      tpu.wait_dma2 semaphore(%run_scoped3A : memref<!tpu.dma_semaphore, #tpu.memory_space<semaphore_mem>>) src(%dma_wait3A_18 : memref<632x128xf32, #tpu.memory_space<vmem_shared>>) dst(%dma_wait3A_16 : memref<632x128xf32, #tpu.memory_space<hbm>>)
      tpu.yield
    }) : () -> ()
    return
  }
}

#map = affine_map<(d0, d1) -> (0, 0)>
#map1 = affine_map<(d0, d1) -> (0, 0, 0)>
module attributes {stable_mosaic.version = 14 : i64} {
  func.func @_scat_body(%arg0: i32, %arg1: i32, %arg2: memref<20000x128xf32, #tpu.memory_space<hbm>>, %arg3: memref<2x1280x128xi32, #tpu.memory_space<hbm>>, %arg4: memref<1280x128xi32, #tpu.memory_space<hbm>>, %arg5: memref<10112x128xf32, #tpu.memory_space<hbm>>, %arg6: memref<2x10112x128xf32, #tpu.memory_space<hbm>>, %arg7: memref<40x128xi32, #tpu.memory_space<vmem>>, %arg8: memref<40x128xi32, #tpu.memory_space<vmem>>, %arg9: memref<2x128x128xf32, #tpu.memory_space<vmem>>, %arg10: memref<10112x128xf32, #tpu.memory_space<vmem_shared>>, %arg11: memref<!tpu.dma_semaphore, #tpu.memory_space<semaphore_mem>>, %arg12: memref<!tpu.dma_semaphore, #tpu.memory_space<semaphore_mem>>, %arg13: memref<!tpu.dma_semaphore, #tpu.memory_space<semaphore_mem>>, %arg14: memref<!tpu.dma_semaphore, #tpu.memory_space<semaphore_mem>>) attributes {dimension_semantics = [#tpu.dimension_semantics<core_parallel>, #tpu.dimension_semantics<subcore_parallel>], iteration_bounds = array<i64: 2, 16>, scalar_prefetch = 0 : i64, scratch_operands = 8 : i64, tpu.core_type = #tpu.core_type<sc_vector_subcore>, window_params = [{transform_indices = #map}, {transform_indices = #map1}, {transform_indices = #map}, {transform_indices = #map}, {transform_indices = #map1}]} {
    %mul3A = arith.constant 632 : i32
    %mul3A_0 = arith.muli %arg1, %mul3A : i32
    "tpu.region"() ({
      %run_scoped3A = tpu.sem_alloc : memref<!tpu.dma_semaphore, #tpu.memory_space<semaphore_mem>>
      %dma_start3A = arith.constant 0 : i32
      %dma_start3A_28 = tpu.memref_slice %arg10[%mul3A_0, %dma_start3A] : memref<10112x128xf32, #tpu.memory_space<vmem_shared>> -> memref<632x128xf32, #tpu.memory_space<vmem_shared>>
      %dma_start3A_29 = arith.constant 0 : i32
      %dma_start3A_30 = tpu.memref_slice %arg5[%mul3A_0, %dma_start3A_29] : memref<10112x128xf32, #tpu.memory_space<hbm>> -> memref<632x128xf32, #tpu.memory_space<hbm>>
      tpu.enqueue_dma source(%dma_start3A_30 : memref<632x128xf32, #tpu.memory_space<hbm>>) target(%dma_start3A_28 : memref<632x128xf32, #tpu.memory_space<vmem_shared>>) target_semaphore(%run_scoped3A : memref<!tpu.dma_semaphore, #tpu.memory_space<semaphore_mem>>)
      %dma_wait3A = arith.constant 0 : i32
      %dma_wait3A_31 = tpu.memref_slice %arg10[%mul3A_0, %dma_wait3A] : memref<10112x128xf32, #tpu.memory_space<vmem_shared>> -> memref<632x128xf32, #tpu.memory_space<vmem_shared>>
      %dma_wait3A_32 = arith.constant 0 : i32
      %dma_wait3A_33 = tpu.memref_slice %arg5[%mul3A_0, %dma_wait3A_32] : memref<10112x128xf32, #tpu.memory_space<hbm>> -> memref<632x128xf32, #tpu.memory_space<hbm>>
      tpu.wait_dma2 semaphore(%run_scoped3A : memref<!tpu.dma_semaphore, #tpu.memory_space<semaphore_mem>>) src(%dma_wait3A_33 : memref<632x128xf32, #tpu.memory_space<hbm>>) dst(%dma_wait3A_31 : memref<632x128xf32, #tpu.memory_space<vmem_shared>>)
      tpu.yield
    }) : () -> ()
    %mul3A_1 = arith.constant 80 : i32
    %mul3A_2 = arith.muli %arg1, %mul3A_1 : i32
    %add3A = arith.constant 0 : i32
    %add3A_3 = arith.addi %mul3A_2, %add3A : i32
    "tpu.region"() ({
      %run_scoped3A = tpu.sem_alloc : memref<!tpu.dma_semaphore, #tpu.memory_space<semaphore_mem>>
      %dma_start3A = arith.constant 0 : i32
      %dma_start3A_28 = tpu.memref_slice %arg3[%arg0, %add3A_3, %dma_start3A] : memref<2x1280x128xi32, #tpu.memory_space<hbm>> -> memref<1x40x128xi32, #tpu.memory_space<hbm>>
      %dma_start3A_29 = tpu.memref_squeeze %dma_start3A_28 : memref<1x40x128xi32, #tpu.memory_space<hbm>> -> memref<40x128xi32, #tpu.memory_space<hbm>>
      %dma_start3A_30 = arith.constant 0 : i32
      %dma_start3A_31 = tpu.memref_slice %arg3[%arg0, %add3A_3, %dma_start3A_30] : memref<2x1280x128xi32, #tpu.memory_space<hbm>> -> memref<1x40x128xi32, #tpu.memory_space<hbm>>
      %dma_start3A_32 = tpu.memref_squeeze %dma_start3A_31 : memref<1x40x128xi32, #tpu.memory_space<hbm>> -> memref<40x128xi32, #tpu.memory_space<hbm>>
      tpu.enqueue_dma source(%dma_start3A_32 : memref<40x128xi32, #tpu.memory_space<hbm>>) target(%arg7 : memref<40x128xi32, #tpu.memory_space<vmem>>) target_semaphore(%run_scoped3A : memref<!tpu.dma_semaphore, #tpu.memory_space<semaphore_mem>>)
      %dma_wait3A = arith.constant 0 : i32
      %dma_wait3A_33 = tpu.memref_slice %arg3[%arg0, %add3A_3, %dma_wait3A] : memref<2x1280x128xi32, #tpu.memory_space<hbm>> -> memref<1x40x128xi32, #tpu.memory_space<hbm>>
      %dma_wait3A_34 = tpu.memref_squeeze %dma_wait3A_33 : memref<1x40x128xi32, #tpu.memory_space<hbm>> -> memref<40x128xi32, #tpu.memory_space<hbm>>
      %dma_wait3A_35 = arith.constant 0 : i32
      %dma_wait3A_36 = tpu.memref_slice %arg3[%arg0, %add3A_3, %dma_wait3A_35] : memref<2x1280x128xi32, #tpu.memory_space<hbm>> -> memref<1x40x128xi32, #tpu.memory_space<hbm>>
      %dma_wait3A_37 = tpu.memref_squeeze %dma_wait3A_36 : memref<1x40x128xi32, #tpu.memory_space<hbm>> -> memref<40x128xi32, #tpu.memory_space<hbm>>
      tpu.wait_dma2 semaphore(%run_scoped3A : memref<!tpu.dma_semaphore, #tpu.memory_space<semaphore_mem>>) src(%dma_wait3A_37 : memref<40x128xi32, #tpu.memory_space<hbm>>) dst(%arg7 : memref<40x128xi32, #tpu.memory_space<vmem>>)
      tpu.yield
    }) : () -> ()
    %mul3A_4 = arith.constant 80 : i32
    %mul3A_5 = arith.muli %arg1, %mul3A_4 : i32
    %add3A_6 = arith.constant 0 : i32
    %add3A_7 = arith.addi %mul3A_5, %add3A_6 : i32
    "tpu.region"() ({
      %run_scoped3A = tpu.sem_alloc : memref<!tpu.dma_semaphore, #tpu.memory_space<semaphore_mem>>
      %dma_start3A = arith.constant 0 : i32
      %dma_start3A_28 = tpu.memref_slice %arg4[%add3A_7, %dma_start3A] : memref<1280x128xi32, #tpu.memory_space<hbm>> -> memref<40x128xi32, #tpu.memory_space<hbm>>
      %dma_start3A_29 = arith.constant 0 : i32
      %dma_start3A_30 = tpu.memref_slice %arg4[%add3A_7, %dma_start3A_29] : memref<1280x128xi32, #tpu.memory_space<hbm>> -> memref<40x128xi32, #tpu.memory_space<hbm>>
      tpu.enqueue_dma source(%dma_start3A_30 : memref<40x128xi32, #tpu.memory_space<hbm>>) target(%arg8 : memref<40x128xi32, #tpu.memory_space<vmem>>) target_semaphore(%run_scoped3A : memref<!tpu.dma_semaphore, #tpu.memory_space<semaphore_mem>>)
      %dma_wait3A = arith.constant 0 : i32
      %dma_wait3A_31 = tpu.memref_slice %arg4[%add3A_7, %dma_wait3A] : memref<1280x128xi32, #tpu.memory_space<hbm>> -> memref<40x128xi32, #tpu.memory_space<hbm>>
      %dma_wait3A_32 = arith.constant 0 : i32
      %dma_wait3A_33 = tpu.memref_slice %arg4[%add3A_7, %dma_wait3A_32] : memref<1280x128xi32, #tpu.memory_space<hbm>> -> memref<40x128xi32, #tpu.memory_space<hbm>>
      tpu.wait_dma2 semaphore(%run_scoped3A : memref<!tpu.dma_semaphore, #tpu.memory_space<semaphore_mem>>) src(%dma_wait3A_33 : memref<40x128xi32, #tpu.memory_space<hbm>>) dst(%arg8 : memref<40x128xi32, #tpu.memory_space<vmem>>)
      tpu.yield
    }) : () -> ()
    %barrier3A = arith.constant 0 : index
    tpu.barrier barrier_id(%barrier3A)
    %scan3A = arith.constant 0 : i32
    %scan3A_8 = arith.constant 0 : i32
    %scan3A_9 = arith.constant 20 : i32
    %scan3A_10 = arith.addi %scan3A_8, %scan3A_9 : i32
    %scan3A_11 = arith.constant 1 : i32
    scf.for %scan3A_28 = %scan3A_8 to %scan3A_10 step %scan3A_11  : i32 {
      %mul3A_29 = arith.constant 2 : i32
      %mul3A_30 = arith.muli %mul3A_29, %scan3A_28 : i32
      %dma_start3A = arith.constant 0 : i32
      %dma_start3A_31 = arith.constant 0 : i32
      %dma_start3A_32 = arith.constant 0 : i32
      %dma_start3A_33 = tpu.memref_slice %arg9[%dma_start3A, %dma_start3A_31, %dma_start3A_32] : memref<2x128x128xf32, #tpu.memory_space<vmem>> -> memref<1x128x128xf32, #tpu.memory_space<vmem>>
      %dma_start3A_34 = tpu.memref_squeeze %dma_start3A_33 : memref<1x128x128xf32, #tpu.memory_space<vmem>> -> memref<128x128xf32, #tpu.memory_space<vmem>>
      %dma_start3A_35 = arith.constant 0 : i32
      %dma_start3A_36 = tpu.memref_slice %arg7[%mul3A_30, %dma_start3A_35] : memref<40x128xi32, #tpu.memory_space<vmem>> -> memref<1x128xi32, #tpu.memory_space<vmem>>
      %dma_start3A_37 = tpu.memref_squeeze %dma_start3A_36 : memref<1x128xi32, #tpu.memory_space<vmem>> -> memref<128xi32, #tpu.memory_space<vmem>>
      %dma_start3A_38 = arith.constant 0 : i32
      %dma_start3A_39 = arith.constant 0 : i32
      %dma_start3A_40 = tpu.memref_slice %arg2[%dma_start3A_38, %dma_start3A_39] : memref<20000x128xf32, #tpu.memory_space<hbm>> -> memref<20000x128xf32, #tpu.memory_space<hbm>>
      tpu.enqueue_indirect_dma source(%dma_start3A_40 : memref<20000x128xf32, #tpu.memory_space<hbm>>) target(%dma_start3A_34 : memref<128x128xf32, #tpu.memory_space<vmem>>) offsets(%dma_start3A_37 : memref<128xi32, #tpu.memory_space<vmem>>) semaphore(%arg11 : memref<!tpu.dma_semaphore, #tpu.memory_space<semaphore_mem>>)
      %mul3A_41 = arith.constant 2 : i32
      %mul3A_42 = arith.muli %mul3A_41, %scan3A_28 : i32
      %add3A_43 = arith.constant 1 : i32
      %add3A_44 = arith.addi %mul3A_42, %add3A_43 : i32
      %dma_start3A_45 = arith.constant 1 : i32
      %dma_start3A_46 = arith.constant 0 : i32
      %dma_start3A_47 = arith.constant 0 : i32
      %dma_start3A_48 = tpu.memref_slice %arg9[%dma_start3A_45, %dma_start3A_46, %dma_start3A_47] : memref<2x128x128xf32, #tpu.memory_space<vmem>> -> memref<1x128x128xf32, #tpu.memory_space<vmem>>
      %dma_start3A_49 = tpu.memref_squeeze %dma_start3A_48 : memref<1x128x128xf32, #tpu.memory_space<vmem>> -> memref<128x128xf32, #tpu.memory_space<vmem>>
      %dma_start3A_50 = arith.constant 0 : i32
      %dma_start3A_51 = tpu.memref_slice %arg7[%add3A_44, %dma_start3A_50] : memref<40x128xi32, #tpu.memory_space<vmem>> -> memref<1x128xi32, #tpu.memory_space<vmem>>
      %dma_start3A_52 = tpu.memref_squeeze %dma_start3A_51 : memref<1x128xi32, #tpu.memory_space<vmem>> -> memref<128xi32, #tpu.memory_space<vmem>>
      %dma_start3A_53 = arith.constant 0 : i32
      %dma_start3A_54 = arith.constant 0 : i32
      %dma_start3A_55 = tpu.memref_slice %arg2[%dma_start3A_53, %dma_start3A_54] : memref<20000x128xf32, #tpu.memory_space<hbm>> -> memref<20000x128xf32, #tpu.memory_space<hbm>>
      tpu.enqueue_indirect_dma source(%dma_start3A_55 : memref<20000x128xf32, #tpu.memory_space<hbm>>) target(%dma_start3A_49 : memref<128x128xf32, #tpu.memory_space<vmem>>) offsets(%dma_start3A_52 : memref<128xi32, #tpu.memory_space<vmem>>) semaphore(%arg12 : memref<!tpu.dma_semaphore, #tpu.memory_space<semaphore_mem>>)
      %dma_wait3A = arith.constant 0 : i32
      %dma_wait3A_56 = arith.constant 0 : i32
      %dma_wait3A_57 = arith.constant 0 : i32
      %dma_wait3A_58 = tpu.memref_slice %arg9[%dma_wait3A, %dma_wait3A_56, %dma_wait3A_57] : memref<2x128x128xf32, #tpu.memory_space<vmem>> -> memref<1x128x128xf32, #tpu.memory_space<vmem>>
      %dma_wait3A_59 = tpu.memref_squeeze %dma_wait3A_58 : memref<1x128x128xf32, #tpu.memory_space<vmem>> -> memref<128x128xf32, #tpu.memory_space<vmem>>
      %dma_wait3A_60 = arith.constant 0 : i32
      %dma_wait3A_61 = tpu.memref_slice %arg7[%mul3A_30, %dma_wait3A_60] : memref<40x128xi32, #tpu.memory_space<vmem>> -> memref<1x128xi32, #tpu.memory_space<vmem>>
      %dma_wait3A_62 = tpu.memref_squeeze %dma_wait3A_61 : memref<1x128xi32, #tpu.memory_space<vmem>> -> memref<128xi32, #tpu.memory_space<vmem>>
      %dma_wait3A_63 = arith.constant 0 : i32
      %dma_wait3A_64 = arith.constant 0 : i32
      %dma_wait3A_65 = tpu.memref_slice %arg2[%dma_wait3A_63, %dma_wait3A_64] : memref<20000x128xf32, #tpu.memory_space<hbm>> -> memref<20000x128xf32, #tpu.memory_space<hbm>>
      tpu.wait_indirect_dma semaphore(%arg11 : memref<!tpu.dma_semaphore, #tpu.memory_space<semaphore_mem>>) src(%dma_wait3A_65 : memref<20000x128xf32, #tpu.memory_space<hbm>>) dst(%dma_wait3A_59 : memref<128x128xf32, #tpu.memory_space<vmem>>)
      %mul3A_66 = arith.constant 2 : i32
      %mul3A_67 = arith.muli %mul3A_66, %scan3A_28 : i32
      %dma_start3A_68 = arith.constant 0 : i32
      %dma_start3A_69 = arith.constant 0 : i32
      %dma_start3A_70 = arith.constant 0 : i32
      %dma_start3A_71 = tpu.memref_slice %arg9[%dma_start3A_68, %dma_start3A_69, %dma_start3A_70] : memref<2x128x128xf32, #tpu.memory_space<vmem>> -> memref<1x128x128xf32, #tpu.memory_space<vmem>>
      %dma_start3A_72 = tpu.memref_squeeze %dma_start3A_71 : memref<1x128x128xf32, #tpu.memory_space<vmem>> -> memref<128x128xf32, #tpu.memory_space<vmem>>
      %dma_start3A_73 = arith.constant 0 : i32
      %dma_start3A_74 = tpu.memref_slice %arg8[%mul3A_67, %dma_start3A_73] : memref<40x128xi32, #tpu.memory_space<vmem>> -> memref<1x128xi32, #tpu.memory_space<vmem>>
      %dma_start3A_75 = tpu.memref_squeeze %dma_start3A_74 : memref<1x128xi32, #tpu.memory_space<vmem>> -> memref<128xi32, #tpu.memory_space<vmem>>
      %dma_start3A_76 = arith.constant 0 : i32
      %dma_start3A_77 = arith.constant 0 : i32
      %dma_start3A_78 = tpu.memref_slice %arg10[%dma_start3A_76, %dma_start3A_77] : memref<10112x128xf32, #tpu.memory_space<vmem_shared>> -> memref<10112x128xf32, #tpu.memory_space<vmem_shared>>
      tpu.enqueue_indirect_dma source(%dma_start3A_72 : memref<128x128xf32, #tpu.memory_space<vmem>>) target(%dma_start3A_78 : memref<10112x128xf32, #tpu.memory_space<vmem_shared>>) offsets(%dma_start3A_75 : memref<128xi32, #tpu.memory_space<vmem>>) semaphore(%arg13 : memref<!tpu.dma_semaphore, #tpu.memory_space<semaphore_mem>>) {add = true}
      %dma_wait3A_79 = arith.constant 1 : i32
      %dma_wait3A_80 = arith.constant 0 : i32
      %dma_wait3A_81 = arith.constant 0 : i32
      %dma_wait3A_82 = tpu.memref_slice %arg9[%dma_wait3A_79, %dma_wait3A_80, %dma_wait3A_81] : memref<2x128x128xf32, #tpu.memory_space<vmem>> -> memref<1x128x128xf32, #tpu.memory_space<vmem>>
      %dma_wait3A_83 = tpu.memref_squeeze %dma_wait3A_82 : memref<1x128x128xf32, #tpu.memory_space<vmem>> -> memref<128x128xf32, #tpu.memory_space<vmem>>
      %dma_wait3A_84 = arith.constant 0 : i32
      %dma_wait3A_85 = tpu.memref_slice %arg7[%add3A_44, %dma_wait3A_84] : memref<40x128xi32, #tpu.memory_space<vmem>> -> memref<1x128xi32, #tpu.memory_space<vmem>>
      %dma_wait3A_86 = tpu.memref_squeeze %dma_wait3A_85 : memref<1x128xi32, #tpu.memory_space<vmem>> -> memref<128xi32, #tpu.memory_space<vmem>>
      %dma_wait3A_87 = arith.constant 0 : i32
      %dma_wait3A_88 = arith.constant 0 : i32
      %dma_wait3A_89 = tpu.memref_slice %arg2[%dma_wait3A_87, %dma_wait3A_88] : memref<20000x128xf32, #tpu.memory_space<hbm>> -> memref<20000x128xf32, #tpu.memory_space<hbm>>
      tpu.wait_indirect_dma semaphore(%arg12 : memref<!tpu.dma_semaphore, #tpu.memory_space<semaphore_mem>>) src(%dma_wait3A_89 : memref<20000x128xf32, #tpu.memory_space<hbm>>) dst(%dma_wait3A_83 : memref<128x128xf32, #tpu.memory_space<vmem>>)
      %mul3A_90 = arith.constant 2 : i32
      %mul3A_91 = arith.muli %mul3A_90, %scan3A_28 : i32
      %add3A_92 = arith.constant 1 : i32
      %add3A_93 = arith.addi %mul3A_91, %add3A_92 : i32
      %dma_start3A_94 = arith.constant 1 : i32
      %dma_start3A_95 = arith.constant 0 : i32
      %dma_start3A_96 = arith.constant 0 : i32
      %dma_start3A_97 = tpu.memref_slice %arg9[%dma_start3A_94, %dma_start3A_95, %dma_start3A_96] : memref<2x128x128xf32, #tpu.memory_space<vmem>> -> memref<1x128x128xf32, #tpu.memory_space<vmem>>
      %dma_start3A_98 = tpu.memref_squeeze %dma_start3A_97 : memref<1x128x128xf32, #tpu.memory_space<vmem>> -> memref<128x128xf32, #tpu.memory_space<vmem>>
      %dma_start3A_99 = arith.constant 0 : i32
      %dma_start3A_100 = tpu.memref_slice %arg8[%add3A_93, %dma_start3A_99] : memref<40x128xi32, #tpu.memory_space<vmem>> -> memref<1x128xi32, #tpu.memory_space<vmem>>
      %dma_start3A_101 = tpu.memref_squeeze %dma_start3A_100 : memref<1x128xi32, #tpu.memory_space<vmem>> -> memref<128xi32, #tpu.memory_space<vmem>>
      %dma_start3A_102 = arith.constant 0 : i32
      %dma_start3A_103 = arith.constant 0 : i32
      %dma_start3A_104 = tpu.memref_slice %arg10[%dma_start3A_102, %dma_start3A_103] : memref<10112x128xf32, #tpu.memory_space<vmem_shared>> -> memref<10112x128xf32, #tpu.memory_space<vmem_shared>>
      tpu.enqueue_indirect_dma source(%dma_start3A_98 : memref<128x128xf32, #tpu.memory_space<vmem>>) target(%dma_start3A_104 : memref<10112x128xf32, #tpu.memory_space<vmem_shared>>) offsets(%dma_start3A_101 : memref<128xi32, #tpu.memory_space<vmem>>) semaphore(%arg14 : memref<!tpu.dma_semaphore, #tpu.memory_space<semaphore_mem>>) {add = true}
      %dma_wait3A_105 = arith.constant 0 : i32
      %dma_wait3A_106 = arith.constant 0 : i32
      %dma_wait3A_107 = arith.constant 0 : i32
      %dma_wait3A_108 = tpu.memref_slice %arg9[%dma_wait3A_105, %dma_wait3A_106, %dma_wait3A_107] : memref<2x128x128xf32, #tpu.memory_space<vmem>> -> memref<1x128x128xf32, #tpu.memory_space<vmem>>
      %dma_wait3A_109 = tpu.memref_squeeze %dma_wait3A_108 : memref<1x128x128xf32, #tpu.memory_space<vmem>> -> memref<128x128xf32, #tpu.memory_space<vmem>>
      %dma_wait3A_110 = arith.constant 0 : i32
      %dma_wait3A_111 = tpu.memref_slice %arg8[%mul3A_67, %dma_wait3A_110] : memref<40x128xi32, #tpu.memory_space<vmem>> -> memref<1x128xi32, #tpu.memory_space<vmem>>
      %dma_wait3A_112 = tpu.memref_squeeze %dma_wait3A_111 : memref<1x128xi32, #tpu.memory_space<vmem>> -> memref<128xi32, #tpu.memory_space<vmem>>
      %dma_wait3A_113 = arith.constant 0 : i32
      %dma_wait3A_114 = arith.constant 0 : i32
      %dma_wait3A_115 = tpu.memref_slice %arg10[%dma_wait3A_113, %dma_wait3A_114] : memref<10112x128xf32, #tpu.memory_space<vmem_shared>> -> memref<10112x128xf32, #tpu.memory_space<vmem_shared>>
      tpu.wait_indirect_dma semaphore(%arg13 : memref<!tpu.dma_semaphore, #tpu.memory_space<semaphore_mem>>) src(%dma_wait3A_109 : memref<128x128xf32, #tpu.memory_space<vmem>>) dst(%dma_wait3A_115 : memref<10112x128xf32, #tpu.memory_space<vmem_shared>>)
      %dma_wait3A_116 = arith.constant 1 : i32
      %dma_wait3A_117 = arith.constant 0 : i32
      %dma_wait3A_118 = arith.constant 0 : i32
      %dma_wait3A_119 = tpu.memref_slice %arg9[%dma_wait3A_116, %dma_wait3A_117, %dma_wait3A_118] : memref<2x128x128xf32, #tpu.memory_space<vmem>> -> memref<1x128x128xf32, #tpu.memory_space<vmem>>
      %dma_wait3A_120 = tpu.memref_squeeze %dma_wait3A_119 : memref<1x128x128xf32, #tpu.memory_space<vmem>> -> memref<128x128xf32, #tpu.memory_space<vmem>>
      %dma_wait3A_121 = arith.constant 0 : i32
      %dma_wait3A_122 = tpu.memref_slice %arg8[%add3A_93, %dma_wait3A_121] : memref<40x128xi32, #tpu.memory_space<vmem>> -> memref<1x128xi32, #tpu.memory_space<vmem>>
      %dma_wait3A_123 = tpu.memref_squeeze %dma_wait3A_122 : memref<1x128xi32, #tpu.memory_space<vmem>> -> memref<128xi32, #tpu.memory_space<vmem>>
      %dma_wait3A_124 = arith.constant 0 : i32
      %dma_wait3A_125 = arith.constant 0 : i32
      %dma_wait3A_126 = tpu.memref_slice %arg10[%dma_wait3A_124, %dma_wait3A_125] : memref<10112x128xf32, #tpu.memory_space<vmem_shared>> -> memref<10112x128xf32, #tpu.memory_space<vmem_shared>>
      tpu.wait_indirect_dma semaphore(%arg14 : memref<!tpu.dma_semaphore, #tpu.memory_space<semaphore_mem>>) src(%dma_wait3A_120 : memref<128x128xf32, #tpu.memory_space<vmem>>) dst(%dma_wait3A_126 : memref<10112x128xf32, #tpu.memory_space<vmem_shared>>)
    }
    %scan3A_12 = arith.constant 20 : i32
    %mul3A_13 = arith.constant 80 : i32
    %mul3A_14 = arith.muli %arg1, %mul3A_13 : i32
    %add3A_15 = arith.constant 40 : i32
    %add3A_16 = arith.addi %mul3A_14, %add3A_15 : i32
    "tpu.region"() ({
      %run_scoped3A = tpu.sem_alloc : memref<!tpu.dma_semaphore, #tpu.memory_space<semaphore_mem>>
      %dma_start3A = arith.constant 0 : i32
      %dma_start3A_28 = tpu.memref_slice %arg3[%arg0, %add3A_16, %dma_start3A] : memref<2x1280x128xi32, #tpu.memory_space<hbm>> -> memref<1x40x128xi32, #tpu.memory_space<hbm>>
      %dma_start3A_29 = tpu.memref_squeeze %dma_start3A_28 : memref<1x40x128xi32, #tpu.memory_space<hbm>> -> memref<40x128xi32, #tpu.memory_space<hbm>>
      %dma_start3A_30 = arith.constant 0 : i32
      %dma_start3A_31 = tpu.memref_slice %arg3[%arg0, %add3A_16, %dma_start3A_30] : memref<2x1280x128xi32, #tpu.memory_space<hbm>> -> memref<1x40x128xi32, #tpu.memory_space<hbm>>
      %dma_start3A_32 = tpu.memref_squeeze %dma_start3A_31 : memref<1x40x128xi32, #tpu.memory_space<hbm>> -> memref<40x128xi32, #tpu.memory_space<hbm>>
      tpu.enqueue_dma source(%dma_start3A_32 : memref<40x128xi32, #tpu.memory_space<hbm>>) target(%arg7 : memref<40x128xi32, #tpu.memory_space<vmem>>) target_semaphore(%run_scoped3A : memref<!tpu.dma_semaphore, #tpu.memory_space<semaphore_mem>>)
      %dma_wait3A = arith.constant 0 : i32
      %dma_wait3A_33 = tpu.memref_slice %arg3[%arg0, %add3A_16, %dma_wait3A] : memref<2x1280x128xi32, #tpu.memory_space<hbm>> -> memref<1x40x128xi32, #tpu.memory_space<hbm>>
      %dma_wait3A_34 = tpu.memref_squeeze %dma_wait3A_33 : memref<1x40x128xi32, #tpu.memory_space<hbm>> -> memref<40x128xi32, #tpu.memory_space<hbm>>
      %dma_wait3A_35 = arith.constant 0 : i32
      %dma_wait3A_36 = tpu.memref_slice %arg3[%arg0, %add3A_16, %dma_wait3A_35] : memref<2x1280x128xi32, #tpu.memory_space<hbm>> -> memref<1x40x128xi32, #tpu.memory_space<hbm>>
      %dma_wait3A_37 = tpu.memref_squeeze %dma_wait3A_36 : memref<1x40x128xi32, #tpu.memory_space<hbm>> -> memref<40x128xi32, #tpu.memory_space<hbm>>
      tpu.wait_dma2 semaphore(%run_scoped3A : memref<!tpu.dma_semaphore, #tpu.memory_space<semaphore_mem>>) src(%dma_wait3A_37 : memref<40x128xi32, #tpu.memory_space<hbm>>) dst(%arg7 : memref<40x128xi32, #tpu.memory_space<vmem>>)
      tpu.yield
    }) : () -> ()
    %mul3A_17 = arith.constant 80 : i32
    %mul3A_18 = arith.muli %arg1, %mul3A_17 : i32
    %add3A_19 = arith.constant 40 : i32
    %add3A_20 = arith.addi %mul3A_18, %add3A_19 : i32
    "tpu.region"() ({
      %run_scoped3A = tpu.sem_alloc : memref<!tpu.dma_semaphore, #tpu.memory_space<semaphore_mem>>
      %dma_start3A = arith.constant 0 : i32
      %dma_start3A_28 = tpu.memref_slice %arg4[%add3A_20, %dma_start3A] : memref<1280x128xi32, #tpu.memory_space<hbm>> -> memref<40x128xi32, #tpu.memory_space<hbm>>
      %dma_start3A_29 = arith.constant 0 : i32
      %dma_start3A_30 = tpu.memref_slice %arg4[%add3A_20, %dma_start3A_29] : memref<1280x128xi32, #tpu.memory_space<hbm>> -> memref<40x128xi32, #tpu.memory_space<hbm>>
      tpu.enqueue_dma source(%dma_start3A_30 : memref<40x128xi32, #tpu.memory_space<hbm>>) target(%arg8 : memref<40x128xi32, #tpu.memory_space<vmem>>) target_semaphore(%run_scoped3A : memref<!tpu.dma_semaphore, #tpu.memory_space<semaphore_mem>>)
      %dma_wait3A = arith.constant 0 : i32
      %dma_wait3A_31 = tpu.memref_slice %arg4[%add3A_20, %dma_wait3A] : memref<1280x128xi32, #tpu.memory_space<hbm>> -> memref<40x128xi32, #tpu.memory_space<hbm>>
      %dma_wait3A_32 = arith.constant 0 : i32
      %dma_wait3A_33 = tpu.memref_slice %arg4[%add3A_20, %dma_wait3A_32] : memref<1280x128xi32, #tpu.memory_space<hbm>> -> memref<40x128xi32, #tpu.memory_space<hbm>>
      tpu.wait_dma2 semaphore(%run_scoped3A : memref<!tpu.dma_semaphore, #tpu.memory_space<semaphore_mem>>) src(%dma_wait3A_33 : memref<40x128xi32, #tpu.memory_space<hbm>>) dst(%arg8 : memref<40x128xi32, #tpu.memory_space<vmem>>)
      tpu.yield
    }) : () -> ()
    %scan3A_21 = arith.constant 0 : i32
    %scan3A_22 = arith.constant 0 : i32
    %scan3A_23 = arith.constant 20 : i32
    %scan3A_24 = arith.addi %scan3A_22, %scan3A_23 : i32
    %scan3A_25 = arith.constant 1 : i32
    scf.for %scan3A_28 = %scan3A_22 to %scan3A_24 step %scan3A_25  : i32 {
      %mul3A_29 = arith.constant 2 : i32
      %mul3A_30 = arith.muli %mul3A_29, %scan3A_28 : i32
      %dma_start3A = arith.constant 0 : i32
      %dma_start3A_31 = arith.constant 0 : i32
      %dma_start3A_32 = arith.constant 0 : i32
      %dma_start3A_33 = tpu.memref_slice %arg9[%dma_start3A, %dma_start3A_31, %dma_start3A_32] : memref<2x128x128xf32, #tpu.memory_space<vmem>> -> memref<1x128x128xf32, #tpu.memory_space<vmem>>
      %dma_start3A_34 = tpu.memref_squeeze %dma_start3A_33 : memref<1x128x128xf32, #tpu.memory_space<vmem>> -> memref<128x128xf32, #tpu.memory_space<vmem>>
      %dma_start3A_35 = arith.constant 0 : i32
      %dma_start3A_36 = tpu.memref_slice %arg7[%mul3A_30, %dma_start3A_35] : memref<40x128xi32, #tpu.memory_space<vmem>> -> memref<1x128xi32, #tpu.memory_space<vmem>>
      %dma_start3A_37 = tpu.memref_squeeze %dma_start3A_36 : memref<1x128xi32, #tpu.memory_space<vmem>> -> memref<128xi32, #tpu.memory_space<vmem>>
      %dma_start3A_38 = arith.constant 0 : i32
      %dma_start3A_39 = arith.constant 0 : i32
      %dma_start3A_40 = tpu.memref_slice %arg2[%dma_start3A_38, %dma_start3A_39] : memref<20000x128xf32, #tpu.memory_space<hbm>> -> memref<20000x128xf32, #tpu.memory_space<hbm>>
      tpu.enqueue_indirect_dma source(%dma_start3A_40 : memref<20000x128xf32, #tpu.memory_space<hbm>>) target(%dma_start3A_34 : memref<128x128xf32, #tpu.memory_space<vmem>>) offsets(%dma_start3A_37 : memref<128xi32, #tpu.memory_space<vmem>>) semaphore(%arg11 : memref<!tpu.dma_semaphore, #tpu.memory_space<semaphore_mem>>)
      %mul3A_41 = arith.constant 2 : i32
      %mul3A_42 = arith.muli %mul3A_41, %scan3A_28 : i32
      %add3A_43 = arith.constant 1 : i32
      %add3A_44 = arith.addi %mul3A_42, %add3A_43 : i32
      %dma_start3A_45 = arith.constant 1 : i32
      %dma_start3A_46 = arith.constant 0 : i32
      %dma_start3A_47 = arith.constant 0 : i32
      %dma_start3A_48 = tpu.memref_slice %arg9[%dma_start3A_45, %dma_start3A_46, %dma_start3A_47] : memref<2x128x128xf32, #tpu.memory_space<vmem>> -> memref<1x128x128xf32, #tpu.memory_space<vmem>>
      %dma_start3A_49 = tpu.memref_squeeze %dma_start3A_48 : memref<1x128x128xf32, #tpu.memory_space<vmem>> -> memref<128x128xf32, #tpu.memory_space<vmem>>
      %dma_start3A_50 = arith.constant 0 : i32
      %dma_start3A_51 = tpu.memref_slice %arg7[%add3A_44, %dma_start3A_50] : memref<40x128xi32, #tpu.memory_space<vmem>> -> memref<1x128xi32, #tpu.memory_space<vmem>>
      %dma_start3A_52 = tpu.memref_squeeze %dma_start3A_51 : memref<1x128xi32, #tpu.memory_space<vmem>> -> memref<128xi32, #tpu.memory_space<vmem>>
      %dma_start3A_53 = arith.constant 0 : i32
      %dma_start3A_54 = arith.constant 0 : i32
      %dma_start3A_55 = tpu.memref_slice %arg2[%dma_start3A_53, %dma_start3A_54] : memref<20000x128xf32, #tpu.memory_space<hbm>> -> memref<20000x128xf32, #tpu.memory_space<hbm>>
      tpu.enqueue_indirect_dma source(%dma_start3A_55 : memref<20000x128xf32, #tpu.memory_space<hbm>>) target(%dma_start3A_49 : memref<128x128xf32, #tpu.memory_space<vmem>>) offsets(%dma_start3A_52 : memref<128xi32, #tpu.memory_space<vmem>>) semaphore(%arg12 : memref<!tpu.dma_semaphore, #tpu.memory_space<semaphore_mem>>)
      %dma_wait3A = arith.constant 0 : i32
      %dma_wait3A_56 = arith.constant 0 : i32
      %dma_wait3A_57 = arith.constant 0 : i32
      %dma_wait3A_58 = tpu.memref_slice %arg9[%dma_wait3A, %dma_wait3A_56, %dma_wait3A_57] : memref<2x128x128xf32, #tpu.memory_space<vmem>> -> memref<1x128x128xf32, #tpu.memory_space<vmem>>
      %dma_wait3A_59 = tpu.memref_squeeze %dma_wait3A_58 : memref<1x128x128xf32, #tpu.memory_space<vmem>> -> memref<128x128xf32, #tpu.memory_space<vmem>>
      %dma_wait3A_60 = arith.constant 0 : i32
      %dma_wait3A_61 = tpu.memref_slice %arg7[%mul3A_30, %dma_wait3A_60] : memref<40x128xi32, #tpu.memory_space<vmem>> -> memref<1x128xi32, #tpu.memory_space<vmem>>
      %dma_wait3A_62 = tpu.memref_squeeze %dma_wait3A_61 : memref<1x128xi32, #tpu.memory_space<vmem>> -> memref<128xi32, #tpu.memory_space<vmem>>
      %dma_wait3A_63 = arith.constant 0 : i32
      %dma_wait3A_64 = arith.constant 0 : i32
      %dma_wait3A_65 = tpu.memref_slice %arg2[%dma_wait3A_63, %dma_wait3A_64] : memref<20000x128xf32, #tpu.memory_space<hbm>> -> memref<20000x128xf32, #tpu.memory_space<hbm>>
      tpu.wait_indirect_dma semaphore(%arg11 : memref<!tpu.dma_semaphore, #tpu.memory_space<semaphore_mem>>) src(%dma_wait3A_65 : memref<20000x128xf32, #tpu.memory_space<hbm>>) dst(%dma_wait3A_59 : memref<128x128xf32, #tpu.memory_space<vmem>>)
      %mul3A_66 = arith.constant 2 : i32
      %mul3A_67 = arith.muli %mul3A_66, %scan3A_28 : i32
      %dma_start3A_68 = arith.constant 0 : i32
      %dma_start3A_69 = arith.constant 0 : i32
      %dma_start3A_70 = arith.constant 0 : i32
      %dma_start3A_71 = tpu.memref_slice %arg9[%dma_start3A_68, %dma_start3A_69, %dma_start3A_70] : memref<2x128x128xf32, #tpu.memory_space<vmem>> -> memref<1x128x128xf32, #tpu.memory_space<vmem>>
      %dma_start3A_72 = tpu.memref_squeeze %dma_start3A_71 : memref<1x128x128xf32, #tpu.memory_space<vmem>> -> memref<128x128xf32, #tpu.memory_space<vmem>>
      %dma_start3A_73 = arith.constant 0 : i32
      %dma_start3A_74 = tpu.memref_slice %arg8[%mul3A_67, %dma_start3A_73] : memref<40x128xi32, #tpu.memory_space<vmem>> -> memref<1x128xi32, #tpu.memory_space<vmem>>
      %dma_start3A_75 = tpu.memref_squeeze %dma_start3A_74 : memref<1x128xi32, #tpu.memory_space<vmem>> -> memref<128xi32, #tpu.memory_space<vmem>>
      %dma_start3A_76 = arith.constant 0 : i32
      %dma_start3A_77 = arith.constant 0 : i32
      %dma_start3A_78 = tpu.memref_slice %arg10[%dma_start3A_76, %dma_start3A_77] : memref<10112x128xf32, #tpu.memory_space<vmem_shared>> -> memref<10112x128xf32, #tpu.memory_space<vmem_shared>>
      tpu.enqueue_indirect_dma source(%dma_start3A_72 : memref<128x128xf32, #tpu.memory_space<vmem>>) target(%dma_start3A_78 : memref<10112x128xf32, #tpu.memory_space<vmem_shared>>) offsets(%dma_start3A_75 : memref<128xi32, #tpu.memory_space<vmem>>) semaphore(%arg13 : memref<!tpu.dma_semaphore, #tpu.memory_space<semaphore_mem>>) {add = true}
      %dma_wait3A_79 = arith.constant 1 : i32
      %dma_wait3A_80 = arith.constant 0 : i32
      %dma_wait3A_81 = arith.constant 0 : i32
      %dma_wait3A_82 = tpu.memref_slice %arg9[%dma_wait3A_79, %dma_wait3A_80, %dma_wait3A_81] : memref<2x128x128xf32, #tpu.memory_space<vmem>> -> memref<1x128x128xf32, #tpu.memory_space<vmem>>
      %dma_wait3A_83 = tpu.memref_squeeze %dma_wait3A_82 : memref<1x128x128xf32, #tpu.memory_space<vmem>> -> memref<128x128xf32, #tpu.memory_space<vmem>>
      %dma_wait3A_84 = arith.constant 0 : i32
      %dma_wait3A_85 = tpu.memref_slice %arg7[%add3A_44, %dma_wait3A_84] : memref<40x128xi32, #tpu.memory_space<vmem>> -> memref<1x128xi32, #tpu.memory_space<vmem>>
      %dma_wait3A_86 = tpu.memref_squeeze %dma_wait3A_85 : memref<1x128xi32, #tpu.memory_space<vmem>> -> memref<128xi32, #tpu.memory_space<vmem>>
      %dma_wait3A_87 = arith.constant 0 : i32
      %dma_wait3A_88 = arith.constant 0 : i32
      %dma_wait3A_89 = tpu.memref_slice %arg2[%dma_wait3A_87, %dma_wait3A_88] : memref<20000x128xf32, #tpu.memory_space<hbm>> -> memref<20000x128xf32, #tpu.memory_space<hbm>>
      tpu.wait_indirect_dma semaphore(%arg12 : memref<!tpu.dma_semaphore, #tpu.memory_space<semaphore_mem>>) src(%dma_wait3A_89 : memref<20000x128xf32, #tpu.memory_space<hbm>>) dst(%dma_wait3A_83 : memref<128x128xf32, #tpu.memory_space<vmem>>)
      %mul3A_90 = arith.constant 2 : i32
      %mul3A_91 = arith.muli %mul3A_90, %scan3A_28 : i32
      %add3A_92 = arith.constant 1 : i32
      %add3A_93 = arith.addi %mul3A_91, %add3A_92 : i32
      %dma_start3A_94 = arith.constant 1 : i32
      %dma_start3A_95 = arith.constant 0 : i32
      %dma_start3A_96 = arith.constant 0 : i32
      %dma_start3A_97 = tpu.memref_slice %arg9[%dma_start3A_94, %dma_start3A_95, %dma_start3A_96] : memref<2x128x128xf32, #tpu.memory_space<vmem>> -> memref<1x128x128xf32, #tpu.memory_space<vmem>>
      %dma_start3A_98 = tpu.memref_squeeze %dma_start3A_97 : memref<1x128x128xf32, #tpu.memory_space<vmem>> -> memref<128x128xf32, #tpu.memory_space<vmem>>
      %dma_start3A_99 = arith.constant 0 : i32
      %dma_start3A_100 = tpu.memref_slice %arg8[%add3A_93, %dma_start3A_99] : memref<40x128xi32, #tpu.memory_space<vmem>> -> memref<1x128xi32, #tpu.memory_space<vmem>>
      %dma_start3A_101 = tpu.memref_squeeze %dma_start3A_100 : memref<1x128xi32, #tpu.memory_space<vmem>> -> memref<128xi32, #tpu.memory_space<vmem>>
      %dma_start3A_102 = arith.constant 0 : i32
      %dma_start3A_103 = arith.constant 0 : i32
      %dma_start3A_104 = tpu.memref_slice %arg10[%dma_start3A_102, %dma_start3A_103] : memref<10112x128xf32, #tpu.memory_space<vmem_shared>> -> memref<10112x128xf32, #tpu.memory_space<vmem_shared>>
      tpu.enqueue_indirect_dma source(%dma_start3A_98 : memref<128x128xf32, #tpu.memory_space<vmem>>) target(%dma_start3A_104 : memref<10112x128xf32, #tpu.memory_space<vmem_shared>>) offsets(%dma_start3A_101 : memref<128xi32, #tpu.memory_space<vmem>>) semaphore(%arg14 : memref<!tpu.dma_semaphore, #tpu.memory_space<semaphore_mem>>) {add = true}
      %dma_wait3A_105 = arith.constant 0 : i32
      %dma_wait3A_106 = arith.constant 0 : i32
      %dma_wait3A_107 = arith.constant 0 : i32
      %dma_wait3A_108 = tpu.memref_slice %arg9[%dma_wait3A_105, %dma_wait3A_106, %dma_wait3A_107] : memref<2x128x128xf32, #tpu.memory_space<vmem>> -> memref<1x128x128xf32, #tpu.memory_space<vmem>>
      %dma_wait3A_109 = tpu.memref_squeeze %dma_wait3A_108 : memref<1x128x128xf32, #tpu.memory_space<vmem>> -> memref<128x128xf32, #tpu.memory_space<vmem>>
      %dma_wait3A_110 = arith.constant 0 : i32
      %dma_wait3A_111 = tpu.memref_slice %arg8[%mul3A_67, %dma_wait3A_110] : memref<40x128xi32, #tpu.memory_space<vmem>> -> memref<1x128xi32, #tpu.memory_space<vmem>>
      %dma_wait3A_112 = tpu.memref_squeeze %dma_wait3A_111 : memref<1x128xi32, #tpu.memory_space<vmem>> -> memref<128xi32, #tpu.memory_space<vmem>>
      %dma_wait3A_113 = arith.constant 0 : i32
      %dma_wait3A_114 = arith.constant 0 : i32
      %dma_wait3A_115 = tpu.memref_slice %arg10[%dma_wait3A_113, %dma_wait3A_114] : memref<10112x128xf32, #tpu.memory_space<vmem_shared>> -> memref<10112x128xf32, #tpu.memory_space<vmem_shared>>
      tpu.wait_indirect_dma semaphore(%arg13 : memref<!tpu.dma_semaphore, #tpu.memory_space<semaphore_mem>>) src(%dma_wait3A_109 : memref<128x128xf32, #tpu.memory_space<vmem>>) dst(%dma_wait3A_115 : memref<10112x128xf32, #tpu.memory_space<vmem_shared>>)
      %dma_wait3A_116 = arith.constant 1 : i32
      %dma_wait3A_117 = arith.constant 0 : i32
      %dma_wait3A_118 = arith.constant 0 : i32
      %dma_wait3A_119 = tpu.memref_slice %arg9[%dma_wait3A_116, %dma_wait3A_117, %dma_wait3A_118] : memref<2x128x128xf32, #tpu.memory_space<vmem>> -> memref<1x128x128xf32, #tpu.memory_space<vmem>>
      %dma_wait3A_120 = tpu.memref_squeeze %dma_wait3A_119 : memref<1x128x128xf32, #tpu.memory_space<vmem>> -> memref<128x128xf32, #tpu.memory_space<vmem>>
      %dma_wait3A_121 = arith.constant 0 : i32
      %dma_wait3A_122 = tpu.memref_slice %arg8[%add3A_93, %dma_wait3A_121] : memref<40x128xi32, #tpu.memory_space<vmem>> -> memref<1x128xi32, #tpu.memory_space<vmem>>
      %dma_wait3A_123 = tpu.memref_squeeze %dma_wait3A_122 : memref<1x128xi32, #tpu.memory_space<vmem>> -> memref<128xi32, #tpu.memory_space<vmem>>
      %dma_wait3A_124 = arith.constant 0 : i32
      %dma_wait3A_125 = arith.constant 0 : i32
      %dma_wait3A_126 = tpu.memref_slice %arg10[%dma_wait3A_124, %dma_wait3A_125] : memref<10112x128xf32, #tpu.memory_space<vmem_shared>> -> memref<10112x128xf32, #tpu.memory_space<vmem_shared>>
      tpu.wait_indirect_dma semaphore(%arg14 : memref<!tpu.dma_semaphore, #tpu.memory_space<semaphore_mem>>) src(%dma_wait3A_120 : memref<128x128xf32, #tpu.memory_space<vmem>>) dst(%dma_wait3A_126 : memref<10112x128xf32, #tpu.memory_space<vmem_shared>>)
    }
    %scan3A_26 = arith.constant 20 : i32
    %barrier3A_27 = arith.constant 0 : index
    tpu.barrier barrier_id(%barrier3A_27)
    "tpu.region"() ({
      %run_scoped3A = tpu.sem_alloc : memref<!tpu.dma_semaphore, #tpu.memory_space<semaphore_mem>>
      %dma_start3A = arith.constant 0 : i32
      %dma_start3A_28 = tpu.memref_slice %arg6[%arg0, %mul3A_0, %dma_start3A] : memref<2x10112x128xf32, #tpu.memory_space<hbm>> -> memref<1x632x128xf32, #tpu.memory_space<hbm>>
      %dma_start3A_29 = tpu.memref_squeeze %dma_start3A_28 : memref<1x632x128xf32, #tpu.memory_space<hbm>> -> memref<632x128xf32, #tpu.memory_space<hbm>>
      %dma_start3A_30 = arith.constant 0 : i32
      %dma_start3A_31 = tpu.memref_slice %arg10[%mul3A_0, %dma_start3A_30] : memref<10112x128xf32, #tpu.memory_space<vmem_shared>> -> memref<632x128xf32, #tpu.memory_space<vmem_shared>>
      tpu.enqueue_dma source(%dma_start3A_31 : memref<632x128xf32, #tpu.memory_space<vmem_shared>>) target(%dma_start3A_29 : memref<632x128xf32, #tpu.memory_space<hbm>>) target_semaphore(%run_scoped3A : memref<!tpu.dma_semaphore, #tpu.memory_space<semaphore_mem>>)
      %dma_wait3A = arith.constant 0 : i32
      %dma_wait3A_32 = tpu.memref_slice %arg6[%arg0, %mul3A_0, %dma_wait3A] : memref<2x10112x128xf32, #tpu.memory_space<hbm>> -> memref<1x632x128xf32, #tpu.memory_space<hbm>>
      %dma_wait3A_33 = tpu.memref_squeeze %dma_wait3A_32 : memref<1x632x128xf32, #tpu.memory_space<hbm>> -> memref<632x128xf32, #tpu.memory_space<hbm>>
      %dma_wait3A_34 = arith.constant 0 : i32
      %dma_wait3A_35 = tpu.memref_slice %arg10[%mul3A_0, %dma_wait3A_34] : memref<10112x128xf32, #tpu.memory_space<vmem_shared>> -> memref<632x128xf32, #tpu.memory_space<vmem_shared>>
      tpu.wait_dma2 semaphore(%run_scoped3A : memref<!tpu.dma_semaphore, #tpu.memory_space<semaphore_mem>>) src(%dma_wait3A_35 : memref<632x128xf32, #tpu.memory_space<vmem_shared>>) dst(%dma_wait3A_33 : memref<632x128xf32, #tpu.memory_space<hbm>>)
      tpu.yield
    }) : () -> ()
    return
  }
}

#map = affine_map<(d0, d1) -> (0, 0)>
#map1 = affine_map<(d0, d1) -> (0, 0, 0)>
module attributes {stable_mosaic.version = 14 : i64} {
  func.func @_scat_body(%arg0: i32, %arg1: i32, %arg2: memref<20000x128xf32, #tpu.memory_space<hbm>>, %arg3: memref<2x1280x128xi32, #tpu.memory_space<hbm>>, %arg4: memref<1280x128xi32, #tpu.memory_space<hbm>>, %arg5: memref<10112x128xf32, #tpu.memory_space<hbm>>, %arg6: memref<2x10112x128xf32, #tpu.memory_space<hbm>>, %arg7: memref<40x128xi32, #tpu.memory_space<vmem>>, %arg8: memref<40x128xi32, #tpu.memory_space<vmem>>, %arg9: memref<2x128x128xf32, #tpu.memory_space<vmem>>, %arg10: memref<10112x128xf32, #tpu.memory_space<vmem_shared>>, %arg11: memref<!tpu.dma_semaphore, #tpu.memory_space<semaphore_mem>>, %arg12: memref<!tpu.dma_semaphore, #tpu.memory_space<semaphore_mem>>, %arg13: memref<!tpu.dma_semaphore, #tpu.memory_space<semaphore_mem>>, %arg14: memref<!tpu.dma_semaphore, #tpu.memory_space<semaphore_mem>>) attributes {dimension_semantics = [#tpu.dimension_semantics<core_parallel>, #tpu.dimension_semantics<subcore_parallel>], iteration_bounds = array<i64: 2, 16>, scalar_prefetch = 0 : i64, scratch_operands = 8 : i64, tpu.core_type = #tpu.core_type<sc_vector_subcore>, window_params = [{transform_indices = #map}, {transform_indices = #map1}, {transform_indices = #map}, {transform_indices = #map}, {transform_indices = #map1}]} {
    %mul3A = arith.constant 632 : i32
    %mul3A_0 = arith.muli %arg1, %mul3A : i32
    "tpu.region"() ({
      %run_scoped3A = tpu.sem_alloc : memref<!tpu.dma_semaphore, #tpu.memory_space<semaphore_mem>>
      %dma_start3A = arith.constant 0 : i32
      %dma_start3A_28 = tpu.memref_slice %arg10[%mul3A_0, %dma_start3A] : memref<10112x128xf32, #tpu.memory_space<vmem_shared>> -> memref<632x128xf32, #tpu.memory_space<vmem_shared>>
      %dma_start3A_29 = arith.constant 0 : i32
      %dma_start3A_30 = tpu.memref_slice %arg5[%mul3A_0, %dma_start3A_29] : memref<10112x128xf32, #tpu.memory_space<hbm>> -> memref<632x128xf32, #tpu.memory_space<hbm>>
      tpu.enqueue_dma source(%dma_start3A_30 : memref<632x128xf32, #tpu.memory_space<hbm>>) target(%dma_start3A_28 : memref<632x128xf32, #tpu.memory_space<vmem_shared>>) target_semaphore(%run_scoped3A : memref<!tpu.dma_semaphore, #tpu.memory_space<semaphore_mem>>)
      %dma_wait3A = arith.constant 0 : i32
      %dma_wait3A_31 = tpu.memref_slice %arg10[%mul3A_0, %dma_wait3A] : memref<10112x128xf32, #tpu.memory_space<vmem_shared>> -> memref<632x128xf32, #tpu.memory_space<vmem_shared>>
      %dma_wait3A_32 = arith.constant 0 : i32
      %dma_wait3A_33 = tpu.memref_slice %arg5[%mul3A_0, %dma_wait3A_32] : memref<10112x128xf32, #tpu.memory_space<hbm>> -> memref<632x128xf32, #tpu.memory_space<hbm>>
      tpu.wait_dma2 semaphore(%run_scoped3A : memref<!tpu.dma_semaphore, #tpu.memory_space<semaphore_mem>>) src(%dma_wait3A_33 : memref<632x128xf32, #tpu.memory_space<hbm>>) dst(%dma_wait3A_31 : memref<632x128xf32, #tpu.memory_space<vmem_shared>>)
      tpu.yield
    }) : () -> ()
    %mul3A_1 = arith.constant 80 : i32
    %mul3A_2 = arith.muli %arg1, %mul3A_1 : i32
    %add3A = arith.constant 0 : i32
    %add3A_3 = arith.addi %mul3A_2, %add3A : i32
    "tpu.region"() ({
      %run_scoped3A = tpu.sem_alloc : memref<!tpu.dma_semaphore, #tpu.memory_space<semaphore_mem>>
      %dma_start3A = arith.constant 0 : i32
      %dma_start3A_28 = tpu.memref_slice %arg3[%arg0, %add3A_3, %dma_start3A] : memref<2x1280x128xi32, #tpu.memory_space<hbm>> -> memref<1x40x128xi32, #tpu.memory_space<hbm>>
      %dma_start3A_29 = tpu.memref_squeeze %dma_start3A_28 : memref<1x40x128xi32, #tpu.memory_space<hbm>> -> memref<40x128xi32, #tpu.memory_space<hbm>>
      %dma_start3A_30 = arith.constant 0 : i32
      %dma_start3A_31 = tpu.memref_slice %arg3[%arg0, %add3A_3, %dma_start3A_30] : memref<2x1280x128xi32, #tpu.memory_space<hbm>> -> memref<1x40x128xi32, #tpu.memory_space<hbm>>
      %dma_start3A_32 = tpu.memref_squeeze %dma_start3A_31 : memref<1x40x128xi32, #tpu.memory_space<hbm>> -> memref<40x128xi32, #tpu.memory_space<hbm>>
      tpu.enqueue_dma source(%dma_start3A_32 : memref<40x128xi32, #tpu.memory_space<hbm>>) target(%arg7 : memref<40x128xi32, #tpu.memory_space<vmem>>) target_semaphore(%run_scoped3A : memref<!tpu.dma_semaphore, #tpu.memory_space<semaphore_mem>>)
      %dma_wait3A = arith.constant 0 : i32
      %dma_wait3A_33 = tpu.memref_slice %arg3[%arg0, %add3A_3, %dma_wait3A] : memref<2x1280x128xi32, #tpu.memory_space<hbm>> -> memref<1x40x128xi32, #tpu.memory_space<hbm>>
      %dma_wait3A_34 = tpu.memref_squeeze %dma_wait3A_33 : memref<1x40x128xi32, #tpu.memory_space<hbm>> -> memref<40x128xi32, #tpu.memory_space<hbm>>
      %dma_wait3A_35 = arith.constant 0 : i32
      %dma_wait3A_36 = tpu.memref_slice %arg3[%arg0, %add3A_3, %dma_wait3A_35] : memref<2x1280x128xi32, #tpu.memory_space<hbm>> -> memref<1x40x128xi32, #tpu.memory_space<hbm>>
      %dma_wait3A_37 = tpu.memref_squeeze %dma_wait3A_36 : memref<1x40x128xi32, #tpu.memory_space<hbm>> -> memref<40x128xi32, #tpu.memory_space<hbm>>
      tpu.wait_dma2 semaphore(%run_scoped3A : memref<!tpu.dma_semaphore, #tpu.memory_space<semaphore_mem>>) src(%dma_wait3A_37 : memref<40x128xi32, #tpu.memory_space<hbm>>) dst(%arg7 : memref<40x128xi32, #tpu.memory_space<vmem>>)
      tpu.yield
    }) : () -> ()
    %mul3A_4 = arith.constant 80 : i32
    %mul3A_5 = arith.muli %arg1, %mul3A_4 : i32
    %add3A_6 = arith.constant 0 : i32
    %add3A_7 = arith.addi %mul3A_5, %add3A_6 : i32
    "tpu.region"() ({
      %run_scoped3A = tpu.sem_alloc : memref<!tpu.dma_semaphore, #tpu.memory_space<semaphore_mem>>
      %dma_start3A = arith.constant 0 : i32
      %dma_start3A_28 = tpu.memref_slice %arg4[%add3A_7, %dma_start3A] : memref<1280x128xi32, #tpu.memory_space<hbm>> -> memref<40x128xi32, #tpu.memory_space<hbm>>
      %dma_start3A_29 = arith.constant 0 : i32
      %dma_start3A_30 = tpu.memref_slice %arg4[%add3A_7, %dma_start3A_29] : memref<1280x128xi32, #tpu.memory_space<hbm>> -> memref<40x128xi32, #tpu.memory_space<hbm>>
      tpu.enqueue_dma source(%dma_start3A_30 : memref<40x128xi32, #tpu.memory_space<hbm>>) target(%arg8 : memref<40x128xi32, #tpu.memory_space<vmem>>) target_semaphore(%run_scoped3A : memref<!tpu.dma_semaphore, #tpu.memory_space<semaphore_mem>>)
      %dma_wait3A = arith.constant 0 : i32
      %dma_wait3A_31 = tpu.memref_slice %arg4[%add3A_7, %dma_wait3A] : memref<1280x128xi32, #tpu.memory_space<hbm>> -> memref<40x128xi32, #tpu.memory_space<hbm>>
      %dma_wait3A_32 = arith.constant 0 : i32
      %dma_wait3A_33 = tpu.memref_slice %arg4[%add3A_7, %dma_wait3A_32] : memref<1280x128xi32, #tpu.memory_space<hbm>> -> memref<40x128xi32, #tpu.memory_space<hbm>>
      tpu.wait_dma2 semaphore(%run_scoped3A : memref<!tpu.dma_semaphore, #tpu.memory_space<semaphore_mem>>) src(%dma_wait3A_33 : memref<40x128xi32, #tpu.memory_space<hbm>>) dst(%arg8 : memref<40x128xi32, #tpu.memory_space<vmem>>)
      tpu.yield
    }) : () -> ()
    %barrier3A = arith.constant 0 : index
    tpu.barrier barrier_id(%barrier3A)
    %scan3A = arith.constant 0 : i32
    %scan3A_8 = arith.constant 0 : i32
    %scan3A_9 = arith.constant 20 : i32
    %scan3A_10 = arith.addi %scan3A_8, %scan3A_9 : i32
    %scan3A_11 = arith.constant 1 : i32
    scf.for %scan3A_28 = %scan3A_8 to %scan3A_10 step %scan3A_11  : i32 {
      %mul3A_29 = arith.constant 2 : i32
      %mul3A_30 = arith.muli %mul3A_29, %scan3A_28 : i32
      %dma_start3A = arith.constant 0 : i32
      %dma_start3A_31 = arith.constant 0 : i32
      %dma_start3A_32 = arith.constant 0 : i32
      %dma_start3A_33 = tpu.memref_slice %arg9[%dma_start3A, %dma_start3A_31, %dma_start3A_32] : memref<2x128x128xf32, #tpu.memory_space<vmem>> -> memref<1x128x128xf32, #tpu.memory_space<vmem>>
      %dma_start3A_34 = tpu.memref_squeeze %dma_start3A_33 : memref<1x128x128xf32, #tpu.memory_space<vmem>> -> memref<128x128xf32, #tpu.memory_space<vmem>>
      %dma_start3A_35 = arith.constant 0 : i32
      %dma_start3A_36 = tpu.memref_slice %arg7[%mul3A_30, %dma_start3A_35] : memref<40x128xi32, #tpu.memory_space<vmem>> -> memref<1x128xi32, #tpu.memory_space<vmem>>
      %dma_start3A_37 = tpu.memref_squeeze %dma_start3A_36 : memref<1x128xi32, #tpu.memory_space<vmem>> -> memref<128xi32, #tpu.memory_space<vmem>>
      %dma_start3A_38 = arith.constant 0 : i32
      %dma_start3A_39 = arith.constant 0 : i32
      %dma_start3A_40 = tpu.memref_slice %arg2[%dma_start3A_38, %dma_start3A_39] : memref<20000x128xf32, #tpu.memory_space<hbm>> -> memref<20000x128xf32, #tpu.memory_space<hbm>>
      tpu.enqueue_indirect_dma source(%dma_start3A_40 : memref<20000x128xf32, #tpu.memory_space<hbm>>) target(%dma_start3A_34 : memref<128x128xf32, #tpu.memory_space<vmem>>) offsets(%dma_start3A_37 : memref<128xi32, #tpu.memory_space<vmem>>) semaphore(%arg11 : memref<!tpu.dma_semaphore, #tpu.memory_space<semaphore_mem>>)
      %mul3A_41 = arith.constant 2 : i32
      %mul3A_42 = arith.muli %mul3A_41, %scan3A_28 : i32
      %add3A_43 = arith.constant 1 : i32
      %add3A_44 = arith.addi %mul3A_42, %add3A_43 : i32
      %dma_start3A_45 = arith.constant 1 : i32
      %dma_start3A_46 = arith.constant 0 : i32
      %dma_start3A_47 = arith.constant 0 : i32
      %dma_start3A_48 = tpu.memref_slice %arg9[%dma_start3A_45, %dma_start3A_46, %dma_start3A_47] : memref<2x128x128xf32, #tpu.memory_space<vmem>> -> memref<1x128x128xf32, #tpu.memory_space<vmem>>
      %dma_start3A_49 = tpu.memref_squeeze %dma_start3A_48 : memref<1x128x128xf32, #tpu.memory_space<vmem>> -> memref<128x128xf32, #tpu.memory_space<vmem>>
      %dma_start3A_50 = arith.constant 0 : i32
      %dma_start3A_51 = tpu.memref_slice %arg7[%add3A_44, %dma_start3A_50] : memref<40x128xi32, #tpu.memory_space<vmem>> -> memref<1x128xi32, #tpu.memory_space<vmem>>
      %dma_start3A_52 = tpu.memref_squeeze %dma_start3A_51 : memref<1x128xi32, #tpu.memory_space<vmem>> -> memref<128xi32, #tpu.memory_space<vmem>>
      %dma_start3A_53 = arith.constant 0 : i32
      %dma_start3A_54 = arith.constant 0 : i32
      %dma_start3A_55 = tpu.memref_slice %arg2[%dma_start3A_53, %dma_start3A_54] : memref<20000x128xf32, #tpu.memory_space<hbm>> -> memref<20000x128xf32, #tpu.memory_space<hbm>>
      tpu.enqueue_indirect_dma source(%dma_start3A_55 : memref<20000x128xf32, #tpu.memory_space<hbm>>) target(%dma_start3A_49 : memref<128x128xf32, #tpu.memory_space<vmem>>) offsets(%dma_start3A_52 : memref<128xi32, #tpu.memory_space<vmem>>) semaphore(%arg12 : memref<!tpu.dma_semaphore, #tpu.memory_space<semaphore_mem>>)
      %dma_wait3A = arith.constant 0 : i32
      %dma_wait3A_56 = arith.constant 0 : i32
      %dma_wait3A_57 = arith.constant 0 : i32
      %dma_wait3A_58 = tpu.memref_slice %arg9[%dma_wait3A, %dma_wait3A_56, %dma_wait3A_57] : memref<2x128x128xf32, #tpu.memory_space<vmem>> -> memref<1x128x128xf32, #tpu.memory_space<vmem>>
      %dma_wait3A_59 = tpu.memref_squeeze %dma_wait3A_58 : memref<1x128x128xf32, #tpu.memory_space<vmem>> -> memref<128x128xf32, #tpu.memory_space<vmem>>
      %dma_wait3A_60 = arith.constant 0 : i32
      %dma_wait3A_61 = tpu.memref_slice %arg7[%mul3A_30, %dma_wait3A_60] : memref<40x128xi32, #tpu.memory_space<vmem>> -> memref<1x128xi32, #tpu.memory_space<vmem>>
      %dma_wait3A_62 = tpu.memref_squeeze %dma_wait3A_61 : memref<1x128xi32, #tpu.memory_space<vmem>> -> memref<128xi32, #tpu.memory_space<vmem>>
      %dma_wait3A_63 = arith.constant 0 : i32
      %dma_wait3A_64 = arith.constant 0 : i32
      %dma_wait3A_65 = tpu.memref_slice %arg2[%dma_wait3A_63, %dma_wait3A_64] : memref<20000x128xf32, #tpu.memory_space<hbm>> -> memref<20000x128xf32, #tpu.memory_space<hbm>>
      tpu.wait_indirect_dma semaphore(%arg11 : memref<!tpu.dma_semaphore, #tpu.memory_space<semaphore_mem>>) src(%dma_wait3A_65 : memref<20000x128xf32, #tpu.memory_space<hbm>>) dst(%dma_wait3A_59 : memref<128x128xf32, #tpu.memory_space<vmem>>)
      %mul3A_66 = arith.constant 2 : i32
      %mul3A_67 = arith.muli %mul3A_66, %scan3A_28 : i32
      %dma_start3A_68 = arith.constant 0 : i32
      %dma_start3A_69 = arith.constant 0 : i32
      %dma_start3A_70 = arith.constant 0 : i32
      %dma_start3A_71 = tpu.memref_slice %arg9[%dma_start3A_68, %dma_start3A_69, %dma_start3A_70] : memref<2x128x128xf32, #tpu.memory_space<vmem>> -> memref<1x128x128xf32, #tpu.memory_space<vmem>>
      %dma_start3A_72 = tpu.memref_squeeze %dma_start3A_71 : memref<1x128x128xf32, #tpu.memory_space<vmem>> -> memref<128x128xf32, #tpu.memory_space<vmem>>
      %dma_start3A_73 = arith.constant 0 : i32
      %dma_start3A_74 = tpu.memref_slice %arg8[%mul3A_67, %dma_start3A_73] : memref<40x128xi32, #tpu.memory_space<vmem>> -> memref<1x128xi32, #tpu.memory_space<vmem>>
      %dma_start3A_75 = tpu.memref_squeeze %dma_start3A_74 : memref<1x128xi32, #tpu.memory_space<vmem>> -> memref<128xi32, #tpu.memory_space<vmem>>
      %dma_start3A_76 = arith.constant 0 : i32
      %dma_start3A_77 = arith.constant 0 : i32
      %dma_start3A_78 = tpu.memref_slice %arg10[%dma_start3A_76, %dma_start3A_77] : memref<10112x128xf32, #tpu.memory_space<vmem_shared>> -> memref<10112x128xf32, #tpu.memory_space<vmem_shared>>
      tpu.enqueue_indirect_dma source(%dma_start3A_72 : memref<128x128xf32, #tpu.memory_space<vmem>>) target(%dma_start3A_78 : memref<10112x128xf32, #tpu.memory_space<vmem_shared>>) offsets(%dma_start3A_75 : memref<128xi32, #tpu.memory_space<vmem>>) semaphore(%arg13 : memref<!tpu.dma_semaphore, #tpu.memory_space<semaphore_mem>>) {add = true}
      %dma_wait3A_79 = arith.constant 1 : i32
      %dma_wait3A_80 = arith.constant 0 : i32
      %dma_wait3A_81 = arith.constant 0 : i32
      %dma_wait3A_82 = tpu.memref_slice %arg9[%dma_wait3A_79, %dma_wait3A_80, %dma_wait3A_81] : memref<2x128x128xf32, #tpu.memory_space<vmem>> -> memref<1x128x128xf32, #tpu.memory_space<vmem>>
      %dma_wait3A_83 = tpu.memref_squeeze %dma_wait3A_82 : memref<1x128x128xf32, #tpu.memory_space<vmem>> -> memref<128x128xf32, #tpu.memory_space<vmem>>
      %dma_wait3A_84 = arith.constant 0 : i32
      %dma_wait3A_85 = tpu.memref_slice %arg7[%add3A_44, %dma_wait3A_84] : memref<40x128xi32, #tpu.memory_space<vmem>> -> memref<1x128xi32, #tpu.memory_space<vmem>>
      %dma_wait3A_86 = tpu.memref_squeeze %dma_wait3A_85 : memref<1x128xi32, #tpu.memory_space<vmem>> -> memref<128xi32, #tpu.memory_space<vmem>>
      %dma_wait3A_87 = arith.constant 0 : i32
      %dma_wait3A_88 = arith.constant 0 : i32
      %dma_wait3A_89 = tpu.memref_slice %arg2[%dma_wait3A_87, %dma_wait3A_88] : memref<20000x128xf32, #tpu.memory_space<hbm>> -> memref<20000x128xf32, #tpu.memory_space<hbm>>
      tpu.wait_indirect_dma semaphore(%arg12 : memref<!tpu.dma_semaphore, #tpu.memory_space<semaphore_mem>>) src(%dma_wait3A_89 : memref<20000x128xf32, #tpu.memory_space<hbm>>) dst(%dma_wait3A_83 : memref<128x128xf32, #tpu.memory_space<vmem>>)
      %mul3A_90 = arith.constant 2 : i32
      %mul3A_91 = arith.muli %mul3A_90, %scan3A_28 : i32
      %add3A_92 = arith.constant 1 : i32
      %add3A_93 = arith.addi %mul3A_91, %add3A_92 : i32
      %dma_start3A_94 = arith.constant 1 : i32
      %dma_start3A_95 = arith.constant 0 : i32
      %dma_start3A_96 = arith.constant 0 : i32
      %dma_start3A_97 = tpu.memref_slice %arg9[%dma_start3A_94, %dma_start3A_95, %dma_start3A_96] : memref<2x128x128xf32, #tpu.memory_space<vmem>> -> memref<1x128x128xf32, #tpu.memory_space<vmem>>
      %dma_start3A_98 = tpu.memref_squeeze %dma_start3A_97 : memref<1x128x128xf32, #tpu.memory_space<vmem>> -> memref<128x128xf32, #tpu.memory_space<vmem>>
      %dma_start3A_99 = arith.constant 0 : i32
      %dma_start3A_100 = tpu.memref_slice %arg8[%add3A_93, %dma_start3A_99] : memref<40x128xi32, #tpu.memory_space<vmem>> -> memref<1x128xi32, #tpu.memory_space<vmem>>
      %dma_start3A_101 = tpu.memref_squeeze %dma_start3A_100 : memref<1x128xi32, #tpu.memory_space<vmem>> -> memref<128xi32, #tpu.memory_space<vmem>>
      %dma_start3A_102 = arith.constant 0 : i32
      %dma_start3A_103 = arith.constant 0 : i32
      %dma_start3A_104 = tpu.memref_slice %arg10[%dma_start3A_102, %dma_start3A_103] : memref<10112x128xf32, #tpu.memory_space<vmem_shared>> -> memref<10112x128xf32, #tpu.memory_space<vmem_shared>>
      tpu.enqueue_indirect_dma source(%dma_start3A_98 : memref<128x128xf32, #tpu.memory_space<vmem>>) target(%dma_start3A_104 : memref<10112x128xf32, #tpu.memory_space<vmem_shared>>) offsets(%dma_start3A_101 : memref<128xi32, #tpu.memory_space<vmem>>) semaphore(%arg14 : memref<!tpu.dma_semaphore, #tpu.memory_space<semaphore_mem>>) {add = true}
      %dma_wait3A_105 = arith.constant 0 : i32
      %dma_wait3A_106 = arith.constant 0 : i32
      %dma_wait3A_107 = arith.constant 0 : i32
      %dma_wait3A_108 = tpu.memref_slice %arg9[%dma_wait3A_105, %dma_wait3A_106, %dma_wait3A_107] : memref<2x128x128xf32, #tpu.memory_space<vmem>> -> memref<1x128x128xf32, #tpu.memory_space<vmem>>
      %dma_wait3A_109 = tpu.memref_squeeze %dma_wait3A_108 : memref<1x128x128xf32, #tpu.memory_space<vmem>> -> memref<128x128xf32, #tpu.memory_space<vmem>>
      %dma_wait3A_110 = arith.constant 0 : i32
      %dma_wait3A_111 = tpu.memref_slice %arg8[%mul3A_67, %dma_wait3A_110] : memref<40x128xi32, #tpu.memory_space<vmem>> -> memref<1x128xi32, #tpu.memory_space<vmem>>
      %dma_wait3A_112 = tpu.memref_squeeze %dma_wait3A_111 : memref<1x128xi32, #tpu.memory_space<vmem>> -> memref<128xi32, #tpu.memory_space<vmem>>
      %dma_wait3A_113 = arith.constant 0 : i32
      %dma_wait3A_114 = arith.constant 0 : i32
      %dma_wait3A_115 = tpu.memref_slice %arg10[%dma_wait3A_113, %dma_wait3A_114] : memref<10112x128xf32, #tpu.memory_space<vmem_shared>> -> memref<10112x128xf32, #tpu.memory_space<vmem_shared>>
      tpu.wait_indirect_dma semaphore(%arg13 : memref<!tpu.dma_semaphore, #tpu.memory_space<semaphore_mem>>) src(%dma_wait3A_109 : memref<128x128xf32, #tpu.memory_space<vmem>>) dst(%dma_wait3A_115 : memref<10112x128xf32, #tpu.memory_space<vmem_shared>>)
      %dma_wait3A_116 = arith.constant 1 : i32
      %dma_wait3A_117 = arith.constant 0 : i32
      %dma_wait3A_118 = arith.constant 0 : i32
      %dma_wait3A_119 = tpu.memref_slice %arg9[%dma_wait3A_116, %dma_wait3A_117, %dma_wait3A_118] : memref<2x128x128xf32, #tpu.memory_space<vmem>> -> memref<1x128x128xf32, #tpu.memory_space<vmem>>
      %dma_wait3A_120 = tpu.memref_squeeze %dma_wait3A_119 : memref<1x128x128xf32, #tpu.memory_space<vmem>> -> memref<128x128xf32, #tpu.memory_space<vmem>>
      %dma_wait3A_121 = arith.constant 0 : i32
      %dma_wait3A_122 = tpu.memref_slice %arg8[%add3A_93, %dma_wait3A_121] : memref<40x128xi32, #tpu.memory_space<vmem>> -> memref<1x128xi32, #tpu.memory_space<vmem>>
      %dma_wait3A_123 = tpu.memref_squeeze %dma_wait3A_122 : memref<1x128xi32, #tpu.memory_space<vmem>> -> memref<128xi32, #tpu.memory_space<vmem>>
      %dma_wait3A_124 = arith.constant 0 : i32
      %dma_wait3A_125 = arith.constant 0 : i32
      %dma_wait3A_126 = tpu.memref_slice %arg10[%dma_wait3A_124, %dma_wait3A_125] : memref<10112x128xf32, #tpu.memory_space<vmem_shared>> -> memref<10112x128xf32, #tpu.memory_space<vmem_shared>>
      tpu.wait_indirect_dma semaphore(%arg14 : memref<!tpu.dma_semaphore, #tpu.memory_space<semaphore_mem>>) src(%dma_wait3A_120 : memref<128x128xf32, #tpu.memory_space<vmem>>) dst(%dma_wait3A_126 : memref<10112x128xf32, #tpu.memory_space<vmem_shared>>)
    }
    %scan3A_12 = arith.constant 20 : i32
    %mul3A_13 = arith.constant 80 : i32
    %mul3A_14 = arith.muli %arg1, %mul3A_13 : i32
    %add3A_15 = arith.constant 40 : i32
    %add3A_16 = arith.addi %mul3A_14, %add3A_15 : i32
    "tpu.region"() ({
      %run_scoped3A = tpu.sem_alloc : memref<!tpu.dma_semaphore, #tpu.memory_space<semaphore_mem>>
      %dma_start3A = arith.constant 0 : i32
      %dma_start3A_28 = tpu.memref_slice %arg3[%arg0, %add3A_16, %dma_start3A] : memref<2x1280x128xi32, #tpu.memory_space<hbm>> -> memref<1x40x128xi32, #tpu.memory_space<hbm>>
      %dma_start3A_29 = tpu.memref_squeeze %dma_start3A_28 : memref<1x40x128xi32, #tpu.memory_space<hbm>> -> memref<40x128xi32, #tpu.memory_space<hbm>>
      %dma_start3A_30 = arith.constant 0 : i32
      %dma_start3A_31 = tpu.memref_slice %arg3[%arg0, %add3A_16, %dma_start3A_30] : memref<2x1280x128xi32, #tpu.memory_space<hbm>> -> memref<1x40x128xi32, #tpu.memory_space<hbm>>
      %dma_start3A_32 = tpu.memref_squeeze %dma_start3A_31 : memref<1x40x128xi32, #tpu.memory_space<hbm>> -> memref<40x128xi32, #tpu.memory_space<hbm>>
      tpu.enqueue_dma source(%dma_start3A_32 : memref<40x128xi32, #tpu.memory_space<hbm>>) target(%arg7 : memref<40x128xi32, #tpu.memory_space<vmem>>) target_semaphore(%run_scoped3A : memref<!tpu.dma_semaphore, #tpu.memory_space<semaphore_mem>>)
      %dma_wait3A = arith.constant 0 : i32
      %dma_wait3A_33 = tpu.memref_slice %arg3[%arg0, %add3A_16, %dma_wait3A] : memref<2x1280x128xi32, #tpu.memory_space<hbm>> -> memref<1x40x128xi32, #tpu.memory_space<hbm>>
      %dma_wait3A_34 = tpu.memref_squeeze %dma_wait3A_33 : memref<1x40x128xi32, #tpu.memory_space<hbm>> -> memref<40x128xi32, #tpu.memory_space<hbm>>
      %dma_wait3A_35 = arith.constant 0 : i32
      %dma_wait3A_36 = tpu.memref_slice %arg3[%arg0, %add3A_16, %dma_wait3A_35] : memref<2x1280x128xi32, #tpu.memory_space<hbm>> -> memref<1x40x128xi32, #tpu.memory_space<hbm>>
      %dma_wait3A_37 = tpu.memref_squeeze %dma_wait3A_36 : memref<1x40x128xi32, #tpu.memory_space<hbm>> -> memref<40x128xi32, #tpu.memory_space<hbm>>
      tpu.wait_dma2 semaphore(%run_scoped3A : memref<!tpu.dma_semaphore, #tpu.memory_space<semaphore_mem>>) src(%dma_wait3A_37 : memref<40x128xi32, #tpu.memory_space<hbm>>) dst(%arg7 : memref<40x128xi32, #tpu.memory_space<vmem>>)
      tpu.yield
    }) : () -> ()
    %mul3A_17 = arith.constant 80 : i32
    %mul3A_18 = arith.muli %arg1, %mul3A_17 : i32
    %add3A_19 = arith.constant 40 : i32
    %add3A_20 = arith.addi %mul3A_18, %add3A_19 : i32
    "tpu.region"() ({
      %run_scoped3A = tpu.sem_alloc : memref<!tpu.dma_semaphore, #tpu.memory_space<semaphore_mem>>
      %dma_start3A = arith.constant 0 : i32
      %dma_start3A_28 = tpu.memref_slice %arg4[%add3A_20, %dma_start3A] : memref<1280x128xi32, #tpu.memory_space<hbm>> -> memref<40x128xi32, #tpu.memory_space<hbm>>
      %dma_start3A_29 = arith.constant 0 : i32
      %dma_start3A_30 = tpu.memref_slice %arg4[%add3A_20, %dma_start3A_29] : memref<1280x128xi32, #tpu.memory_space<hbm>> -> memref<40x128xi32, #tpu.memory_space<hbm>>
      tpu.enqueue_dma source(%dma_start3A_30 : memref<40x128xi32, #tpu.memory_space<hbm>>) target(%arg8 : memref<40x128xi32, #tpu.memory_space<vmem>>) target_semaphore(%run_scoped3A : memref<!tpu.dma_semaphore, #tpu.memory_space<semaphore_mem>>)
      %dma_wait3A = arith.constant 0 : i32
      %dma_wait3A_31 = tpu.memref_slice %arg4[%add3A_20, %dma_wait3A] : memref<1280x128xi32, #tpu.memory_space<hbm>> -> memref<40x128xi32, #tpu.memory_space<hbm>>
      %dma_wait3A_32 = arith.constant 0 : i32
      %dma_wait3A_33 = tpu.memref_slice %arg4[%add3A_20, %dma_wait3A_32] : memref<1280x128xi32, #tpu.memory_space<hbm>> -> memref<40x128xi32, #tpu.memory_space<hbm>>
      tpu.wait_dma2 semaphore(%run_scoped3A : memref<!tpu.dma_semaphore, #tpu.memory_space<semaphore_mem>>) src(%dma_wait3A_33 : memref<40x128xi32, #tpu.memory_space<hbm>>) dst(%arg8 : memref<40x128xi32, #tpu.memory_space<vmem>>)
      tpu.yield
    }) : () -> ()
    %scan3A_21 = arith.constant 0 : i32
    %scan3A_22 = arith.constant 0 : i32
    %scan3A_23 = arith.constant 20 : i32
    %scan3A_24 = arith.addi %scan3A_22, %scan3A_23 : i32
    %scan3A_25 = arith.constant 1 : i32
    scf.for %scan3A_28 = %scan3A_22 to %scan3A_24 step %scan3A_25  : i32 {
      %mul3A_29 = arith.constant 2 : i32
      %mul3A_30 = arith.muli %mul3A_29, %scan3A_28 : i32
      %dma_start3A = arith.constant 0 : i32
      %dma_start3A_31 = arith.constant 0 : i32
      %dma_start3A_32 = arith.constant 0 : i32
      %dma_start3A_33 = tpu.memref_slice %arg9[%dma_start3A, %dma_start3A_31, %dma_start3A_32] : memref<2x128x128xf32, #tpu.memory_space<vmem>> -> memref<1x128x128xf32, #tpu.memory_space<vmem>>
      %dma_start3A_34 = tpu.memref_squeeze %dma_start3A_33 : memref<1x128x128xf32, #tpu.memory_space<vmem>> -> memref<128x128xf32, #tpu.memory_space<vmem>>
      %dma_start3A_35 = arith.constant 0 : i32
      %dma_start3A_36 = tpu.memref_slice %arg7[%mul3A_30, %dma_start3A_35] : memref<40x128xi32, #tpu.memory_space<vmem>> -> memref<1x128xi32, #tpu.memory_space<vmem>>
      %dma_start3A_37 = tpu.memref_squeeze %dma_start3A_36 : memref<1x128xi32, #tpu.memory_space<vmem>> -> memref<128xi32, #tpu.memory_space<vmem>>
      %dma_start3A_38 = arith.constant 0 : i32
      %dma_start3A_39 = arith.constant 0 : i32
      %dma_start3A_40 = tpu.memref_slice %arg2[%dma_start3A_38, %dma_start3A_39] : memref<20000x128xf32, #tpu.memory_space<hbm>> -> memref<20000x128xf32, #tpu.memory_space<hbm>>
      tpu.enqueue_indirect_dma source(%dma_start3A_40 : memref<20000x128xf32, #tpu.memory_space<hbm>>) target(%dma_start3A_34 : memref<128x128xf32, #tpu.memory_space<vmem>>) offsets(%dma_start3A_37 : memref<128xi32, #tpu.memory_space<vmem>>) semaphore(%arg11 : memref<!tpu.dma_semaphore, #tpu.memory_space<semaphore_mem>>)
      %mul3A_41 = arith.constant 2 : i32
      %mul3A_42 = arith.muli %mul3A_41, %scan3A_28 : i32
      %add3A_43 = arith.constant 1 : i32
      %add3A_44 = arith.addi %mul3A_42, %add3A_43 : i32
      %dma_start3A_45 = arith.constant 1 : i32
      %dma_start3A_46 = arith.constant 0 : i32
      %dma_start3A_47 = arith.constant 0 : i32
      %dma_start3A_48 = tpu.memref_slice %arg9[%dma_start3A_45, %dma_start3A_46, %dma_start3A_47] : memref<2x128x128xf32, #tpu.memory_space<vmem>> -> memref<1x128x128xf32, #tpu.memory_space<vmem>>
      %dma_start3A_49 = tpu.memref_squeeze %dma_start3A_48 : memref<1x128x128xf32, #tpu.memory_space<vmem>> -> memref<128x128xf32, #tpu.memory_space<vmem>>
      %dma_start3A_50 = arith.constant 0 : i32
      %dma_start3A_51 = tpu.memref_slice %arg7[%add3A_44, %dma_start3A_50] : memref<40x128xi32, #tpu.memory_space<vmem>> -> memref<1x128xi32, #tpu.memory_space<vmem>>
      %dma_start3A_52 = tpu.memref_squeeze %dma_start3A_51 : memref<1x128xi32, #tpu.memory_space<vmem>> -> memref<128xi32, #tpu.memory_space<vmem>>
      %dma_start3A_53 = arith.constant 0 : i32
      %dma_start3A_54 = arith.constant 0 : i32
      %dma_start3A_55 = tpu.memref_slice %arg2[%dma_start3A_53, %dma_start3A_54] : memref<20000x128xf32, #tpu.memory_space<hbm>> -> memref<20000x128xf32, #tpu.memory_space<hbm>>
      tpu.enqueue_indirect_dma source(%dma_start3A_55 : memref<20000x128xf32, #tpu.memory_space<hbm>>) target(%dma_start3A_49 : memref<128x128xf32, #tpu.memory_space<vmem>>) offsets(%dma_start3A_52 : memref<128xi32, #tpu.memory_space<vmem>>) semaphore(%arg12 : memref<!tpu.dma_semaphore, #tpu.memory_space<semaphore_mem>>)
      %dma_wait3A = arith.constant 0 : i32
      %dma_wait3A_56 = arith.constant 0 : i32
      %dma_wait3A_57 = arith.constant 0 : i32
      %dma_wait3A_58 = tpu.memref_slice %arg9[%dma_wait3A, %dma_wait3A_56, %dma_wait3A_57] : memref<2x128x128xf32, #tpu.memory_space<vmem>> -> memref<1x128x128xf32, #tpu.memory_space<vmem>>
      %dma_wait3A_59 = tpu.memref_squeeze %dma_wait3A_58 : memref<1x128x128xf32, #tpu.memory_space<vmem>> -> memref<128x128xf32, #tpu.memory_space<vmem>>
      %dma_wait3A_60 = arith.constant 0 : i32
      %dma_wait3A_61 = tpu.memref_slice %arg7[%mul3A_30, %dma_wait3A_60] : memref<40x128xi32, #tpu.memory_space<vmem>> -> memref<1x128xi32, #tpu.memory_space<vmem>>
      %dma_wait3A_62 = tpu.memref_squeeze %dma_wait3A_61 : memref<1x128xi32, #tpu.memory_space<vmem>> -> memref<128xi32, #tpu.memory_space<vmem>>
      %dma_wait3A_63 = arith.constant 0 : i32
      %dma_wait3A_64 = arith.constant 0 : i32
      %dma_wait3A_65 = tpu.memref_slice %arg2[%dma_wait3A_63, %dma_wait3A_64] : memref<20000x128xf32, #tpu.memory_space<hbm>> -> memref<20000x128xf32, #tpu.memory_space<hbm>>
      tpu.wait_indirect_dma semaphore(%arg11 : memref<!tpu.dma_semaphore, #tpu.memory_space<semaphore_mem>>) src(%dma_wait3A_65 : memref<20000x128xf32, #tpu.memory_space<hbm>>) dst(%dma_wait3A_59 : memref<128x128xf32, #tpu.memory_space<vmem>>)
      %mul3A_66 = arith.constant 2 : i32
      %mul3A_67 = arith.muli %mul3A_66, %scan3A_28 : i32
      %dma_start3A_68 = arith.constant 0 : i32
      %dma_start3A_69 = arith.constant 0 : i32
      %dma_start3A_70 = arith.constant 0 : i32
      %dma_start3A_71 = tpu.memref_slice %arg9[%dma_start3A_68, %dma_start3A_69, %dma_start3A_70] : memref<2x128x128xf32, #tpu.memory_space<vmem>> -> memref<1x128x128xf32, #tpu.memory_space<vmem>>
      %dma_start3A_72 = tpu.memref_squeeze %dma_start3A_71 : memref<1x128x128xf32, #tpu.memory_space<vmem>> -> memref<128x128xf32, #tpu.memory_space<vmem>>
      %dma_start3A_73 = arith.constant 0 : i32
      %dma_start3A_74 = tpu.memref_slice %arg8[%mul3A_67, %dma_start3A_73] : memref<40x128xi32, #tpu.memory_space<vmem>> -> memref<1x128xi32, #tpu.memory_space<vmem>>
      %dma_start3A_75 = tpu.memref_squeeze %dma_start3A_74 : memref<1x128xi32, #tpu.memory_space<vmem>> -> memref<128xi32, #tpu.memory_space<vmem>>
      %dma_start3A_76 = arith.constant 0 : i32
      %dma_start3A_77 = arith.constant 0 : i32
      %dma_start3A_78 = tpu.memref_slice %arg10[%dma_start3A_76, %dma_start3A_77] : memref<10112x128xf32, #tpu.memory_space<vmem_shared>> -> memref<10112x128xf32, #tpu.memory_space<vmem_shared>>
      tpu.enqueue_indirect_dma source(%dma_start3A_72 : memref<128x128xf32, #tpu.memory_space<vmem>>) target(%dma_start3A_78 : memref<10112x128xf32, #tpu.memory_space<vmem_shared>>) offsets(%dma_start3A_75 : memref<128xi32, #tpu.memory_space<vmem>>) semaphore(%arg13 : memref<!tpu.dma_semaphore, #tpu.memory_space<semaphore_mem>>) {add = true}
      %dma_wait3A_79 = arith.constant 1 : i32
      %dma_wait3A_80 = arith.constant 0 : i32
      %dma_wait3A_81 = arith.constant 0 : i32
      %dma_wait3A_82 = tpu.memref_slice %arg9[%dma_wait3A_79, %dma_wait3A_80, %dma_wait3A_81] : memref<2x128x128xf32, #tpu.memory_space<vmem>> -> memref<1x128x128xf32, #tpu.memory_space<vmem>>
      %dma_wait3A_83 = tpu.memref_squeeze %dma_wait3A_82 : memref<1x128x128xf32, #tpu.memory_space<vmem>> -> memref<128x128xf32, #tpu.memory_space<vmem>>
      %dma_wait3A_84 = arith.constant 0 : i32
      %dma_wait3A_85 = tpu.memref_slice %arg7[%add3A_44, %dma_wait3A_84] : memref<40x128xi32, #tpu.memory_space<vmem>> -> memref<1x128xi32, #tpu.memory_space<vmem>>
      %dma_wait3A_86 = tpu.memref_squeeze %dma_wait3A_85 : memref<1x128xi32, #tpu.memory_space<vmem>> -> memref<128xi32, #tpu.memory_space<vmem>>
      %dma_wait3A_87 = arith.constant 0 : i32
      %dma_wait3A_88 = arith.constant 0 : i32
      %dma_wait3A_89 = tpu.memref_slice %arg2[%dma_wait3A_87, %dma_wait3A_88] : memref<20000x128xf32, #tpu.memory_space<hbm>> -> memref<20000x128xf32, #tpu.memory_space<hbm>>
      tpu.wait_indirect_dma semaphore(%arg12 : memref<!tpu.dma_semaphore, #tpu.memory_space<semaphore_mem>>) src(%dma_wait3A_89 : memref<20000x128xf32, #tpu.memory_space<hbm>>) dst(%dma_wait3A_83 : memref<128x128xf32, #tpu.memory_space<vmem>>)
      %mul3A_90 = arith.constant 2 : i32
      %mul3A_91 = arith.muli %mul3A_90, %scan3A_28 : i32
      %add3A_92 = arith.constant 1 : i32
      %add3A_93 = arith.addi %mul3A_91, %add3A_92 : i32
      %dma_start3A_94 = arith.constant 1 : i32
      %dma_start3A_95 = arith.constant 0 : i32
      %dma_start3A_96 = arith.constant 0 : i32
      %dma_start3A_97 = tpu.memref_slice %arg9[%dma_start3A_94, %dma_start3A_95, %dma_start3A_96] : memref<2x128x128xf32, #tpu.memory_space<vmem>> -> memref<1x128x128xf32, #tpu.memory_space<vmem>>
      %dma_start3A_98 = tpu.memref_squeeze %dma_start3A_97 : memref<1x128x128xf32, #tpu.memory_space<vmem>> -> memref<128x128xf32, #tpu.memory_space<vmem>>
      %dma_start3A_99 = arith.constant 0 : i32
      %dma_start3A_100 = tpu.memref_slice %arg8[%add3A_93, %dma_start3A_99] : memref<40x128xi32, #tpu.memory_space<vmem>> -> memref<1x128xi32, #tpu.memory_space<vmem>>
      %dma_start3A_101 = tpu.memref_squeeze %dma_start3A_100 : memref<1x128xi32, #tpu.memory_space<vmem>> -> memref<128xi32, #tpu.memory_space<vmem>>
      %dma_start3A_102 = arith.constant 0 : i32
      %dma_start3A_103 = arith.constant 0 : i32
      %dma_start3A_104 = tpu.memref_slice %arg10[%dma_start3A_102, %dma_start3A_103] : memref<10112x128xf32, #tpu.memory_space<vmem_shared>> -> memref<10112x128xf32, #tpu.memory_space<vmem_shared>>
      tpu.enqueue_indirect_dma source(%dma_start3A_98 : memref<128x128xf32, #tpu.memory_space<vmem>>) target(%dma_start3A_104 : memref<10112x128xf32, #tpu.memory_space<vmem_shared>>) offsets(%dma_start3A_101 : memref<128xi32, #tpu.memory_space<vmem>>) semaphore(%arg14 : memref<!tpu.dma_semaphore, #tpu.memory_space<semaphore_mem>>) {add = true}
      %dma_wait3A_105 = arith.constant 0 : i32
      %dma_wait3A_106 = arith.constant 0 : i32
      %dma_wait3A_107 = arith.constant 0 : i32
      %dma_wait3A_108 = tpu.memref_slice %arg9[%dma_wait3A_105, %dma_wait3A_106, %dma_wait3A_107] : memref<2x128x128xf32, #tpu.memory_space<vmem>> -> memref<1x128x128xf32, #tpu.memory_space<vmem>>
      %dma_wait3A_109 = tpu.memref_squeeze %dma_wait3A_108 : memref<1x128x128xf32, #tpu.memory_space<vmem>> -> memref<128x128xf32, #tpu.memory_space<vmem>>
      %dma_wait3A_110 = arith.constant 0 : i32
      %dma_wait3A_111 = tpu.memref_slice %arg8[%mul3A_67, %dma_wait3A_110] : memref<40x128xi32, #tpu.memory_space<vmem>> -> memref<1x128xi32, #tpu.memory_space<vmem>>
      %dma_wait3A_112 = tpu.memref_squeeze %dma_wait3A_111 : memref<1x128xi32, #tpu.memory_space<vmem>> -> memref<128xi32, #tpu.memory_space<vmem>>
      %dma_wait3A_113 = arith.constant 0 : i32
      %dma_wait3A_114 = arith.constant 0 : i32
      %dma_wait3A_115 = tpu.memref_slice %arg10[%dma_wait3A_113, %dma_wait3A_114] : memref<10112x128xf32, #tpu.memory_space<vmem_shared>> -> memref<10112x128xf32, #tpu.memory_space<vmem_shared>>
      tpu.wait_indirect_dma semaphore(%arg13 : memref<!tpu.dma_semaphore, #tpu.memory_space<semaphore_mem>>) src(%dma_wait3A_109 : memref<128x128xf32, #tpu.memory_space<vmem>>) dst(%dma_wait3A_115 : memref<10112x128xf32, #tpu.memory_space<vmem_shared>>)
      %dma_wait3A_116 = arith.constant 1 : i32
      %dma_wait3A_117 = arith.constant 0 : i32
      %dma_wait3A_118 = arith.constant 0 : i32
      %dma_wait3A_119 = tpu.memref_slice %arg9[%dma_wait3A_116, %dma_wait3A_117, %dma_wait3A_118] : memref<2x128x128xf32, #tpu.memory_space<vmem>> -> memref<1x128x128xf32, #tpu.memory_space<vmem>>
      %dma_wait3A_120 = tpu.memref_squeeze %dma_wait3A_119 : memref<1x128x128xf32, #tpu.memory_space<vmem>> -> memref<128x128xf32, #tpu.memory_space<vmem>>
      %dma_wait3A_121 = arith.constant 0 : i32
      %dma_wait3A_122 = tpu.memref_slice %arg8[%add3A_93, %dma_wait3A_121] : memref<40x128xi32, #tpu.memory_space<vmem>> -> memref<1x128xi32, #tpu.memory_space<vmem>>
      %dma_wait3A_123 = tpu.memref_squeeze %dma_wait3A_122 : memref<1x128xi32, #tpu.memory_space<vmem>> -> memref<128xi32, #tpu.memory_space<vmem>>
      %dma_wait3A_124 = arith.constant 0 : i32
      %dma_wait3A_125 = arith.constant 0 : i32
      %dma_wait3A_126 = tpu.memref_slice %arg10[%dma_wait3A_124, %dma_wait3A_125] : memref<10112x128xf32, #tpu.memory_space<vmem_shared>> -> memref<10112x128xf32, #tpu.memory_space<vmem_shared>>
      tpu.wait_indirect_dma semaphore(%arg14 : memref<!tpu.dma_semaphore, #tpu.memory_space<semaphore_mem>>) src(%dma_wait3A_120 : memref<128x128xf32, #tpu.memory_space<vmem>>) dst(%dma_wait3A_126 : memref<10112x128xf32, #tpu.memory_space<vmem_shared>>)
    }
    %scan3A_26 = arith.constant 20 : i32
    %barrier3A_27 = arith.constant 0 : index
    tpu.barrier barrier_id(%barrier3A_27)
    "tpu.region"() ({
      %run_scoped3A = tpu.sem_alloc : memref<!tpu.dma_semaphore, #tpu.memory_space<semaphore_mem>>
      %dma_start3A = arith.constant 0 : i32
      %dma_start3A_28 = tpu.memref_slice %arg6[%arg0, %mul3A_0, %dma_start3A] : memref<2x10112x128xf32, #tpu.memory_space<hbm>> -> memref<1x632x128xf32, #tpu.memory_space<hbm>>
      %dma_start3A_29 = tpu.memref_squeeze %dma_start3A_28 : memref<1x632x128xf32, #tpu.memory_space<hbm>> -> memref<632x128xf32, #tpu.memory_space<hbm>>
      %dma_start3A_30 = arith.constant 0 : i32
      %dma_start3A_31 = tpu.memref_slice %arg10[%mul3A_0, %dma_start3A_30] : memref<10112x128xf32, #tpu.memory_space<vmem_shared>> -> memref<632x128xf32, #tpu.memory_space<vmem_shared>>
      tpu.enqueue_dma source(%dma_start3A_31 : memref<632x128xf32, #tpu.memory_space<vmem_shared>>) target(%dma_start3A_29 : memref<632x128xf32, #tpu.memory_space<hbm>>) target_semaphore(%run_scoped3A : memref<!tpu.dma_semaphore, #tpu.memory_space<semaphore_mem>>)
      %dma_wait3A = arith.constant 0 : i32
      %dma_wait3A_32 = tpu.memref_slice %arg6[%arg0, %mul3A_0, %dma_wait3A] : memref<2x10112x128xf32, #tpu.memory_space<hbm>> -> memref<1x632x128xf32, #tpu.memory_space<hbm>>
      %dma_wait3A_33 = tpu.memref_squeeze %dma_wait3A_32 : memref<1x632x128xf32, #tpu.memory_space<hbm>> -> memref<632x128xf32, #tpu.memory_space<hbm>>
      %dma_wait3A_34 = arith.constant 0 : i32
      %dma_wait3A_35 = tpu.memref_slice %arg10[%mul3A_0, %dma_wait3A_34] : memref<10112x128xf32, #tpu.memory_space<vmem_shared>> -> memref<632x128xf32, #tpu.memory_space<vmem_shared>>
      tpu.wait_dma2 semaphore(%run_scoped3A : memref<!tpu.dma_semaphore, #tpu.memory_space<semaphore_mem>>) src(%dma_wait3A_35 : memref<632x128xf32, #tpu.memory_space<vmem_shared>>) dst(%dma_wait3A_33 : memref<632x128xf32, #tpu.memory_space<hbm>>)
      tpu.yield
    }) : () -> ()
    return
  }
}

#map = affine_map<(d0, d1) -> (0, 0)>
#map1 = affine_map<(d0, d1) -> (0, 0, 0)>
module attributes {stable_mosaic.version = 14 : i64} {
  func.func @_scat_body(%arg0: i32, %arg1: i32, %arg2: memref<20000x128xf32, #tpu.memory_space<hbm>>, %arg3: memref<2x1280x128xi32, #tpu.memory_space<hbm>>, %arg4: memref<1280x128xi32, #tpu.memory_space<hbm>>, %arg5: memref<10112x128xf32, #tpu.memory_space<hbm>>, %arg6: memref<2x10112x128xf32, #tpu.memory_space<hbm>>, %arg7: memref<40x128xi32, #tpu.memory_space<vmem>>, %arg8: memref<40x128xi32, #tpu.memory_space<vmem>>, %arg9: memref<2x128x128xf32, #tpu.memory_space<vmem>>, %arg10: memref<10112x128xf32, #tpu.memory_space<vmem_shared>>, %arg11: memref<!tpu.dma_semaphore, #tpu.memory_space<semaphore_mem>>, %arg12: memref<!tpu.dma_semaphore, #tpu.memory_space<semaphore_mem>>, %arg13: memref<!tpu.dma_semaphore, #tpu.memory_space<semaphore_mem>>, %arg14: memref<!tpu.dma_semaphore, #tpu.memory_space<semaphore_mem>>) attributes {dimension_semantics = [#tpu.dimension_semantics<core_parallel>, #tpu.dimension_semantics<subcore_parallel>], iteration_bounds = array<i64: 2, 16>, scalar_prefetch = 0 : i64, scratch_operands = 8 : i64, tpu.core_type = #tpu.core_type<sc_vector_subcore>, window_params = [{transform_indices = #map}, {transform_indices = #map1}, {transform_indices = #map}, {transform_indices = #map}, {transform_indices = #map1}]} {
    %mul3A = arith.constant 632 : i32
    %mul3A_0 = arith.muli %arg1, %mul3A : i32
    "tpu.region"() ({
      %run_scoped3A = tpu.sem_alloc : memref<!tpu.dma_semaphore, #tpu.memory_space<semaphore_mem>>
      %dma_start3A = arith.constant 0 : i32
      %dma_start3A_28 = tpu.memref_slice %arg10[%mul3A_0, %dma_start3A] : memref<10112x128xf32, #tpu.memory_space<vmem_shared>> -> memref<632x128xf32, #tpu.memory_space<vmem_shared>>
      %dma_start3A_29 = arith.constant 0 : i32
      %dma_start3A_30 = tpu.memref_slice %arg5[%mul3A_0, %dma_start3A_29] : memref<10112x128xf32, #tpu.memory_space<hbm>> -> memref<632x128xf32, #tpu.memory_space<hbm>>
      tpu.enqueue_dma source(%dma_start3A_30 : memref<632x128xf32, #tpu.memory_space<hbm>>) target(%dma_start3A_28 : memref<632x128xf32, #tpu.memory_space<vmem_shared>>) target_semaphore(%run_scoped3A : memref<!tpu.dma_semaphore, #tpu.memory_space<semaphore_mem>>)
      %dma_wait3A = arith.constant 0 : i32
      %dma_wait3A_31 = tpu.memref_slice %arg10[%mul3A_0, %dma_wait3A] : memref<10112x128xf32, #tpu.memory_space<vmem_shared>> -> memref<632x128xf32, #tpu.memory_space<vmem_shared>>
      %dma_wait3A_32 = arith.constant 0 : i32
      %dma_wait3A_33 = tpu.memref_slice %arg5[%mul3A_0, %dma_wait3A_32] : memref<10112x128xf32, #tpu.memory_space<hbm>> -> memref<632x128xf32, #tpu.memory_space<hbm>>
      tpu.wait_dma2 semaphore(%run_scoped3A : memref<!tpu.dma_semaphore, #tpu.memory_space<semaphore_mem>>) src(%dma_wait3A_33 : memref<632x128xf32, #tpu.memory_space<hbm>>) dst(%dma_wait3A_31 : memref<632x128xf32, #tpu.memory_space<vmem_shared>>)
      tpu.yield
    }) : () -> ()
    %mul3A_1 = arith.constant 80 : i32
    %mul3A_2 = arith.muli %arg1, %mul3A_1 : i32
    %add3A = arith.constant 0 : i32
    %add3A_3 = arith.addi %mul3A_2, %add3A : i32
    "tpu.region"() ({
      %run_scoped3A = tpu.sem_alloc : memref<!tpu.dma_semaphore, #tpu.memory_space<semaphore_mem>>
      %dma_start3A = arith.constant 0 : i32
      %dma_start3A_28 = tpu.memref_slice %arg3[%arg0, %add3A_3, %dma_start3A] : memref<2x1280x128xi32, #tpu.memory_space<hbm>> -> memref<1x40x128xi32, #tpu.memory_space<hbm>>
      %dma_start3A_29 = tpu.memref_squeeze %dma_start3A_28 : memref<1x40x128xi32, #tpu.memory_space<hbm>> -> memref<40x128xi32, #tpu.memory_space<hbm>>
      %dma_start3A_30 = arith.constant 0 : i32
      %dma_start3A_31 = tpu.memref_slice %arg3[%arg0, %add3A_3, %dma_start3A_30] : memref<2x1280x128xi32, #tpu.memory_space<hbm>> -> memref<1x40x128xi32, #tpu.memory_space<hbm>>
      %dma_start3A_32 = tpu.memref_squeeze %dma_start3A_31 : memref<1x40x128xi32, #tpu.memory_space<hbm>> -> memref<40x128xi32, #tpu.memory_space<hbm>>
      tpu.enqueue_dma source(%dma_start3A_32 : memref<40x128xi32, #tpu.memory_space<hbm>>) target(%arg7 : memref<40x128xi32, #tpu.memory_space<vmem>>) target_semaphore(%run_scoped3A : memref<!tpu.dma_semaphore, #tpu.memory_space<semaphore_mem>>)
      %dma_wait3A = arith.constant 0 : i32
      %dma_wait3A_33 = tpu.memref_slice %arg3[%arg0, %add3A_3, %dma_wait3A] : memref<2x1280x128xi32, #tpu.memory_space<hbm>> -> memref<1x40x128xi32, #tpu.memory_space<hbm>>
      %dma_wait3A_34 = tpu.memref_squeeze %dma_wait3A_33 : memref<1x40x128xi32, #tpu.memory_space<hbm>> -> memref<40x128xi32, #tpu.memory_space<hbm>>
      %dma_wait3A_35 = arith.constant 0 : i32
      %dma_wait3A_36 = tpu.memref_slice %arg3[%arg0, %add3A_3, %dma_wait3A_35] : memref<2x1280x128xi32, #tpu.memory_space<hbm>> -> memref<1x40x128xi32, #tpu.memory_space<hbm>>
      %dma_wait3A_37 = tpu.memref_squeeze %dma_wait3A_36 : memref<1x40x128xi32, #tpu.memory_space<hbm>> -> memref<40x128xi32, #tpu.memory_space<hbm>>
      tpu.wait_dma2 semaphore(%run_scoped3A : memref<!tpu.dma_semaphore, #tpu.memory_space<semaphore_mem>>) src(%dma_wait3A_37 : memref<40x128xi32, #tpu.memory_space<hbm>>) dst(%arg7 : memref<40x128xi32, #tpu.memory_space<vmem>>)
      tpu.yield
    }) : () -> ()
    %mul3A_4 = arith.constant 80 : i32
    %mul3A_5 = arith.muli %arg1, %mul3A_4 : i32
    %add3A_6 = arith.constant 0 : i32
    %add3A_7 = arith.addi %mul3A_5, %add3A_6 : i32
    "tpu.region"() ({
      %run_scoped3A = tpu.sem_alloc : memref<!tpu.dma_semaphore, #tpu.memory_space<semaphore_mem>>
      %dma_start3A = arith.constant 0 : i32
      %dma_start3A_28 = tpu.memref_slice %arg4[%add3A_7, %dma_start3A] : memref<1280x128xi32, #tpu.memory_space<hbm>> -> memref<40x128xi32, #tpu.memory_space<hbm>>
      %dma_start3A_29 = arith.constant 0 : i32
      %dma_start3A_30 = tpu.memref_slice %arg4[%add3A_7, %dma_start3A_29] : memref<1280x128xi32, #tpu.memory_space<hbm>> -> memref<40x128xi32, #tpu.memory_space<hbm>>
      tpu.enqueue_dma source(%dma_start3A_30 : memref<40x128xi32, #tpu.memory_space<hbm>>) target(%arg8 : memref<40x128xi32, #tpu.memory_space<vmem>>) target_semaphore(%run_scoped3A : memref<!tpu.dma_semaphore, #tpu.memory_space<semaphore_mem>>)
      %dma_wait3A = arith.constant 0 : i32
      %dma_wait3A_31 = tpu.memref_slice %arg4[%add3A_7, %dma_wait3A] : memref<1280x128xi32, #tpu.memory_space<hbm>> -> memref<40x128xi32, #tpu.memory_space<hbm>>
      %dma_wait3A_32 = arith.constant 0 : i32
      %dma_wait3A_33 = tpu.memref_slice %arg4[%add3A_7, %dma_wait3A_32] : memref<1280x128xi32, #tpu.memory_space<hbm>> -> memref<40x128xi32, #tpu.memory_space<hbm>>
      tpu.wait_dma2 semaphore(%run_scoped3A : memref<!tpu.dma_semaphore, #tpu.memory_space<semaphore_mem>>) src(%dma_wait3A_33 : memref<40x128xi32, #tpu.memory_space<hbm>>) dst(%arg8 : memref<40x128xi32, #tpu.memory_space<vmem>>)
      tpu.yield
    }) : () -> ()
    %barrier3A = arith.constant 0 : index
    tpu.barrier barrier_id(%barrier3A)
    %scan3A = arith.constant 0 : i32
    %scan3A_8 = arith.constant 0 : i32
    %scan3A_9 = arith.constant 20 : i32
    %scan3A_10 = arith.addi %scan3A_8, %scan3A_9 : i32
    %scan3A_11 = arith.constant 1 : i32
    scf.for %scan3A_28 = %scan3A_8 to %scan3A_10 step %scan3A_11  : i32 {
      %mul3A_29 = arith.constant 2 : i32
      %mul3A_30 = arith.muli %mul3A_29, %scan3A_28 : i32
      %dma_start3A = arith.constant 0 : i32
      %dma_start3A_31 = arith.constant 0 : i32
      %dma_start3A_32 = arith.constant 0 : i32
      %dma_start3A_33 = tpu.memref_slice %arg9[%dma_start3A, %dma_start3A_31, %dma_start3A_32] : memref<2x128x128xf32, #tpu.memory_space<vmem>> -> memref<1x128x128xf32, #tpu.memory_space<vmem>>
      %dma_start3A_34 = tpu.memref_squeeze %dma_start3A_33 : memref<1x128x128xf32, #tpu.memory_space<vmem>> -> memref<128x128xf32, #tpu.memory_space<vmem>>
      %dma_start3A_35 = arith.constant 0 : i32
      %dma_start3A_36 = tpu.memref_slice %arg7[%mul3A_30, %dma_start3A_35] : memref<40x128xi32, #tpu.memory_space<vmem>> -> memref<1x128xi32, #tpu.memory_space<vmem>>
      %dma_start3A_37 = tpu.memref_squeeze %dma_start3A_36 : memref<1x128xi32, #tpu.memory_space<vmem>> -> memref<128xi32, #tpu.memory_space<vmem>>
      %dma_start3A_38 = arith.constant 0 : i32
      %dma_start3A_39 = arith.constant 0 : i32
      %dma_start3A_40 = tpu.memref_slice %arg2[%dma_start3A_38, %dma_start3A_39] : memref<20000x128xf32, #tpu.memory_space<hbm>> -> memref<20000x128xf32, #tpu.memory_space<hbm>>
      tpu.enqueue_indirect_dma source(%dma_start3A_40 : memref<20000x128xf32, #tpu.memory_space<hbm>>) target(%dma_start3A_34 : memref<128x128xf32, #tpu.memory_space<vmem>>) offsets(%dma_start3A_37 : memref<128xi32, #tpu.memory_space<vmem>>) semaphore(%arg11 : memref<!tpu.dma_semaphore, #tpu.memory_space<semaphore_mem>>)
      %mul3A_41 = arith.constant 2 : i32
      %mul3A_42 = arith.muli %mul3A_41, %scan3A_28 : i32
      %add3A_43 = arith.constant 1 : i32
      %add3A_44 = arith.addi %mul3A_42, %add3A_43 : i32
      %dma_start3A_45 = arith.constant 1 : i32
      %dma_start3A_46 = arith.constant 0 : i32
      %dma_start3A_47 = arith.constant 0 : i32
      %dma_start3A_48 = tpu.memref_slice %arg9[%dma_start3A_45, %dma_start3A_46, %dma_start3A_47] : memref<2x128x128xf32, #tpu.memory_space<vmem>> -> memref<1x128x128xf32, #tpu.memory_space<vmem>>
      %dma_start3A_49 = tpu.memref_squeeze %dma_start3A_48 : memref<1x128x128xf32, #tpu.memory_space<vmem>> -> memref<128x128xf32, #tpu.memory_space<vmem>>
      %dma_start3A_50 = arith.constant 0 : i32
      %dma_start3A_51 = tpu.memref_slice %arg7[%add3A_44, %dma_start3A_50] : memref<40x128xi32, #tpu.memory_space<vmem>> -> memref<1x128xi32, #tpu.memory_space<vmem>>
      %dma_start3A_52 = tpu.memref_squeeze %dma_start3A_51 : memref<1x128xi32, #tpu.memory_space<vmem>> -> memref<128xi32, #tpu.memory_space<vmem>>
      %dma_start3A_53 = arith.constant 0 : i32
      %dma_start3A_54 = arith.constant 0 : i32
      %dma_start3A_55 = tpu.memref_slice %arg2[%dma_start3A_53, %dma_start3A_54] : memref<20000x128xf32, #tpu.memory_space<hbm>> -> memref<20000x128xf32, #tpu.memory_space<hbm>>
      tpu.enqueue_indirect_dma source(%dma_start3A_55 : memref<20000x128xf32, #tpu.memory_space<hbm>>) target(%dma_start3A_49 : memref<128x128xf32, #tpu.memory_space<vmem>>) offsets(%dma_start3A_52 : memref<128xi32, #tpu.memory_space<vmem>>) semaphore(%arg12 : memref<!tpu.dma_semaphore, #tpu.memory_space<semaphore_mem>>)
      %dma_wait3A = arith.constant 0 : i32
      %dma_wait3A_56 = arith.constant 0 : i32
      %dma_wait3A_57 = arith.constant 0 : i32
      %dma_wait3A_58 = tpu.memref_slice %arg9[%dma_wait3A, %dma_wait3A_56, %dma_wait3A_57] : memref<2x128x128xf32, #tpu.memory_space<vmem>> -> memref<1x128x128xf32, #tpu.memory_space<vmem>>
      %dma_wait3A_59 = tpu.memref_squeeze %dma_wait3A_58 : memref<1x128x128xf32, #tpu.memory_space<vmem>> -> memref<128x128xf32, #tpu.memory_space<vmem>>
      %dma_wait3A_60 = arith.constant 0 : i32
      %dma_wait3A_61 = tpu.memref_slice %arg7[%mul3A_30, %dma_wait3A_60] : memref<40x128xi32, #tpu.memory_space<vmem>> -> memref<1x128xi32, #tpu.memory_space<vmem>>
      %dma_wait3A_62 = tpu.memref_squeeze %dma_wait3A_61 : memref<1x128xi32, #tpu.memory_space<vmem>> -> memref<128xi32, #tpu.memory_space<vmem>>
      %dma_wait3A_63 = arith.constant 0 : i32
      %dma_wait3A_64 = arith.constant 0 : i32
      %dma_wait3A_65 = tpu.memref_slice %arg2[%dma_wait3A_63, %dma_wait3A_64] : memref<20000x128xf32, #tpu.memory_space<hbm>> -> memref<20000x128xf32, #tpu.memory_space<hbm>>
      tpu.wait_indirect_dma semaphore(%arg11 : memref<!tpu.dma_semaphore, #tpu.memory_space<semaphore_mem>>) src(%dma_wait3A_65 : memref<20000x128xf32, #tpu.memory_space<hbm>>) dst(%dma_wait3A_59 : memref<128x128xf32, #tpu.memory_space<vmem>>)
      %mul3A_66 = arith.constant 2 : i32
      %mul3A_67 = arith.muli %mul3A_66, %scan3A_28 : i32
      %dma_start3A_68 = arith.constant 0 : i32
      %dma_start3A_69 = arith.constant 0 : i32
      %dma_start3A_70 = arith.constant 0 : i32
      %dma_start3A_71 = tpu.memref_slice %arg9[%dma_start3A_68, %dma_start3A_69, %dma_start3A_70] : memref<2x128x128xf32, #tpu.memory_space<vmem>> -> memref<1x128x128xf32, #tpu.memory_space<vmem>>
      %dma_start3A_72 = tpu.memref_squeeze %dma_start3A_71 : memref<1x128x128xf32, #tpu.memory_space<vmem>> -> memref<128x128xf32, #tpu.memory_space<vmem>>
      %dma_start3A_73 = arith.constant 0 : i32
      %dma_start3A_74 = tpu.memref_slice %arg8[%mul3A_67, %dma_start3A_73] : memref<40x128xi32, #tpu.memory_space<vmem>> -> memref<1x128xi32, #tpu.memory_space<vmem>>
      %dma_start3A_75 = tpu.memref_squeeze %dma_start3A_74 : memref<1x128xi32, #tpu.memory_space<vmem>> -> memref<128xi32, #tpu.memory_space<vmem>>
      %dma_start3A_76 = arith.constant 0 : i32
      %dma_start3A_77 = arith.constant 0 : i32
      %dma_start3A_78 = tpu.memref_slice %arg10[%dma_start3A_76, %dma_start3A_77] : memref<10112x128xf32, #tpu.memory_space<vmem_shared>> -> memref<10112x128xf32, #tpu.memory_space<vmem_shared>>
      tpu.enqueue_indirect_dma source(%dma_start3A_72 : memref<128x128xf32, #tpu.memory_space<vmem>>) target(%dma_start3A_78 : memref<10112x128xf32, #tpu.memory_space<vmem_shared>>) offsets(%dma_start3A_75 : memref<128xi32, #tpu.memory_space<vmem>>) semaphore(%arg13 : memref<!tpu.dma_semaphore, #tpu.memory_space<semaphore_mem>>) {add = true}
      %dma_wait3A_79 = arith.constant 1 : i32
      %dma_wait3A_80 = arith.constant 0 : i32
      %dma_wait3A_81 = arith.constant 0 : i32
      %dma_wait3A_82 = tpu.memref_slice %arg9[%dma_wait3A_79, %dma_wait3A_80, %dma_wait3A_81] : memref<2x128x128xf32, #tpu.memory_space<vmem>> -> memref<1x128x128xf32, #tpu.memory_space<vmem>>
      %dma_wait3A_83 = tpu.memref_squeeze %dma_wait3A_82 : memref<1x128x128xf32, #tpu.memory_space<vmem>> -> memref<128x128xf32, #tpu.memory_space<vmem>>
      %dma_wait3A_84 = arith.constant 0 : i32
      %dma_wait3A_85 = tpu.memref_slice %arg7[%add3A_44, %dma_wait3A_84] : memref<40x128xi32, #tpu.memory_space<vmem>> -> memref<1x128xi32, #tpu.memory_space<vmem>>
      %dma_wait3A_86 = tpu.memref_squeeze %dma_wait3A_85 : memref<1x128xi32, #tpu.memory_space<vmem>> -> memref<128xi32, #tpu.memory_space<vmem>>
      %dma_wait3A_87 = arith.constant 0 : i32
      %dma_wait3A_88 = arith.constant 0 : i32
      %dma_wait3A_89 = tpu.memref_slice %arg2[%dma_wait3A_87, %dma_wait3A_88] : memref<20000x128xf32, #tpu.memory_space<hbm>> -> memref<20000x128xf32, #tpu.memory_space<hbm>>
      tpu.wait_indirect_dma semaphore(%arg12 : memref<!tpu.dma_semaphore, #tpu.memory_space<semaphore_mem>>) src(%dma_wait3A_89 : memref<20000x128xf32, #tpu.memory_space<hbm>>) dst(%dma_wait3A_83 : memref<128x128xf32, #tpu.memory_space<vmem>>)
      %mul3A_90 = arith.constant 2 : i32
      %mul3A_91 = arith.muli %mul3A_90, %scan3A_28 : i32
      %add3A_92 = arith.constant 1 : i32
      %add3A_93 = arith.addi %mul3A_91, %add3A_92 : i32
      %dma_start3A_94 = arith.constant 1 : i32
      %dma_start3A_95 = arith.constant 0 : i32
      %dma_start3A_96 = arith.constant 0 : i32
      %dma_start3A_97 = tpu.memref_slice %arg9[%dma_start3A_94, %dma_start3A_95, %dma_start3A_96] : memref<2x128x128xf32, #tpu.memory_space<vmem>> -> memref<1x128x128xf32, #tpu.memory_space<vmem>>
      %dma_start3A_98 = tpu.memref_squeeze %dma_start3A_97 : memref<1x128x128xf32, #tpu.memory_space<vmem>> -> memref<128x128xf32, #tpu.memory_space<vmem>>
      %dma_start3A_99 = arith.constant 0 : i32
      %dma_start3A_100 = tpu.memref_slice %arg8[%add3A_93, %dma_start3A_99] : memref<40x128xi32, #tpu.memory_space<vmem>> -> memref<1x128xi32, #tpu.memory_space<vmem>>
      %dma_start3A_101 = tpu.memref_squeeze %dma_start3A_100 : memref<1x128xi32, #tpu.memory_space<vmem>> -> memref<128xi32, #tpu.memory_space<vmem>>
      %dma_start3A_102 = arith.constant 0 : i32
      %dma_start3A_103 = arith.constant 0 : i32
      %dma_start3A_104 = tpu.memref_slice %arg10[%dma_start3A_102, %dma_start3A_103] : memref<10112x128xf32, #tpu.memory_space<vmem_shared>> -> memref<10112x128xf32, #tpu.memory_space<vmem_shared>>
      tpu.enqueue_indirect_dma source(%dma_start3A_98 : memref<128x128xf32, #tpu.memory_space<vmem>>) target(%dma_start3A_104 : memref<10112x128xf32, #tpu.memory_space<vmem_shared>>) offsets(%dma_start3A_101 : memref<128xi32, #tpu.memory_space<vmem>>) semaphore(%arg14 : memref<!tpu.dma_semaphore, #tpu.memory_space<semaphore_mem>>) {add = true}
      %dma_wait3A_105 = arith.constant 0 : i32
      %dma_wait3A_106 = arith.constant 0 : i32
      %dma_wait3A_107 = arith.constant 0 : i32
      %dma_wait3A_108 = tpu.memref_slice %arg9[%dma_wait3A_105, %dma_wait3A_106, %dma_wait3A_107] : memref<2x128x128xf32, #tpu.memory_space<vmem>> -> memref<1x128x128xf32, #tpu.memory_space<vmem>>
      %dma_wait3A_109 = tpu.memref_squeeze %dma_wait3A_108 : memref<1x128x128xf32, #tpu.memory_space<vmem>> -> memref<128x128xf32, #tpu.memory_space<vmem>>
      %dma_wait3A_110 = arith.constant 0 : i32
      %dma_wait3A_111 = tpu.memref_slice %arg8[%mul3A_67, %dma_wait3A_110] : memref<40x128xi32, #tpu.memory_space<vmem>> -> memref<1x128xi32, #tpu.memory_space<vmem>>
      %dma_wait3A_112 = tpu.memref_squeeze %dma_wait3A_111 : memref<1x128xi32, #tpu.memory_space<vmem>> -> memref<128xi32, #tpu.memory_space<vmem>>
      %dma_wait3A_113 = arith.constant 0 : i32
      %dma_wait3A_114 = arith.constant 0 : i32
      %dma_wait3A_115 = tpu.memref_slice %arg10[%dma_wait3A_113, %dma_wait3A_114] : memref<10112x128xf32, #tpu.memory_space<vmem_shared>> -> memref<10112x128xf32, #tpu.memory_space<vmem_shared>>
      tpu.wait_indirect_dma semaphore(%arg13 : memref<!tpu.dma_semaphore, #tpu.memory_space<semaphore_mem>>) src(%dma_wait3A_109 : memref<128x128xf32, #tpu.memory_space<vmem>>) dst(%dma_wait3A_115 : memref<10112x128xf32, #tpu.memory_space<vmem_shared>>)
      %dma_wait3A_116 = arith.constant 1 : i32
      %dma_wait3A_117 = arith.constant 0 : i32
      %dma_wait3A_118 = arith.constant 0 : i32
      %dma_wait3A_119 = tpu.memref_slice %arg9[%dma_wait3A_116, %dma_wait3A_117, %dma_wait3A_118] : memref<2x128x128xf32, #tpu.memory_space<vmem>> -> memref<1x128x128xf32, #tpu.memory_space<vmem>>
      %dma_wait3A_120 = tpu.memref_squeeze %dma_wait3A_119 : memref<1x128x128xf32, #tpu.memory_space<vmem>> -> memref<128x128xf32, #tpu.memory_space<vmem>>
      %dma_wait3A_121 = arith.constant 0 : i32
      %dma_wait3A_122 = tpu.memref_slice %arg8[%add3A_93, %dma_wait3A_121] : memref<40x128xi32, #tpu.memory_space<vmem>> -> memref<1x128xi32, #tpu.memory_space<vmem>>
      %dma_wait3A_123 = tpu.memref_squeeze %dma_wait3A_122 : memref<1x128xi32, #tpu.memory_space<vmem>> -> memref<128xi32, #tpu.memory_space<vmem>>
      %dma_wait3A_124 = arith.constant 0 : i32
      %dma_wait3A_125 = arith.constant 0 : i32
      %dma_wait3A_126 = tpu.memref_slice %arg10[%dma_wait3A_124, %dma_wait3A_125] : memref<10112x128xf32, #tpu.memory_space<vmem_shared>> -> memref<10112x128xf32, #tpu.memory_space<vmem_shared>>
      tpu.wait_indirect_dma semaphore(%arg14 : memref<!tpu.dma_semaphore, #tpu.memory_space<semaphore_mem>>) src(%dma_wait3A_120 : memref<128x128xf32, #tpu.memory_space<vmem>>) dst(%dma_wait3A_126 : memref<10112x128xf32, #tpu.memory_space<vmem_shared>>)
    }
    %scan3A_12 = arith.constant 20 : i32
    %mul3A_13 = arith.constant 80 : i32
    %mul3A_14 = arith.muli %arg1, %mul3A_13 : i32
    %add3A_15 = arith.constant 40 : i32
    %add3A_16 = arith.addi %mul3A_14, %add3A_15 : i32
    "tpu.region"() ({
      %run_scoped3A = tpu.sem_alloc : memref<!tpu.dma_semaphore, #tpu.memory_space<semaphore_mem>>
      %dma_start3A = arith.constant 0 : i32
      %dma_start3A_28 = tpu.memref_slice %arg3[%arg0, %add3A_16, %dma_start3A] : memref<2x1280x128xi32, #tpu.memory_space<hbm>> -> memref<1x40x128xi32, #tpu.memory_space<hbm>>
      %dma_start3A_29 = tpu.memref_squeeze %dma_start3A_28 : memref<1x40x128xi32, #tpu.memory_space<hbm>> -> memref<40x128xi32, #tpu.memory_space<hbm>>
      %dma_start3A_30 = arith.constant 0 : i32
      %dma_start3A_31 = tpu.memref_slice %arg3[%arg0, %add3A_16, %dma_start3A_30] : memref<2x1280x128xi32, #tpu.memory_space<hbm>> -> memref<1x40x128xi32, #tpu.memory_space<hbm>>
      %dma_start3A_32 = tpu.memref_squeeze %dma_start3A_31 : memref<1x40x128xi32, #tpu.memory_space<hbm>> -> memref<40x128xi32, #tpu.memory_space<hbm>>
      tpu.enqueue_dma source(%dma_start3A_32 : memref<40x128xi32, #tpu.memory_space<hbm>>) target(%arg7 : memref<40x128xi32, #tpu.memory_space<vmem>>) target_semaphore(%run_scoped3A : memref<!tpu.dma_semaphore, #tpu.memory_space<semaphore_mem>>)
      %dma_wait3A = arith.constant 0 : i32
      %dma_wait3A_33 = tpu.memref_slice %arg3[%arg0, %add3A_16, %dma_wait3A] : memref<2x1280x128xi32, #tpu.memory_space<hbm>> -> memref<1x40x128xi32, #tpu.memory_space<hbm>>
      %dma_wait3A_34 = tpu.memref_squeeze %dma_wait3A_33 : memref<1x40x128xi32, #tpu.memory_space<hbm>> -> memref<40x128xi32, #tpu.memory_space<hbm>>
      %dma_wait3A_35 = arith.constant 0 : i32
      %dma_wait3A_36 = tpu.memref_slice %arg3[%arg0, %add3A_16, %dma_wait3A_35] : memref<2x1280x128xi32, #tpu.memory_space<hbm>> -> memref<1x40x128xi32, #tpu.memory_space<hbm>>
      %dma_wait3A_37 = tpu.memref_squeeze %dma_wait3A_36 : memref<1x40x128xi32, #tpu.memory_space<hbm>> -> memref<40x128xi32, #tpu.memory_space<hbm>>
      tpu.wait_dma2 semaphore(%run_scoped3A : memref<!tpu.dma_semaphore, #tpu.memory_space<semaphore_mem>>) src(%dma_wait3A_37 : memref<40x128xi32, #tpu.memory_space<hbm>>) dst(%arg7 : memref<40x128xi32, #tpu.memory_space<vmem>>)
      tpu.yield
    }) : () -> ()
    %mul3A_17 = arith.constant 80 : i32
    %mul3A_18 = arith.muli %arg1, %mul3A_17 : i32
    %add3A_19 = arith.constant 40 : i32
    %add3A_20 = arith.addi %mul3A_18, %add3A_19 : i32
    "tpu.region"() ({
      %run_scoped3A = tpu.sem_alloc : memref<!tpu.dma_semaphore, #tpu.memory_space<semaphore_mem>>
      %dma_start3A = arith.constant 0 : i32
      %dma_start3A_28 = tpu.memref_slice %arg4[%add3A_20, %dma_start3A] : memref<1280x128xi32, #tpu.memory_space<hbm>> -> memref<40x128xi32, #tpu.memory_space<hbm>>
      %dma_start3A_29 = arith.constant 0 : i32
      %dma_start3A_30 = tpu.memref_slice %arg4[%add3A_20, %dma_start3A_29] : memref<1280x128xi32, #tpu.memory_space<hbm>> -> memref<40x128xi32, #tpu.memory_space<hbm>>
      tpu.enqueue_dma source(%dma_start3A_30 : memref<40x128xi32, #tpu.memory_space<hbm>>) target(%arg8 : memref<40x128xi32, #tpu.memory_space<vmem>>) target_semaphore(%run_scoped3A : memref<!tpu.dma_semaphore, #tpu.memory_space<semaphore_mem>>)
      %dma_wait3A = arith.constant 0 : i32
      %dma_wait3A_31 = tpu.memref_slice %arg4[%add3A_20, %dma_wait3A] : memref<1280x128xi32, #tpu.memory_space<hbm>> -> memref<40x128xi32, #tpu.memory_space<hbm>>
      %dma_wait3A_32 = arith.constant 0 : i32
      %dma_wait3A_33 = tpu.memref_slice %arg4[%add3A_20, %dma_wait3A_32] : memref<1280x128xi32, #tpu.memory_space<hbm>> -> memref<40x128xi32, #tpu.memory_space<hbm>>
      tpu.wait_dma2 semaphore(%run_scoped3A : memref<!tpu.dma_semaphore, #tpu.memory_space<semaphore_mem>>) src(%dma_wait3A_33 : memref<40x128xi32, #tpu.memory_space<hbm>>) dst(%arg8 : memref<40x128xi32, #tpu.memory_space<vmem>>)
      tpu.yield
    }) : () -> ()
    %scan3A_21 = arith.constant 0 : i32
    %scan3A_22 = arith.constant 0 : i32
    %scan3A_23 = arith.constant 20 : i32
    %scan3A_24 = arith.addi %scan3A_22, %scan3A_23 : i32
    %scan3A_25 = arith.constant 1 : i32
    scf.for %scan3A_28 = %scan3A_22 to %scan3A_24 step %scan3A_25  : i32 {
      %mul3A_29 = arith.constant 2 : i32
      %mul3A_30 = arith.muli %mul3A_29, %scan3A_28 : i32
      %dma_start3A = arith.constant 0 : i32
      %dma_start3A_31 = arith.constant 0 : i32
      %dma_start3A_32 = arith.constant 0 : i32
      %dma_start3A_33 = tpu.memref_slice %arg9[%dma_start3A, %dma_start3A_31, %dma_start3A_32] : memref<2x128x128xf32, #tpu.memory_space<vmem>> -> memref<1x128x128xf32, #tpu.memory_space<vmem>>
      %dma_start3A_34 = tpu.memref_squeeze %dma_start3A_33 : memref<1x128x128xf32, #tpu.memory_space<vmem>> -> memref<128x128xf32, #tpu.memory_space<vmem>>
      %dma_start3A_35 = arith.constant 0 : i32
      %dma_start3A_36 = tpu.memref_slice %arg7[%mul3A_30, %dma_start3A_35] : memref<40x128xi32, #tpu.memory_space<vmem>> -> memref<1x128xi32, #tpu.memory_space<vmem>>
      %dma_start3A_37 = tpu.memref_squeeze %dma_start3A_36 : memref<1x128xi32, #tpu.memory_space<vmem>> -> memref<128xi32, #tpu.memory_space<vmem>>
      %dma_start3A_38 = arith.constant 0 : i32
      %dma_start3A_39 = arith.constant 0 : i32
      %dma_start3A_40 = tpu.memref_slice %arg2[%dma_start3A_38, %dma_start3A_39] : memref<20000x128xf32, #tpu.memory_space<hbm>> -> memref<20000x128xf32, #tpu.memory_space<hbm>>
      tpu.enqueue_indirect_dma source(%dma_start3A_40 : memref<20000x128xf32, #tpu.memory_space<hbm>>) target(%dma_start3A_34 : memref<128x128xf32, #tpu.memory_space<vmem>>) offsets(%dma_start3A_37 : memref<128xi32, #tpu.memory_space<vmem>>) semaphore(%arg11 : memref<!tpu.dma_semaphore, #tpu.memory_space<semaphore_mem>>)
      %mul3A_41 = arith.constant 2 : i32
      %mul3A_42 = arith.muli %mul3A_41, %scan3A_28 : i32
      %add3A_43 = arith.constant 1 : i32
      %add3A_44 = arith.addi %mul3A_42, %add3A_43 : i32
      %dma_start3A_45 = arith.constant 1 : i32
      %dma_start3A_46 = arith.constant 0 : i32
      %dma_start3A_47 = arith.constant 0 : i32
      %dma_start3A_48 = tpu.memref_slice %arg9[%dma_start3A_45, %dma_start3A_46, %dma_start3A_47] : memref<2x128x128xf32, #tpu.memory_space<vmem>> -> memref<1x128x128xf32, #tpu.memory_space<vmem>>
      %dma_start3A_49 = tpu.memref_squeeze %dma_start3A_48 : memref<1x128x128xf32, #tpu.memory_space<vmem>> -> memref<128x128xf32, #tpu.memory_space<vmem>>
      %dma_start3A_50 = arith.constant 0 : i32
      %dma_start3A_51 = tpu.memref_slice %arg7[%add3A_44, %dma_start3A_50] : memref<40x128xi32, #tpu.memory_space<vmem>> -> memref<1x128xi32, #tpu.memory_space<vmem>>
      %dma_start3A_52 = tpu.memref_squeeze %dma_start3A_51 : memref<1x128xi32, #tpu.memory_space<vmem>> -> memref<128xi32, #tpu.memory_space<vmem>>
      %dma_start3A_53 = arith.constant 0 : i32
      %dma_start3A_54 = arith.constant 0 : i32
      %dma_start3A_55 = tpu.memref_slice %arg2[%dma_start3A_53, %dma_start3A_54] : memref<20000x128xf32, #tpu.memory_space<hbm>> -> memref<20000x128xf32, #tpu.memory_space<hbm>>
      tpu.enqueue_indirect_dma source(%dma_start3A_55 : memref<20000x128xf32, #tpu.memory_space<hbm>>) target(%dma_start3A_49 : memref<128x128xf32, #tpu.memory_space<vmem>>) offsets(%dma_start3A_52 : memref<128xi32, #tpu.memory_space<vmem>>) semaphore(%arg12 : memref<!tpu.dma_semaphore, #tpu.memory_space<semaphore_mem>>)
      %dma_wait3A = arith.constant 0 : i32
      %dma_wait3A_56 = arith.constant 0 : i32
      %dma_wait3A_57 = arith.constant 0 : i32
      %dma_wait3A_58 = tpu.memref_slice %arg9[%dma_wait3A, %dma_wait3A_56, %dma_wait3A_57] : memref<2x128x128xf32, #tpu.memory_space<vmem>> -> memref<1x128x128xf32, #tpu.memory_space<vmem>>
      %dma_wait3A_59 = tpu.memref_squeeze %dma_wait3A_58 : memref<1x128x128xf32, #tpu.memory_space<vmem>> -> memref<128x128xf32, #tpu.memory_space<vmem>>
      %dma_wait3A_60 = arith.constant 0 : i32
      %dma_wait3A_61 = tpu.memref_slice %arg7[%mul3A_30, %dma_wait3A_60] : memref<40x128xi32, #tpu.memory_space<vmem>> -> memref<1x128xi32, #tpu.memory_space<vmem>>
      %dma_wait3A_62 = tpu.memref_squeeze %dma_wait3A_61 : memref<1x128xi32, #tpu.memory_space<vmem>> -> memref<128xi32, #tpu.memory_space<vmem>>
      %dma_wait3A_63 = arith.constant 0 : i32
      %dma_wait3A_64 = arith.constant 0 : i32
      %dma_wait3A_65 = tpu.memref_slice %arg2[%dma_wait3A_63, %dma_wait3A_64] : memref<20000x128xf32, #tpu.memory_space<hbm>> -> memref<20000x128xf32, #tpu.memory_space<hbm>>
      tpu.wait_indirect_dma semaphore(%arg11 : memref<!tpu.dma_semaphore, #tpu.memory_space<semaphore_mem>>) src(%dma_wait3A_65 : memref<20000x128xf32, #tpu.memory_space<hbm>>) dst(%dma_wait3A_59 : memref<128x128xf32, #tpu.memory_space<vmem>>)
      %mul3A_66 = arith.constant 2 : i32
      %mul3A_67 = arith.muli %mul3A_66, %scan3A_28 : i32
      %dma_start3A_68 = arith.constant 0 : i32
      %dma_start3A_69 = arith.constant 0 : i32
      %dma_start3A_70 = arith.constant 0 : i32
      %dma_start3A_71 = tpu.memref_slice %arg9[%dma_start3A_68, %dma_start3A_69, %dma_start3A_70] : memref<2x128x128xf32, #tpu.memory_space<vmem>> -> memref<1x128x128xf32, #tpu.memory_space<vmem>>
      %dma_start3A_72 = tpu.memref_squeeze %dma_start3A_71 : memref<1x128x128xf32, #tpu.memory_space<vmem>> -> memref<128x128xf32, #tpu.memory_space<vmem>>
      %dma_start3A_73 = arith.constant 0 : i32
      %dma_start3A_74 = tpu.memref_slice %arg8[%mul3A_67, %dma_start3A_73] : memref<40x128xi32, #tpu.memory_space<vmem>> -> memref<1x128xi32, #tpu.memory_space<vmem>>
      %dma_start3A_75 = tpu.memref_squeeze %dma_start3A_74 : memref<1x128xi32, #tpu.memory_space<vmem>> -> memref<128xi32, #tpu.memory_space<vmem>>
      %dma_start3A_76 = arith.constant 0 : i32
      %dma_start3A_77 = arith.constant 0 : i32
      %dma_start3A_78 = tpu.memref_slice %arg10[%dma_start3A_76, %dma_start3A_77] : memref<10112x128xf32, #tpu.memory_space<vmem_shared>> -> memref<10112x128xf32, #tpu.memory_space<vmem_shared>>
      tpu.enqueue_indirect_dma source(%dma_start3A_72 : memref<128x128xf32, #tpu.memory_space<vmem>>) target(%dma_start3A_78 : memref<10112x128xf32, #tpu.memory_space<vmem_shared>>) offsets(%dma_start3A_75 : memref<128xi32, #tpu.memory_space<vmem>>) semaphore(%arg13 : memref<!tpu.dma_semaphore, #tpu.memory_space<semaphore_mem>>) {add = true}
      %dma_wait3A_79 = arith.constant 1 : i32
      %dma_wait3A_80 = arith.constant 0 : i32
      %dma_wait3A_81 = arith.constant 0 : i32
      %dma_wait3A_82 = tpu.memref_slice %arg9[%dma_wait3A_79, %dma_wait3A_80, %dma_wait3A_81] : memref<2x128x128xf32, #tpu.memory_space<vmem>> -> memref<1x128x128xf32, #tpu.memory_space<vmem>>
      %dma_wait3A_83 = tpu.memref_squeeze %dma_wait3A_82 : memref<1x128x128xf32, #tpu.memory_space<vmem>> -> memref<128x128xf32, #tpu.memory_space<vmem>>
      %dma_wait3A_84 = arith.constant 0 : i32
      %dma_wait3A_85 = tpu.memref_slice %arg7[%add3A_44, %dma_wait3A_84] : memref<40x128xi32, #tpu.memory_space<vmem>> -> memref<1x128xi32, #tpu.memory_space<vmem>>
      %dma_wait3A_86 = tpu.memref_squeeze %dma_wait3A_85 : memref<1x128xi32, #tpu.memory_space<vmem>> -> memref<128xi32, #tpu.memory_space<vmem>>
      %dma_wait3A_87 = arith.constant 0 : i32
      %dma_wait3A_88 = arith.constant 0 : i32
      %dma_wait3A_89 = tpu.memref_slice %arg2[%dma_wait3A_87, %dma_wait3A_88] : memref<20000x128xf32, #tpu.memory_space<hbm>> -> memref<20000x128xf32, #tpu.memory_space<hbm>>
      tpu.wait_indirect_dma semaphore(%arg12 : memref<!tpu.dma_semaphore, #tpu.memory_space<semaphore_mem>>) src(%dma_wait3A_89 : memref<20000x128xf32, #tpu.memory_space<hbm>>) dst(%dma_wait3A_83 : memref<128x128xf32, #tpu.memory_space<vmem>>)
      %mul3A_90 = arith.constant 2 : i32
      %mul3A_91 = arith.muli %mul3A_90, %scan3A_28 : i32
      %add3A_92 = arith.constant 1 : i32
      %add3A_93 = arith.addi %mul3A_91, %add3A_92 : i32
      %dma_start3A_94 = arith.constant 1 : i32
      %dma_start3A_95 = arith.constant 0 : i32
      %dma_start3A_96 = arith.constant 0 : i32
      %dma_start3A_97 = tpu.memref_slice %arg9[%dma_start3A_94, %dma_start3A_95, %dma_start3A_96] : memref<2x128x128xf32, #tpu.memory_space<vmem>> -> memref<1x128x128xf32, #tpu.memory_space<vmem>>
      %dma_start3A_98 = tpu.memref_squeeze %dma_start3A_97 : memref<1x128x128xf32, #tpu.memory_space<vmem>> -> memref<128x128xf32, #tpu.memory_space<vmem>>
      %dma_start3A_99 = arith.constant 0 : i32
      %dma_start3A_100 = tpu.memref_slice %arg8[%add3A_93, %dma_start3A_99] : memref<40x128xi32, #tpu.memory_space<vmem>> -> memref<1x128xi32, #tpu.memory_space<vmem>>
      %dma_start3A_101 = tpu.memref_squeeze %dma_start3A_100 : memref<1x128xi32, #tpu.memory_space<vmem>> -> memref<128xi32, #tpu.memory_space<vmem>>
      %dma_start3A_102 = arith.constant 0 : i32
      %dma_start3A_103 = arith.constant 0 : i32
      %dma_start3A_104 = tpu.memref_slice %arg10[%dma_start3A_102, %dma_start3A_103] : memref<10112x128xf32, #tpu.memory_space<vmem_shared>> -> memref<10112x128xf32, #tpu.memory_space<vmem_shared>>
      tpu.enqueue_indirect_dma source(%dma_start3A_98 : memref<128x128xf32, #tpu.memory_space<vmem>>) target(%dma_start3A_104 : memref<10112x128xf32, #tpu.memory_space<vmem_shared>>) offsets(%dma_start3A_101 : memref<128xi32, #tpu.memory_space<vmem>>) semaphore(%arg14 : memref<!tpu.dma_semaphore, #tpu.memory_space<semaphore_mem>>) {add = true}
      %dma_wait3A_105 = arith.constant 0 : i32
      %dma_wait3A_106 = arith.constant 0 : i32
      %dma_wait3A_107 = arith.constant 0 : i32
      %dma_wait3A_108 = tpu.memref_slice %arg9[%dma_wait3A_105, %dma_wait3A_106, %dma_wait3A_107] : memref<2x128x128xf32, #tpu.memory_space<vmem>> -> memref<1x128x128xf32, #tpu.memory_space<vmem>>
      %dma_wait3A_109 = tpu.memref_squeeze %dma_wait3A_108 : memref<1x128x128xf32, #tpu.memory_space<vmem>> -> memref<128x128xf32, #tpu.memory_space<vmem>>
      %dma_wait3A_110 = arith.constant 0 : i32
      %dma_wait3A_111 = tpu.memref_slice %arg8[%mul3A_67, %dma_wait3A_110] : memref<40x128xi32, #tpu.memory_space<vmem>> -> memref<1x128xi32, #tpu.memory_space<vmem>>
      %dma_wait3A_112 = tpu.memref_squeeze %dma_wait3A_111 : memref<1x128xi32, #tpu.memory_space<vmem>> -> memref<128xi32, #tpu.memory_space<vmem>>
      %dma_wait3A_113 = arith.constant 0 : i32
      %dma_wait3A_114 = arith.constant 0 : i32
      %dma_wait3A_115 = tpu.memref_slice %arg10[%dma_wait3A_113, %dma_wait3A_114] : memref<10112x128xf32, #tpu.memory_space<vmem_shared>> -> memref<10112x128xf32, #tpu.memory_space<vmem_shared>>
      tpu.wait_indirect_dma semaphore(%arg13 : memref<!tpu.dma_semaphore, #tpu.memory_space<semaphore_mem>>) src(%dma_wait3A_109 : memref<128x128xf32, #tpu.memory_space<vmem>>) dst(%dma_wait3A_115 : memref<10112x128xf32, #tpu.memory_space<vmem_shared>>)
      %dma_wait3A_116 = arith.constant 1 : i32
      %dma_wait3A_117 = arith.constant 0 : i32
      %dma_wait3A_118 = arith.constant 0 : i32
      %dma_wait3A_119 = tpu.memref_slice %arg9[%dma_wait3A_116, %dma_wait3A_117, %dma_wait3A_118] : memref<2x128x128xf32, #tpu.memory_space<vmem>> -> memref<1x128x128xf32, #tpu.memory_space<vmem>>
      %dma_wait3A_120 = tpu.memref_squeeze %dma_wait3A_119 : memref<1x128x128xf32, #tpu.memory_space<vmem>> -> memref<128x128xf32, #tpu.memory_space<vmem>>
      %dma_wait3A_121 = arith.constant 0 : i32
      %dma_wait3A_122 = tpu.memref_slice %arg8[%add3A_93, %dma_wait3A_121] : memref<40x128xi32, #tpu.memory_space<vmem>> -> memref<1x128xi32, #tpu.memory_space<vmem>>
      %dma_wait3A_123 = tpu.memref_squeeze %dma_wait3A_122 : memref<1x128xi32, #tpu.memory_space<vmem>> -> memref<128xi32, #tpu.memory_space<vmem>>
      %dma_wait3A_124 = arith.constant 0 : i32
      %dma_wait3A_125 = arith.constant 0 : i32
      %dma_wait3A_126 = tpu.memref_slice %arg10[%dma_wait3A_124, %dma_wait3A_125] : memref<10112x128xf32, #tpu.memory_space<vmem_shared>> -> memref<10112x128xf32, #tpu.memory_space<vmem_shared>>
      tpu.wait_indirect_dma semaphore(%arg14 : memref<!tpu.dma_semaphore, #tpu.memory_space<semaphore_mem>>) src(%dma_wait3A_120 : memref<128x128xf32, #tpu.memory_space<vmem>>) dst(%dma_wait3A_126 : memref<10112x128xf32, #tpu.memory_space<vmem_shared>>)
    }
    %scan3A_26 = arith.constant 20 : i32
    %barrier3A_27 = arith.constant 0 : index
    tpu.barrier barrier_id(%barrier3A_27)
    "tpu.region"() ({
      %run_scoped3A = tpu.sem_alloc : memref<!tpu.dma_semaphore, #tpu.memory_space<semaphore_mem>>
      %dma_start3A = arith.constant 0 : i32
      %dma_start3A_28 = tpu.memref_slice %arg6[%arg0, %mul3A_0, %dma_start3A] : memref<2x10112x128xf32, #tpu.memory_space<hbm>> -> memref<1x632x128xf32, #tpu.memory_space<hbm>>
      %dma_start3A_29 = tpu.memref_squeeze %dma_start3A_28 : memref<1x632x128xf32, #tpu.memory_space<hbm>> -> memref<632x128xf32, #tpu.memory_space<hbm>>
      %dma_start3A_30 = arith.constant 0 : i32
      %dma_start3A_31 = tpu.memref_slice %arg10[%mul3A_0, %dma_start3A_30] : memref<10112x128xf32, #tpu.memory_space<vmem_shared>> -> memref<632x128xf32, #tpu.memory_space<vmem_shared>>
      tpu.enqueue_dma source(%dma_start3A_31 : memref<632x128xf32, #tpu.memory_space<vmem_shared>>) target(%dma_start3A_29 : memref<632x128xf32, #tpu.memory_space<hbm>>) target_semaphore(%run_scoped3A : memref<!tpu.dma_semaphore, #tpu.memory_space<semaphore_mem>>)
      %dma_wait3A = arith.constant 0 : i32
      %dma_wait3A_32 = tpu.memref_slice %arg6[%arg0, %mul3A_0, %dma_wait3A] : memref<2x10112x128xf32, #tpu.memory_space<hbm>> -> memref<1x632x128xf32, #tpu.memory_space<hbm>>
      %dma_wait3A_33 = tpu.memref_squeeze %dma_wait3A_32 : memref<1x632x128xf32, #tpu.memory_space<hbm>> -> memref<632x128xf32, #tpu.memory_space<hbm>>
      %dma_wait3A_34 = arith.constant 0 : i32
      %dma_wait3A_35 = tpu.memref_slice %arg10[%mul3A_0, %dma_wait3A_34] : memref<10112x128xf32, #tpu.memory_space<vmem_shared>> -> memref<632x128xf32, #tpu.memory_space<vmem_shared>>
      tpu.wait_dma2 semaphore(%run_scoped3A : memref<!tpu.dma_semaphore, #tpu.memory_space<semaphore_mem>>) src(%dma_wait3A_35 : memref<632x128xf32, #tpu.memory_space<vmem_shared>>) dst(%dma_wait3A_33 : memref<632x128xf32, #tpu.memory_space<hbm>>)
      tpu.yield
    }) : () -> ()
    return
  }
}

module attributes {stable_mosaic.version = 14 : i64} {
  func.func @_fin_body(%arg0: i32, %arg1: memref<2x1000x128xf32, #tpu.memory_space<vmem>>, %arg2: memref<2x1000x128xf32, #tpu.memory_space<vmem>>, %arg3: memref<1000x1xf32, #tpu.memory_space<vmem>>, %arg4: memref<256x256xf32, #tpu.memory_space<vmem>>, %arg5: memref<1x256xf32, #tpu.memory_space<vmem>>, %arg6: memref<1000x256xf32, #tpu.memory_space<vmem>>) attributes {dimension_semantics = [#tpu.dimension_semantics<arbitrary>], iteration_bounds = array<i64: 10>, scalar_prefetch = 0 : i64, scratch_operands = 0 : i64, tpu.core_type = #tpu.core_type<tc>, window_params = [{transform_indices = @transform_0, window_bounds = array<i64: 2, 1000, 128>}, {transform_indices = @transform_1, window_bounds = array<i64: 2, 1000, 128>}, {transform_indices = @transform_2, window_bounds = array<i64: 1000, 1>}, {pipeline_mode = #tpu.pipeline_mode<synchronous>, transform_indices = @transform_3, window_bounds = array<i64: 256, 256>}, {pipeline_mode = #tpu.pipeline_mode<synchronous>, transform_indices = @transform_4, window_bounds = array<i64: 1, 256>}, {transform_indices = @transform_5, window_bounds = array<i64: 1000, 256>}]} {
    %get3A = arith.constant 0 : index
    %get3A_0 = arith.constant 0 : index
    %get3A_1 = vector.load %arg3[%get3A, %get3A_0] : memref<1000x1xf32, #tpu.memory_space<vmem>>, vector<1000x1xf32>
    %get3A_2 = arith.constant 0 : index
    %get3A_3 = arith.constant 0 : index
    %get3A_4 = arith.constant 0 : index
    %get3A_5 = vector.load %arg1[%get3A_2, %get3A_3, %get3A_4] : memref<2x1000x128xf32, #tpu.memory_space<vmem>>, vector<1x1000x128xf32>
    %get3A_6 = vector.shape_cast %get3A_5 : vector<1x1000x128xf32> to vector<1000x128xf32>
    %get3A_7 = arith.constant 0 : index
    %get3A_8 = arith.constant 0 : index
    %get3A_9 = arith.constant 0 : index
    %get3A_10 = vector.load %arg2[%get3A_7, %get3A_8, %get3A_9] : memref<2x1000x128xf32, #tpu.memory_space<vmem>>, vector<1x1000x128xf32>
    %get3A_11 = vector.shape_cast %get3A_10 : vector<1x1000x128xf32> to vector<1000x128xf32>
    %add3A = arith.addf %get3A_6, %get3A_11 : vector<1000x128xf32>
    %mul3A = vector.broadcast %get3A_1 : vector<1000x1xf32> to vector<1000x128xf32>
    %mul3A_12 = arith.mulf %add3A, %mul3A : vector<1000x128xf32>
    %get3A_13 = arith.constant 1 : index
    %get3A_14 = arith.constant 0 : index
    %get3A_15 = arith.constant 0 : index
    %get3A_16 = vector.load %arg1[%get3A_13, %get3A_14, %get3A_15] : memref<2x1000x128xf32, #tpu.memory_space<vmem>>, vector<1x1000x128xf32>
    %get3A_17 = vector.shape_cast %get3A_16 : vector<1x1000x128xf32> to vector<1000x128xf32>
    %get3A_18 = arith.constant 1 : index
    %get3A_19 = arith.constant 0 : index
    %get3A_20 = arith.constant 0 : index
    %get3A_21 = vector.load %arg2[%get3A_18, %get3A_19, %get3A_20] : memref<2x1000x128xf32, #tpu.memory_space<vmem>>, vector<1x1000x128xf32>
    %get3A_22 = vector.shape_cast %get3A_21 : vector<1x1000x128xf32> to vector<1000x128xf32>
    %add3A_23 = arith.addf %get3A_17, %get3A_22 : vector<1000x128xf32>
    %mul3A_24 = vector.broadcast %get3A_1 : vector<1000x1xf32> to vector<1000x128xf32>
    %mul3A_25 = arith.mulf %add3A_23, %mul3A_24 : vector<1000x128xf32>
    %get3A_26 = arith.constant 0 : index
    %get3A_27 = arith.constant 0 : index
    %get3A_28 = vector.load %arg4[%get3A_26, %get3A_27] : memref<256x256xf32, #tpu.memory_space<vmem>>, vector<256x256xf32>
    %slice3A = vector.extract_strided_slice %get3A_28 {offsets = [0, 0], sizes = [256, 128], strides = [1, 1]} : vector<256x256xf32> to vector<256x128xf32>
    %dot_general3A = arith.constant dense<0.000000e+00> : vector<1000x256xf32>
    %dot_general3A_29 = tpu.matmul %mul3A_12, %slice3A, %dot_general3A {dimension_numbers = #tpu.dot_dimension_numbers<[1], [1], [0], [0], [0, 0, 1, 0], [], []>, transpose_lhs_hint = false} : vector<1000x128xf32>, vector<256x128xf32>, vector<1000x256xf32> -> vector<1000x256xf32>
    %slice3A_30 = vector.extract_strided_slice %get3A_28 {offsets = [0, 128], sizes = [256, 128], strides = [1, 1]} : vector<256x256xf32> to vector<256x128xf32>
    %dot_general3A_31 = arith.constant dense<0.000000e+00> : vector<1000x256xf32>
    %dot_general3A_32 = tpu.matmul %mul3A_25, %slice3A_30, %dot_general3A_31 {dimension_numbers = #tpu.dot_dimension_numbers<[1], [1], [0], [0], [0, 0, 1, 0], [], []>, transpose_lhs_hint = false} : vector<1000x128xf32>, vector<256x128xf32>, vector<1000x256xf32> -> vector<1000x256xf32>
    %add3A_33 = arith.addf %dot_general3A_29, %dot_general3A_32 : vector<1000x256xf32>
    %get3A_34 = arith.constant 0 : index
    %get3A_35 = arith.constant 0 : index
    %get3A_36 = vector.load %arg5[%get3A_34, %get3A_35] : memref<1x256xf32, #tpu.memory_space<vmem>>, vector<1x256xf32>
    %add3A_37 = vector.broadcast %get3A_36 : vector<1x256xf32> to vector<1000x256xf32>
    %add3A_38 = arith.addf %add3A_33, %add3A_37 : vector<1000x256xf32>
    %swap3A = arith.constant 0 : index
    %swap3A_39 = arith.constant 0 : index
    %swap3A_40 = vector.load %arg6[%swap3A, %swap3A_39] : memref<1000x256xf32, #tpu.memory_space<vmem>>, vector<1000x256xf32>
    tpu.vector_store %arg6[%swap3A, %swap3A_39], %add3A_38 {strides = array<i32>} : memref<1000x256xf32, #tpu.memory_space<vmem>>, vector<1000x256xf32>,
    return
  }
  func.func @transform_0(%arg0: i32) -> (i32, i32, i32) {
    %c0_i32 = arith.constant 0 : i32
    %c0_i32_0 = arith.constant 0 : i32
    %c0_i32_1 = arith.constant 0 : i32
    return %c0_i32, %arg0, %c0_i32_0 : i32, i32, i32
  }
  func.func @transform_1(%arg0: i32) -> (i32, i32, i32) {
    %c0_i32 = arith.constant 0 : i32
    %c0_i32_0 = arith.constant 0 : i32
    %c0_i32_1 = arith.constant 0 : i32
    return %c0_i32, %arg0, %c0_i32_0 : i32, i32, i32
  }
  func.func @transform_2(%arg0: i32) -> (i32, i32) {
    %c0_i32 = arith.constant 0 : i32
    %c0_i32_0 = arith.constant 0 : i32
    return %arg0, %c0_i32 : i32, i32
  }
  func.func @transform_3(%arg0: i32) -> (i32, i32) {
    %c0_i32 = arith.constant 0 : i32
    %c0_i32_0 = arith.constant 0 : i32
    %c0_i32_1 = arith.constant 0 : i32
    return %c0_i32, %c0_i32_0 : i32, i32
  }
  func.func @transform_4(%arg0: i32) -> (i32, i32) {
    %c0_i32 = arith.constant 0 : i32
    %c0_i32_0 = arith.constant 0 : i32
    %c0_i32_1 = arith.constant 0 : i32
    return %c0_i32, %c0_i32_0 : i32, i32
  }
  func.func @transform_5(%arg0: i32) -> (i32, i32) {
    %c0_i32 = arith.constant 0 : i32
    %c0_i32_0 = arith.constant 0 : i32
    return %arg0, %c0_i32 : i32, i32
  }
}

module attributes {stable_mosaic.version = 14 : i64} {
  func.func @_pre_body(%arg0: i32, %arg1: memref<2x1000x128xf32, #tpu.memory_space<vmem>>, %arg2: memref<1000x256xf32, #tpu.memory_space<vmem>>, %arg3: memref<1000x1xf32, #tpu.memory_space<vmem>>, %arg4: memref<2x1000x128xf32, #tpu.memory_space<vmem>>) attributes {dimension_semantics = [#tpu.dimension_semantics<arbitrary>], iteration_bounds = array<i64: 10>, scalar_prefetch = 0 : i64, scratch_operands = 0 : i64, tpu.core_type = #tpu.core_type<tc>, window_params = [{transform_indices = @transform_0, window_bounds = array<i64: 2, 1000, 128>}, {transform_indices = @transform_1, window_bounds = array<i64: 1000, 256>}, {transform_indices = @transform_2, window_bounds = array<i64: 1000, 1>}, {transform_indices = @transform_3, window_bounds = array<i64: 2, 1000, 128>}]} {
    %get3A = arith.constant 0 : index
    %get3A_0 = arith.constant 0 : index
    %get3A_1 = arith.constant 0 : index
    %get3A_2 = vector.load %arg1[%get3A, %get3A_0, %get3A_1] : memref<2x1000x128xf32, #tpu.memory_space<vmem>>, vector<1x1000x1xf32>
    %get3A_3 = vector.shape_cast %get3A_2 : vector<1x1000x1xf32> to vector<1000x1xf32>
    %get3A_4 = arith.constant 1 : index
    %get3A_5 = arith.constant 0 : index
    %get3A_6 = arith.constant 0 : index
    %get3A_7 = vector.load %arg1[%get3A_4, %get3A_5, %get3A_6] : memref<2x1000x128xf32, #tpu.memory_space<vmem>>, vector<1x1000x1xf32>
    %get3A_8 = vector.shape_cast %get3A_7 : vector<1x1000x1xf32> to vector<1000x1xf32>
    %add3A = arith.addf %get3A_3, %get3A_8 : vector<1000x1xf32>
    %add3A_9 = arith.constant 1.000000e+00 : f32
    %add3A_10 = vector.broadcast %add3A_9 : f32 to vector<1000x1xf32>
    %add3A_11 = arith.addf %add3A, %add3A_10 : vector<1000x1xf32>
    %rsqrt3A = math.rsqrt %add3A_11 : vector<1000x1xf32>
    %swap3A = arith.constant 0 : index
    %swap3A_12 = arith.constant 0 : index
    %swap3A_13 = vector.load %arg3[%swap3A, %swap3A_12] : memref<1000x1xf32, #tpu.memory_space<vmem>>, vector<1000x1xf32>
    tpu.vector_store %arg3[%swap3A, %swap3A_12], %rsqrt3A {strides = array<i32>} : memref<1000x1xf32, #tpu.memory_space<vmem>>, vector<1000x1xf32>,
    %get3A_14 = arith.constant 0 : index
    %get3A_15 = arith.constant 0 : index
    %get3A_16 = vector.load %arg2[%get3A_14, %get3A_15] : memref<1000x256xf32, #tpu.memory_space<vmem>>, vector<1000x256xf32>
    %mul3A = vector.broadcast %rsqrt3A : vector<1000x1xf32> to vector<1000x256xf32>
    %mul3A_17 = arith.mulf %get3A_16, %mul3A : vector<1000x256xf32>
    %slice3A = vector.extract_strided_slice %mul3A_17 {offsets = [0, 0], sizes = [1000, 128], strides = [1, 1]} : vector<1000x256xf32> to vector<1000x128xf32>
    %swap3A_18 = arith.constant 0 : index
    %swap3A_19 = arith.constant 0 : index
    %swap3A_20 = arith.constant 0 : index
    %swap3A_21 = vector.load %arg4[%swap3A_18, %swap3A_19, %swap3A_20] : memref<2x1000x128xf32, #tpu.memory_space<vmem>>, vector<1x1000x128xf32>
    %swap3A_22 = vector.shape_cast %swap3A_21 : vector<1x1000x128xf32> to vector<1000x128xf32>
    %swap3A_23 = vector.shape_cast %slice3A : vector<1000x128xf32> to vector<1x1000x128xf32>
    tpu.vector_store %arg4[%swap3A_18, %swap3A_19, %swap3A_20], %swap3A_23 {strides = array<i32>} : memref<2x1000x128xf32, #tpu.memory_space<vmem>>, vector<1x1000x128xf32>,
    %slice3A_24 = vector.extract_strided_slice %mul3A_17 {offsets = [0, 128], sizes = [1000, 128], strides = [1, 1]} : vector<1000x256xf32> to vector<1000x128xf32>
    %swap3A_25 = arith.constant 1 : index
    %swap3A_26 = arith.constant 0 : index
    %swap3A_27 = arith.constant 0 : index
    %swap3A_28 = vector.load %arg4[%swap3A_25, %swap3A_26, %swap3A_27] : memref<2x1000x128xf32, #tpu.memory_space<vmem>>, vector<1x1000x128xf32>
    %swap3A_29 = vector.shape_cast %swap3A_28 : vector<1x1000x128xf32> to vector<1000x128xf32>
    %swap3A_30 = vector.shape_cast %slice3A_24 : vector<1000x128xf32> to vector<1x1000x128xf32>
    tpu.vector_store %arg4[%swap3A_25, %swap3A_26, %swap3A_27], %swap3A_30 {strides = array<i32>} : memref<2x1000x128xf32, #tpu.memory_space<vmem>>, vector<1x1000x128xf32>,
    return
  }
  func.func @transform_0(%arg0: i32) -> (i32, i32, i32) {
    %c0_i32 = arith.constant 0 : i32
    %c0_i32_0 = arith.constant 0 : i32
    %c0_i32_1 = arith.constant 0 : i32
    return %c0_i32, %arg0, %c0_i32_0 : i32, i32, i32
  }
  func.func @transform_1(%arg0: i32) -> (i32, i32) {
    %c0_i32 = arith.constant 0 : i32
    %c0_i32_0 = arith.constant 0 : i32
    return %arg0, %c0_i32 : i32, i32
  }
  func.func @transform_2(%arg0: i32) -> (i32, i32) {
    %c0_i32 = arith.constant 0 : i32
    %c0_i32_0 = arith.constant 0 : i32
    return %arg0, %c0_i32 : i32, i32
  }
  func.func @transform_3(%arg0: i32) -> (i32, i32, i32) {
    %c0_i32 = arith.constant 0 : i32
    %c0_i32_0 = arith.constant 0 : i32
    %c0_i32_1 = arith.constant 0 : i32
    return %c0_i32, %arg0, %c0_i32_0 : i32, i32, i32
  }
}

module attributes {stable_mosaic.version = 14 : i64} {
  func.func @_mid_body(%arg0: i32, %arg1: memref<2x1000x128xf32, #tpu.memory_space<vmem>>, %arg2: memref<2x1000x128xf32, #tpu.memory_space<vmem>>, %arg3: memref<1000x1xf32, #tpu.memory_space<vmem>>, %arg4: memref<256x256xf32, #tpu.memory_space<vmem>>, %arg5: memref<1x256xf32, #tpu.memory_space<vmem>>, %arg6: memref<2x1000x128xf32, #tpu.memory_space<vmem>>) attributes {dimension_semantics = [#tpu.dimension_semantics<arbitrary>], iteration_bounds = array<i64: 10>, scalar_prefetch = 0 : i64, scratch_operands = 0 : i64, tpu.core_type = #tpu.core_type<tc>, window_params = [{transform_indices = @transform_0, window_bounds = array<i64: 2, 1000, 128>}, {transform_indices = @transform_1, window_bounds = array<i64: 2, 1000, 128>}, {transform_indices = @transform_2, window_bounds = array<i64: 1000, 1>}, {pipeline_mode = #tpu.pipeline_mode<synchronous>, transform_indices = @transform_3, window_bounds = array<i64: 256, 256>}, {pipeline_mode = #tpu.pipeline_mode<synchronous>, transform_indices = @transform_4, window_bounds = array<i64: 1, 256>}, {transform_indices = @transform_5, window_bounds = array<i64: 2, 1000, 128>}]} {
    %get3A = arith.constant 0 : index
    %get3A_0 = arith.constant 0 : index
    %get3A_1 = vector.load %arg3[%get3A, %get3A_0] : memref<1000x1xf32, #tpu.memory_space<vmem>>, vector<1000x1xf32>
    %get3A_2 = arith.constant 0 : index
    %get3A_3 = arith.constant 0 : index
    %get3A_4 = arith.constant 0 : index
    %get3A_5 = vector.load %arg1[%get3A_2, %get3A_3, %get3A_4] : memref<2x1000x128xf32, #tpu.memory_space<vmem>>, vector<1x1000x128xf32>
    %get3A_6 = vector.shape_cast %get3A_5 : vector<1x1000x128xf32> to vector<1000x128xf32>
    %get3A_7 = arith.constant 0 : index
    %get3A_8 = arith.constant 0 : index
    %get3A_9 = arith.constant 0 : index
    %get3A_10 = vector.load %arg2[%get3A_7, %get3A_8, %get3A_9] : memref<2x1000x128xf32, #tpu.memory_space<vmem>>, vector<1x1000x128xf32>
    %get3A_11 = vector.shape_cast %get3A_10 : vector<1x1000x128xf32> to vector<1000x128xf32>
    %add3A = arith.addf %get3A_6, %get3A_11 : vector<1000x128xf32>
    %mul3A = vector.broadcast %get3A_1 : vector<1000x1xf32> to vector<1000x128xf32>
    %mul3A_12 = arith.mulf %add3A, %mul3A : vector<1000x128xf32>
    %get3A_13 = arith.constant 1 : index
    %get3A_14 = arith.constant 0 : index
    %get3A_15 = arith.constant 0 : index
    %get3A_16 = vector.load %arg1[%get3A_13, %get3A_14, %get3A_15] : memref<2x1000x128xf32, #tpu.memory_space<vmem>>, vector<1x1000x128xf32>
    %get3A_17 = vector.shape_cast %get3A_16 : vector<1x1000x128xf32> to vector<1000x128xf32>
    %get3A_18 = arith.constant 1 : index
    %get3A_19 = arith.constant 0 : index
    %get3A_20 = arith.constant 0 : index
    %get3A_21 = vector.load %arg2[%get3A_18, %get3A_19, %get3A_20] : memref<2x1000x128xf32, #tpu.memory_space<vmem>>, vector<1x1000x128xf32>
    %get3A_22 = vector.shape_cast %get3A_21 : vector<1x1000x128xf32> to vector<1000x128xf32>
    %add3A_23 = arith.addf %get3A_17, %get3A_22 : vector<1000x128xf32>
    %mul3A_24 = vector.broadcast %get3A_1 : vector<1000x1xf32> to vector<1000x128xf32>
    %mul3A_25 = arith.mulf %add3A_23, %mul3A_24 : vector<1000x128xf32>
    %get3A_26 = arith.constant 0 : index
    %get3A_27 = arith.constant 0 : index
    %get3A_28 = vector.load %arg4[%get3A_26, %get3A_27] : memref<256x256xf32, #tpu.memory_space<vmem>>, vector<256x256xf32>
    %slice3A = vector.extract_strided_slice %get3A_28 {offsets = [0, 0], sizes = [256, 128], strides = [1, 1]} : vector<256x256xf32> to vector<256x128xf32>
    %dot_general3A = arith.constant dense<0.000000e+00> : vector<1000x256xf32>
    %dot_general3A_29 = tpu.matmul %mul3A_12, %slice3A, %dot_general3A {dimension_numbers = #tpu.dot_dimension_numbers<[1], [1], [0], [0], [0, 0, 1, 0], [], []>, transpose_lhs_hint = false} : vector<1000x128xf32>, vector<256x128xf32>, vector<1000x256xf32> -> vector<1000x256xf32>
    %slice3A_30 = vector.extract_strided_slice %get3A_28 {offsets = [0, 128], sizes = [256, 128], strides = [1, 1]} : vector<256x256xf32> to vector<256x128xf32>
    %dot_general3A_31 = arith.constant dense<0.000000e+00> : vector<1000x256xf32>
    %dot_general3A_32 = tpu.matmul %mul3A_25, %slice3A_30, %dot_general3A_31 {dimension_numbers = #tpu.dot_dimension_numbers<[1], [1], [0], [0], [0, 0, 1, 0], [], []>, transpose_lhs_hint = false} : vector<1000x128xf32>, vector<256x128xf32>, vector<1000x256xf32> -> vector<1000x256xf32>
    %add3A_33 = arith.addf %dot_general3A_29, %dot_general3A_32 : vector<1000x256xf32>
    %get3A_34 = arith.constant 0 : index
    %get3A_35 = arith.constant 0 : index
    %get3A_36 = vector.load %arg5[%get3A_34, %get3A_35] : memref<1x256xf32, #tpu.memory_space<vmem>>, vector<1x256xf32>
    %add3A_37 = vector.broadcast %get3A_36 : vector<1x256xf32> to vector<1000x256xf32>
    %add3A_38 = arith.addf %add3A_33, %add3A_37 : vector<1000x256xf32>
    %max3A = arith.constant 0.000000e+00 : f32
    %max3A_39 = vector.broadcast %max3A : f32 to vector<1000x256xf32>
    %max3A_40 = arith.maximumf %add3A_38, %max3A_39 : vector<1000x256xf32>
    %mul3A_41 = vector.broadcast %get3A_1 : vector<1000x1xf32> to vector<1000x256xf32>
    %mul3A_42 = arith.mulf %max3A_40, %mul3A_41 : vector<1000x256xf32>
    %slice3A_43 = vector.extract_strided_slice %mul3A_42 {offsets = [0, 0], sizes = [1000, 128], strides = [1, 1]} : vector<1000x256xf32> to vector<1000x128xf32>
    %swap3A = arith.constant 0 : index
    %swap3A_44 = arith.constant 0 : index
    %swap3A_45 = arith.constant 0 : index
    %swap3A_46 = vector.load %arg6[%swap3A, %swap3A_44, %swap3A_45] : memref<2x1000x128xf32, #tpu.memory_space<vmem>>, vector<1x1000x128xf32>
    %swap3A_47 = vector.shape_cast %swap3A_46 : vector<1x1000x128xf32> to vector<1000x128xf32>
    %swap3A_48 = vector.shape_cast %slice3A_43 : vector<1000x128xf32> to vector<1x1000x128xf32>
    tpu.vector_store %arg6[%swap3A, %swap3A_44, %swap3A_45], %swap3A_48 {strides = array<i32>} : memref<2x1000x128xf32, #tpu.memory_space<vmem>>, vector<1x1000x128xf32>,
    %slice3A_49 = vector.extract_strided_slice %mul3A_42 {offsets = [0, 128], sizes = [1000, 128], strides = [1, 1]} : vector<1000x256xf32> to vector<1000x128xf32>
    %swap3A_50 = arith.constant 1 : index
    %swap3A_51 = arith.constant 0 : index
    %swap3A_52 = arith.constant 0 : index
    %swap3A_53 = vector.load %arg6[%swap3A_50, %swap3A_51, %swap3A_52] : memref<2x1000x128xf32, #tpu.memory_space<vmem>>, vector<1x1000x128xf32>
    %swap3A_54 = vector.shape_cast %swap3A_53 : vector<1x1000x128xf32> to vector<1000x128xf32>
    %swap3A_55 = vector.shape_cast %slice3A_49 : vector<1000x128xf32> to vector<1x1000x128xf32>
    tpu.vector_store %arg6[%swap3A_50, %swap3A_51, %swap3A_52], %swap3A_55 {strides = array<i32>} : memref<2x1000x128xf32, #tpu.memory_space<vmem>>, vector<1x1000x128xf32>,
    return
  }
  func.func @transform_0(%arg0: i32) -> (i32, i32, i32) {
    %c0_i32 = arith.constant 0 : i32
    %c0_i32_0 = arith.constant 0 : i32
    %c0_i32_1 = arith.constant 0 : i32
    return %c0_i32, %arg0, %c0_i32_0 : i32, i32, i32
  }
  func.func @transform_1(%arg0: i32) -> (i32, i32, i32) {
    %c0_i32 = arith.constant 0 : i32
    %c0_i32_0 = arith.constant 0 : i32
    %c0_i32_1 = arith.constant 0 : i32
    return %c0_i32, %arg0, %c0_i32_0 : i32, i32, i32
  }
  func.func @transform_2(%arg0: i32) -> (i32, i32) {
    %c0_i32 = arith.constant 0 : i32
    %c0_i32_0 = arith.constant 0 : i32
    return %arg0, %c0_i32 : i32, i32
  }
  func.func @transform_3(%arg0: i32) -> (i32, i32) {
    %c0_i32 = arith.constant 0 : i32
    %c0_i32_0 = arith.constant 0 : i32
    %c0_i32_1 = arith.constant 0 : i32
    return %c0_i32, %c0_i32_0 : i32, i32
  }
  func.func @transform_4(%arg0: i32) -> (i32, i32) {
    %c0_i32 = arith.constant 0 : i32
    %c0_i32_0 = arith.constant 0 : i32
    %c0_i32_1 = arith.constant 0 : i32
    return %c0_i32, %c0_i32_0 : i32, i32
  }
  func.func @transform_5(%arg0: i32) -> (i32, i32, i32) {
    %c0_i32 = arith.constant 0 : i32
    %c0_i32_0 = arith.constant 0 : i32
    %c0_i32_1 = arith.constant 0 : i32
    return %c0_i32, %arg0, %c0_i32_0 : i32, i32, i32
  }
}

</mosaic_0001>

<sc_bundles>
// kernel: kernel.10.cloned.1.call-start
scs
__scs_entry_jumppad:
0x0: {  	(pc) =	sbr.rel $0x88, $3  }
0x1: {  	(tag) =	ssettag $0x0;
	lr =	simm.s32 $0x1  }
0x2: {  	[smem:$0x3F99] =	sst lr;
	_ =	strace $0xD0000000  }
0x3: {  	_ = 	snop  }
0x4: {  	_ = 	snop  }
0x5: {  	_ = 	snop  }
0x6: {  	_ = 	snop  }
0x7: {  	_ = 	snop  }
__scs_overlays_trampoline_lowered:
0x8: {  	[smem:$0x3FA8] =	sst s0  }
0x9: {  	[smem:$0x3FA9] =	sst s1  }
0xa: {  	[smem:$0x3FAA] =	sst s2  }
0xb: {  	[smem:$0x3FAB] =	sst s3  }
0xc: {  	[smem:$0x3FAC] =	sst s4  }
0xd: {  	[smem:$0x3FAD] =	sst s5  }
0xe: {  	[smem:$0x3FAE] =	sst s6  }
0xf: {  	[smem:$0x3FAF] =	sst s7  }
0x10: {  	[smem:$0x3FB0] =	sst s8  }
0x11: {  	[smem:$0x3FB1] =	sst s9;
	s0 =	simm.s32 @!p0 $0x0  }
0x12: {  	s1 =	sld [smem:$0x3F97];
	s0 =	simm.s32 @p0 $0x1  }
0x13: {  	[smem:$0x3FB2] =	sst s0;
	s0 =	simm.s32 @!p1 $0x0  }
0x14: {  	s2 =	sld [smem:$0x3F96];
	s0 =	simm.s32 @p1 $0x1  }
0x15: {  	[smem:$0x3FB3] =	sst s0;
	s0 =	simm.s32 @!p2 $0x0  }
0x16: {  	s3 =	sld [smem:$0x3FDB];
	s0 =	simm.s32 @p2 $0x1  }
0x17: {  	s4 =	simm.s32 $0x1BF5;
	[smem:$0x3FB5] =	sst s0  }
0x18: {  	s0 =	sld [smem:$0x3F98];
	_ =	swait.ge [sflag:s4], $0x0  }
0x19: {  	s7 =	sld [smem:$0x3F99]  }
0x1a: {  	s8 =	sadd.s32 $0xFFFFE003, lr  }
0x1b: {  	s9 =	sadd.s32 $0xFFFFFEF7, lr;
	s5 =	simm.s32 $0xFFFFFFFF;
	p2 =	slt.u32 s8, $0xFFFFF086  }
0x1c: {  	p1 =	slt.u32 s9, $0xF7A;
	s5 =	simm.s32 @!p2 $0x0  }
0x1d: {  	s5 =	simm.s32 @p1 $0x1;
	p0 =	seq.s32 s7, s2  }
0x1e: {  	s7 =	smul.u32 @!p0 $0xF7A, s2;
	p2 =	seq.s32 @!p0 s5, $0x0  }
0x1f: {  	s9 =	smul.u32 $0xF7A, s1;
	s8 =	simm.s32 @!p0 $0x1BF5;
	p2 =	por !p2, p0  }
0x20: {  	[sflag:s8] =	ssyncset.s32 @!p0 $0xFFFFF086;
	s6 =	sadd.s32 @!p0 s3, s7;
	s7 =	simm.s32 @!p0 $0x108  }
0x21: {  	s3 =	sadd.s32 s3, s9;
	s6 =	sadd.s32 @!p0 $0x88, s6;
	s7 =	simm.s32 @p2 $0x1082  }
0x22: {  	[simem:s7], [sflag:s8] =	dma.local @!p0 [hbm:s6], $0xF7A  }
0x23: {  	s9 =	sor.u32 $0xD0000000, s2;
	s6 =	simm.s32 $0x108;
	_ =	swait.ge @!p0 [sflag:s8], $0x0  }
0x24: {  	s3 =	sadd.s32 $0x88, s3;
	s6 =	simm.s32 @!p1 $0x1082;
	[sflag:s4] =	ssyncset.s32 $0xFFFFF086  }
0x25: {  	[simem:s6], [sflag:s4] =	dma.local [hbm:s3], $0xF7A  }
0x26: {  	[smem:$0x3F99] =	sst s1;
	(tag) =	ssettag s2;
	_ =	strace s9  }
0x27: {  	s1 =	sld [smem:$0x3FA9]  }
0x28: {  	s2 =	sld [smem:$0x3FAA]  }
0x29: {  	s4 =	sld [smem:$0x3FAC]  }
0x2a: {  	p0 =	seq.s32 s5, $0x0;
	s5 =	sld [smem:$0x3FAD]  }
0x2b: {  	s6 =	sld [smem:$0x3FAE]  }
0x2c: {  	s7 =	sld [smem:$0x3FAF]  }
0x2d: {  	s3 =	simm.s32 $0x108;
	s8 =	sld [smem:$0x3FB0]  }
0x2e: {  	s3 =	simm.s32 @!p0 $0x1082;
	s9 =	sld [smem:$0x3FB1]  }
0x2f: {  	lr =	sadd.s32 s0, s3;
	s0 =	sld [smem:$0x3FA8]  }
0x30: {  	s3 =	sld [smem:$0x3FAB]  }
0x31: {  	[smem:$0x3FB4] =	sst s10  }
0x32: {  	s10 =	sld [smem:$0x3FB2];
	_ =	sdelay $0x3  }
0x33: {  	p0 =	seq.s32 s10, $0x1;
	s10 =	sld [smem:$0x3FB4];
	_ =	sdelay $0x3  }
0x34: {  	[smem:$0x3FB4] =	sst s10  }
0x35: {  	s10 =	sld [smem:$0x3FB3];
	_ =	sdelay $0x3  }
0x36: {  	p1 =	seq.s32 s10, $0x1;
	s10 =	sld [smem:$0x3FB4];
	_ =	sdelay $0x3  }
0x37: {  	[smem:$0x3FB4] =	sst s10  }
0x38: {  	s10 =	sld [smem:$0x3FB5]  }
0x39: {  	_ = 	snop;
	(pc) =	sbr.ind lr, $3  }
0x3a: {  	_ = 	snop  }
0x3b: {  	_ = 	snop  }
0x3c: {  	p2 =	seq.s32 s10, $0x1;
	s10 =	sld [smem:$0x3FB4]  }
0x3d: {  	_ =	shalt  }
0x3e: {  	_ =	shalt  }
0x3f: {  	_ =	shalt  }
0x40: {  	_ =	shalt  }
0x41: {  	_ =	shalt  }
0x42: {  	_ =	shalt  }
0x43: {  	_ =	shalt  }
0x44: {  	_ =	shalt  }
0x45: {  	_ =	shalt  }
0x46: {  	_ =	shalt  }
0x47: {  	_ =	shalt  }
0x48: {  	_ =	shalt  }
0x49: {  	_ =	shalt  }
0x4a: {  	_ =	shalt  }
0x4b: {  	_ =	shalt  }
0x4c: {  	_ =	shalt  }
0x4d: {  	_ =	shalt  }
0x4e: {  	_ =	shalt  }
0x4f: {  	_ =	shalt  }
0x50: {  	_ =	shalt  }
0x51: {  	_ =	shalt  }
0x52: {  	_ =	shalt  }
0x53: {  	_ =	shalt  }
0x54: {  	_ =	shalt  }
0x55: {  	_ =	shalt  }
0x56: {  	_ =	shalt  }
0x57: {  	_ =	shalt  }
0x58: {  	_ =	shalt  }
0x59: {  	_ =	shalt  }
0x5a: {  	_ =	shalt  }
0x5b: {  	_ =	shalt  }
0x5c: {  	_ =	shalt  }
0x5d: {  	_ =	shalt  }
0x5e: {  	_ =	shalt  }
0x5f: {  	_ =	shalt  }
0x60: {  	_ =	shalt  }
0x61: {  	_ =	shalt  }
0x62: {  	_ =	shalt  }
0x63: {  	_ =	shalt  }
0x64: {  	_ =	shalt  }
0x65: {  	_ =	shalt  }
0x66: {  	_ =	shalt  }
0x67: {  	_ =	shalt  }
0x68: {  	_ =	shalt  }
0x69: {  	_ =	shalt  }
0x6a: {  	_ =	shalt  }
0x6b: {  	_ =	shalt  }
0x6c: {  	_ =	shalt  }
0x6d: {  	_ =	shalt  }
0x6e: {  	_ =	shalt  }
0x6f: {  	_ =	shalt  }
0x70: {  	_ =	shalt  }
0x71: {  	_ =	shalt  }
0x72: {  	_ =	shalt  }
0x73: {  	_ =	shalt  }
0x74: {  	_ =	shalt  }
0x75: {  	_ =	shalt  }
0x76: {  	_ =	shalt  }
0x77: {  	_ =	shalt  }
0x78: {  	_ =	shalt  }
0x79: {  	_ =	shalt  }
0x7a: {  	_ =	shalt  }
0x7b: {  	_ =	shalt  }
0x7c: {  	_ =	shalt  }
0x7d: {  	_ =	shalt  }
0x7e: {  	_ =	shalt  }
0x7f: {  	_ =	shalt  }
0x80: {  	_ =	shalt  }
0x81: {  	_ =	shalt  }
0x82: {  	_ =	shalt  }
0x83: {  	_ =	shalt  }
0x84: {  	_ =	shalt  }
0x85: {  	_ =	shalt  }
0x86: {  	_ =	shalt  }
0x87: {  	_ =	shalt  }
.Lfunc_end0:
.L_simem_size_0:
called_computation_lowered:
.L_overlay_start_0:
0x88: {  	s2 =	sld [smem:$0x3FD9]  }
0x89: {  	s3 =	sld [smem:$0x3FFE];
	_ =	sdelay $0x1  }
0x8a: {  	s1 =	srdreg.scid  }
0x8b: {  	s0 =	sand.u32 $0x1, s1  }
0x8c: {  	s17 =	sshll.u32 s0, $0xA;
	s2 =	sadd.s32 s3, s2  }
0x8d: {  	s2 =	sadd.s32 s2, s17  }
0x8e: {  	[smem:$0x3FC0] =	sst s2  }
0x8f: {  	_ = 	snop  }
0x90: {  	s2 =	sld [smem:$0x3FD0];
	(tm) =	ssettm $0x1  }
0x91: {  	s18 =	sld [smem:$0x3FFB];
	_ =	sdelay $0x3  }
0x92: {  	_ =	strace s18  }
0x93: {  	s3 =	sld [smem:$0x3FFC];
	_ =	sdelay $0x3  }
0x94: {  	_ =	strace s3  }
0x95: {  	s3 =	sld [smem:$0x3FFD];
	_ =	sdelay $0x3  }
0x96: {  	_ =	strace s3  }
0x97: {  	_ =	strace $0x8FFFFFFF  }
0x98: {  	s19 =	sld [smem:$0x3FDB];
	_ =	sdelay $0x1  }
0x99: {  	s4 =	simm.s32 $_scs_section_size  }
0x9a: {  	s5 =	simm.s32 $_size__tile_overlayer_lowered;
	s6 =	simm.s32 $_tile_overlayer_lowered  }
0x9b: {  	s22 =	simm.s32 $0x1BFF;
	s21 =	sshll.u32 s6, $0x1;
	s3 =	sadd.s32 s4, s19  }
0x9c: {  	s7 =	simm.s32 $0x0;
	s20 =	sshll.u32 s5, $0x1;
	s5 =	sadd.s32 s21, s3  }
0x9d: {  	[timem:s7], [sflag:s22] =	dma.local [hbm:s5], s20  }
0x9e: {  	_ =	swait.ge [sflag:s22], s20  }
0x9f: {  	s4 =	ssub.s32 $0x0, s20;
	[sflag:s22] =	ssyncset.done $0x0  }
0xa0: {  	[sflag:s22] =	ssyncadd.s32 s4;
	_ =	sdelay $0x1  }
0xa1: {  	s23 =	simm.s32 $0x1B8B  }
0xa2: {  	_ =	swait.ge [sflag:s23], $0x1  }
0xa3: {  	[sflag:s23] =	ssyncset.done $0x0  }
0xa4: {  	s25 =	simm.s32 $0x1B8E;
	s24 =	sld [smem:$0x3FFE];
	[sflag:s23] =	ssyncadd.s32 $0xFFFFFFFF  }
0xa5: {  	s26 =	simm.s32 $execute0_lowered;
	[smem:$0x3FD2] =	sst s25  }
0xa6: {  	s5 =	sshll.u32 s26, $0x1;
	_ =	strace $0x80000046;
	[dreg:$0x1] =	wrdreg $0xFFFFFFFF  }
0xa7: {  	s28 =	simm.s32 $_size_execute0_lowered;
	s3 =	sadd.s32 s3, s5;
	[dreg:$0x0] =	wrdreg $0x0  }
0xa8: {  	s5 =	sshll.u32 s28, $0x1;
	[dreg:$0x2] =	wrdreg s3  }
0xa9: {  	[dreg:$0x3] =	wrdreg s5  }
0xaa: {  	[dreg:$0x4] =	wrdreg $0xC0  }
0xab: {  	_ =	task [dreg:s7], $0x5FFFF  }
0xac: {  	[dreg:$0x1] =	wrdreg $0xFFFFFFFF  }
0xad: {  	[dreg:$0x0] =	wrdreg $0x60  }
0xae: {  	[dreg:$0x2] =	wrdreg s24  }
0xaf: {  	[dreg:$0x3] =	wrdreg s2  }
0xb0: {  	[dreg:$0x4] =	wrdreg $0x54000  }
0xb1: {  	[dreg:$0x5] =	wrdreg $0x9  }
0xb2: {  	_ =	task.clear_ibuf [dreg:s7], $0x6FFFF;
	_ =	strace $0x90000046  }
0xb3: {  	s29 =	simm.s32 $0x9;
	_ =	strace $0x80000048  }
0xb4: {  	_ =	swait.ge [sflag:s29], $0x1  }
0xb5: {  	[sflag:s29] =	ssyncadd.s32 $0xFFFFFFFF  }
0xb6: {  	_ =	strace $0x90000048  }
0xb7: {  	_ =	sfence  }
0xb8: {  	s30 =	sld [smem:$0x0];
	_ =	sdelay $0x2  }
0xb9: {  	s31 =	sshll.u32 s1, $0xD;
	s1 =	sshrl.u32 s1, $0x2  }
0xba: {  	s3 =	sand.u32 $0x4000, s31;
	s1 =	sadd.s32 s1, s30  }
0xbb: {  	s0 =	sor.u32 s3, s0;
	s1 =	sshll.u32 s1, $0x11  }
0xbc: {  	s0 =	sor.u32 s1, s0  }
0xbd: {  	s0 =	sadd.s32 $0x8F2B, s0  }
0xbe: {  	[sflag:s0] =	ssyncadd.remote.s32 $0x1  }
0xbf: {  	_ =	sfence.sel $0xFFFF  }
0xc0: {  	[dreg:$0x0] =	wrdreg $0xFFFFFFFF;
	(pc) =	sbr.abs _section_cstart, $3  }
0xc1: {  	[dreg:$0x1] =	wrdreg $0xFFFFFFFF  }
0xc2: {  	_ =	task.clear_ibuf [dreg:s7], $0x2FFFF;
	_ =	strace $0x9FFFFFFF  }
0xc3: {  	(tm) =	ssettm $0x7FFFFFFF  }
tec
execute0_lowered:
.L_overlay_start_1:
0x0: {  	(tag) =	ssettag $0x1  }
0x1: {  	s6 =	rddreg [dreg:$0x0]  }
0x2: {  	s2 =	rddreg [dreg:$0x1]  }
0x3: {  	s0 =	srdreg.scid;
	s3 =	rddreg [dreg:$0x2];
	s4 =	simm.s32 $0x0  }
0x4: {  	s13 =	simm.s32 $0x80;
	s5 =	sand.u32 $0x1, s0;
	s0 =	stileid.u32  }
0x5: {  	s14 =	simm.s32 $0x0;
	[smem:$0x7FF] =	sst s4;
	s8 =	smul.u32 $0x13C00, s0  }
0x6: {  	s1 =	sshll.u32 s5, $0x4;
	s9 =	smul.u32 $0x13C000, s5;
	s5 =	ssub.s32 $0x2, s5  }
0x7: {  	s29 =	smul.u32 $0x4F000, s0;
	s31 =	sshll.u32 s0, $0x6;
	s1 =	sor.u32 s0, s1  }
0x8: {  	s11 =	sshrl.u32 s5, $0x1;
	s7 =	smul.u32 $0x280, s1;
	s1 =	rddreg [dreg:$0x3]  }
0x9: {  	_ =	strace $0x80000047;
	s10 =	sshrl.u32 s8, $0x3;
	s8 =	sadd.s32 s8, s9  }
0xa: {  	s11 =	ssub.s32 s5, s11;
	s30 =	sshrl.u32 s29, $0x2;
	s10 =	sadd.s32 s10, s6  }
0xb: {  	s8 =	sshrl.u32 s8, $0x3;
	s12 =	sadd.s32 s30, s3;
	s9 =	smax.u32 s11, $0x1  }
0xc: {  	s11 =	simm.s32 $0x1;
	s7 =	sadd.s32 s7, s6;
	s8 =	sadd.s32 s8, s6  }
0xd: {  	s5 =	sadd.s32 $0x6E00, s10;
	s6 =	sor.u32 $0x1C01, s31;
	s10 =	sshrl.u32 s12, $0x3  }
0xe: {  	s12 =	simm.s32 $0x1400;
	s7 =	sadd.s32 $0x1E00, s7;
	s8 =	sadd.s32 $0x2E600, s8  }
.LBB2_1:
0xf: {  	[spmem:s10], [sflag:s6] =	dma.local [hbm:s5], $0x2780  }
0x10: {  	_ =	swait.ge [sflag:s11], $0x2780  }
0x11: {  	[sflag:s11] =	ssyncset.done $0x0  }
0x12: {  	[sflag:s11] =	ssyncadd.s32 $0xFFFFD880  }
0x13: {  	[tilespmem:s12], [sflag:$0x1] =	stream.linear.gather [hbm4b:s2+s4], $0x4000, $0x38;
	[tilespmem:$0x19000] =	vst v63  }
0x14: {  	_ =	swait.ge [sflag:s11], $0x4000  }
0x15: {  	[sflag:s11] =	ssyncset.done $0x0  }
0x16: {  	[sflag:s11] =	ssyncadd.s32 $0xFFFFC000  }
0x17: {  	[tilespmem:s4], [sflag:$0x1] =	stream.linear.gather [hbm4b:s7+s4], $0x1400, $0x38;
	[tilespmem:$0x19000] =	vst v63  }
0x18: {  	_ =	swait.ge [sflag:s11], $0x1400  }
0x19: {  	[sflag:s11] =	ssyncset.done $0x0  }
0x1a: {  	[sflag:s11] =	ssyncadd.s32 $0xFFFFEC00  }
0x1b: {  	s15 =	simm.s32 $0x0;
	[bflag:$0x0] =	sbarrier.arrive $0xFFFF  }
0x1c: {  	[spmem:s3] =	stream.indirect.scatter.add.f32 [tilespmem:s12], [sflag:$0x1], $0x80, s15, s13, $0xb8;
	[tilespmem:$0x19000] =	vst v63  }
0x1d: {  	_ =	swait.ge [sflag:s11], $0x4000  }
0x1e: {  	s15 =	simm.s32 $0x200;
	[sflag:s11] =	ssyncset.done $0x0  }
.LBB2_2:
0x1f: {  	s16 =	sshra.s32 s15, $0x2;
	[sflag:s11] =	ssyncadd.s32 $0xFFFFC000;
	p0 =	sne.s32 s15, $0x4E00  }
0x20: {  	[spmem:s3] =	stream.indirect.scatter.add.f32 [tilespmem:s12], [sflag:$0x1], $0x80, s16, s13, $0xb8;
	[tilespmem:$0x19000] =	vst v63  }
.Ltmp0:
0x21: {  	_ = 	snop;
	(pc) =	sbr.rel @p0 .LBB2_2-.Ltmp0, $4  }
0x22: {  	_ = 	snop  }
0x23: {  	s15 =	sadd.s32 $0x200, s15  }
0x24: {  	_ =	swait.ge [sflag:s11], $0x4000  }
0x25: {  	[sflag:s11] =	ssyncset.done $0x0  }
0x26: {  	s14 =	sadd.s32 $0x1, s14  }
0x27: {  	[sflag:s11] =	ssyncadd.s32 $0xFFFFC000;
	p0 =	sne.s32 s14, s9  }
.Ltmp1:
0x28: {  	[bflag:$0x0] =	sbarrier.arrive $0xFFFF;
	(pc) =	sbr.rel @p0 .LBB2_1-.Ltmp1, $4  }
0x29: {  	[hbm:s8], [sflag:s6] =	dma.local [spmem:s10], $0x2780  }
0x2a: {  	_ =	swait.ge [sflag:s11], $0x2780  }
0x2b: {  	[sflag:s11] =	ssyncset.done $0x0  }
0x2c: {  	[sflag:s11] =	ssyncadd.s32 $0xFFFFD880  }
0x2d: {  	_ =	sfence.sel $0x180000  }
0x2e: {  	[bflag:$0x0] =	sbarrier.arrive $0xFFFF  }
0x2f: {  	p0 =	sne.s32 s0, $0x0;
	_ =	strace $0x90000047  }
0x30: {  	s0 =	sadd.s32 @!p0 $0x100000, s1;
	[bflag:$0x2] =	sbarrier.arrive $0xFFFF  }
0x31: {  	[sflag:s0] =	ssyncadd.tile.s32 @!p0 $0x1;
	_ =	shalt  }
.Lfunc_end2:
_tile_overlayer_lowered:
.L_overlay_start_2:
0x32: {  	(tag) =	ssettag $0x2  }
0x33: {  	s0 =	rddreg [dreg:$0x0];
	s2 =	stileid.u32  }
0x34: {  	s1 =	rddreg [dreg:$0x1];
	p0 =	sne.s32 s2, $0x0  }
0x35: {  	s3 =	rddreg [dreg:$0x2];
	[bflag:$0x3] =	sbarrier.arrive $0xFFFF;
	s2 =	simm.s32 @!p0 $0x1C01  }
0x36: {  	[timem:s3], [sflag:s2] =	dma.local @!p0 [hbm:s0], s1  }
0x37: {  	s0 =	simm.s32 @!p0 $0x1  }
0x38: {  	_ =	swait.ge @!p0 [sflag:s0], s1  }
0x39: {  	s1 =	ssub.s32 @!p0 $0x0, s1;
	[sflag:s0] =	ssyncset.done @!p0 $0x0  }
0x3a: {  	[sflag:s0] =	ssyncadd.s32 @!p0 s1  }
0x3b: {  	[bflag:$0x3] =	sbarrier.arrive $0xFFFF  }
0x3c: {  	_ =	shalt  }

// kernel: kernel.13.cloned.1.call-start
scs
__scs_entry_jumppad:
0x0: {  	(pc) =	sbr.rel $0x88, $3  }
0x1: {  	(tag) =	ssettag $0x0;
	lr =	simm.s32 $0x1  }
0x2: {  	[smem:$0x3F99] =	sst lr;
	_ =	strace $0xD0000000  }
0x3: {  	_ = 	snop  }
0x4: {  	_ = 	snop  }
0x5: {  	_ = 	snop  }
0x6: {  	_ = 	snop  }
0x7: {  	_ = 	snop  }
__scs_overlays_trampoline_lowered:
0x8: {  	[smem:$0x3FA8] =	sst s0  }
0x9: {  	[smem:$0x3FA9] =	sst s1  }
0xa: {  	[smem:$0x3FAA] =	sst s2  }
0xb: {  	[smem:$0x3FAB] =	sst s3  }
0xc: {  	[smem:$0x3FAC] =	sst s4  }
0xd: {  	[smem:$0x3FAD] =	sst s5  }
0xe: {  	[smem:$0x3FAE] =	sst s6  }
0xf: {  	[smem:$0x3FAF] =	sst s7  }
0x10: {  	[smem:$0x3FB0] =	sst s8  }
0x11: {  	[smem:$0x3FB1] =	sst s9;
	s0 =	simm.s32 @!p0 $0x0  }
0x12: {  	s1 =	sld [smem:$0x3F97];
	s0 =	simm.s32 @p0 $0x1  }
0x13: {  	[smem:$0x3FB2] =	sst s0;
	s0 =	simm.s32 @!p1 $0x0  }
0x14: {  	s2 =	sld [smem:$0x3F96];
	s0 =	simm.s32 @p1 $0x1  }
0x15: {  	[smem:$0x3FB3] =	sst s0;
	s0 =	simm.s32 @!p2 $0x0  }
0x16: {  	s3 =	sld [smem:$0x3FDB];
	s0 =	simm.s32 @p2 $0x1  }
0x17: {  	s4 =	simm.s32 $0x1BF5;
	[smem:$0x3FB5] =	sst s0  }
0x18: {  	s0 =	sld [smem:$0x3F98];
	_ =	swait.ge [sflag:s4], $0x0  }
0x19: {  	s7 =	sld [smem:$0x3F99]  }
0x1a: {  	s8 =	sadd.s32 $0xFFFFE003, lr  }
0x1b: {  	s9 =	sadd.s32 $0xFFFFFEF7, lr;
	s5 =	simm.s32 $0xFFFFFFFF;
	p2 =	slt.u32 s8, $0xFFFFF086  }
0x1c: {  	p1 =	slt.u32 s9, $0xF7A;
	s5 =	simm.s32 @!p2 $0x0  }
0x1d: {  	s5 =	simm.s32 @p1 $0x1;
	p0 =	seq.s32 s7, s2  }
0x1e: {  	s7 =	smul.u32 @!p0 $0xF7A, s2;
	p2 =	seq.s32 @!p0 s5, $0x0  }
0x1f: {  	s9 =	smul.u32 $0xF7A, s1;
	s8 =	simm.s32 @!p0 $0x1BF5;
	p2 =	por !p2, p0  }
0x20: {  	[sflag:s8] =	ssyncset.s32 @!p0 $0xFFFFF086;
	s6 =	sadd.s32 @!p0 s3, s7;
	s7 =	simm.s32 @!p0 $0x108  }
0x21: {  	s3 =	sadd.s32 s3, s9;
	s6 =	sadd.s32 @!p0 $0x88, s6;
	s7 =	simm.s32 @p2 $0x1082  }
0x22: {  	[simem:s7], [sflag:s8] =	dma.local @!p0 [hbm:s6], $0xF7A  }
0x23: {  	s9 =	sor.u32 $0xD0000000, s2;
	s6 =	simm.s32 $0x108;
	_ =	swait.ge @!p0 [sflag:s8], $0x0  }
0x24: {  	s3 =	sadd.s32 $0x88, s3;
	s6 =	simm.s32 @!p1 $0x1082;
	[sflag:s4] =	ssyncset.s32 $0xFFFFF086  }
0x25: {  	[simem:s6], [sflag:s4] =	dma.local [hbm:s3], $0xF7A  }
0x26: {  	[smem:$0x3F99] =	sst s1;
	(tag) =	ssettag s2;
	_ =	strace s9  }
0x27: {  	s1 =	sld [smem:$0x3FA9]  }
0x28: {  	s2 =	sld [smem:$0x3FAA]  }
0x29: {  	s4 =	sld [smem:$0x3FAC]  }
0x2a: {  	p0 =	seq.s32 s5, $0x0;
	s5 =	sld [smem:$0x3FAD]  }
0x2b: {  	s6 =	sld [smem:$0x3FAE]  }
0x2c: {  	s7 =	sld [smem:$0x3FAF]  }
0x2d: {  	s3 =	simm.s32 $0x108;
	s8 =	sld [smem:$0x3FB0]  }
0x2e: {  	s3 =	simm.s32 @!p0 $0x1082;
	s9 =	sld [smem:$0x3FB1]  }
0x2f: {  	lr =	sadd.s32 s0, s3;
	s0 =	sld [smem:$0x3FA8]  }
0x30: {  	s3 =	sld [smem:$0x3FAB]  }
0x31: {  	[smem:$0x3FB4] =	sst s10  }
0x32: {  	s10 =	sld [smem:$0x3FB2];
	_ =	sdelay $0x3  }
0x33: {  	p0 =	seq.s32 s10, $0x1;
	s10 =	sld [smem:$0x3FB4];
	_ =	sdelay $0x3  }
0x34: {  	[smem:$0x3FB4] =	sst s10  }
0x35: {  	s10 =	sld [smem:$0x3FB3];
	_ =	sdelay $0x3  }
0x36: {  	p1 =	seq.s32 s10, $0x1;
	s10 =	sld [smem:$0x3FB4];
	_ =	sdelay $0x3  }
0x37: {  	[smem:$0x3FB4] =	sst s10  }
0x38: {  	s10 =	sld [smem:$0x3FB5]  }
0x39: {  	_ = 	snop;
	(pc) =	sbr.ind lr, $3  }
0x3a: {  	_ = 	snop  }
0x3b: {  	_ = 	snop  }
0x3c: {  	p2 =	seq.s32 s10, $0x1;
	s10 =	sld [smem:$0x3FB4]  }
0x3d: {  	_ =	shalt  }
0x3e: {  	_ =	shalt  }
0x3f: {  	_ =	shalt  }
0x40: {  	_ =	shalt  }
0x41: {  	_ =	shalt  }
0x42: {  	_ =	shalt  }
0x43: {  	_ =	shalt  }
0x44: {  	_ =	shalt  }
0x45: {  	_ =	shalt  }
0x46: {  	_ =	shalt  }
0x47: {  	_ =	shalt  }
0x48: {  	_ =	shalt  }
0x49: {  	_ =	shalt  }
0x4a: {  	_ =	shalt  }
0x4b: {  	_ =	shalt  }
0x4c: {  	_ =	shalt  }
0x4d: {  	_ =	shalt  }
0x4e: {  	_ =	shalt  }
0x4f: {  	_ =	shalt  }
0x50: {  	_ =	shalt  }
0x51: {  	_ =	shalt  }
0x52: {  	_ =	shalt  }
0x53: {  	_ =	shalt  }
0x54: {  	_ =	shalt  }
0x55: {  	_ =	shalt  }
0x56: {  	_ =	shalt  }
0x57: {  	_ =	shalt  }
0x58: {  	_ =	shalt  }
0x59: {  	_ =	shalt  }
0x5a: {  	_ =	shalt  }
0x5b: {  	_ =	shalt  }
0x5c: {  	_ =	shalt  }
0x5d: {  	_ =	shalt  }
0x5e: {  	_ =	shalt  }
0x5f: {  	_ =	shalt  }
0x60: {  	_ =	shalt  }
0x61: {  	_ =	shalt  }
0x62: {  	_ =	shalt  }
0x63: {  	_ =	shalt  }
0x64: {  	_ =	shalt  }
0x65: {  	_ =	shalt  }
0x66: {  	_ =	shalt  }
0x67: {  	_ =	shalt  }
0x68: {  	_ =	shalt  }
0x69: {  	_ =	shalt  }
0x6a: {  	_ =	shalt  }
0x6b: {  	_ =	shalt  }
0x6c: {  	_ =	shalt  }
0x6d: {  	_ =	shalt  }
0x6e: {  	_ =	shalt  }
0x6f: {  	_ =	shalt  }
0x70: {  	_ =	shalt  }
0x71: {  	_ =	shalt  }
0x72: {  	_ =	shalt  }
0x73: {  	_ =	shalt  }
0x74: {  	_ =	shalt  }
0x75: {  	_ =	shalt  }
0x76: {  	_ =	shalt  }
0x77: {  	_ =	shalt  }
0x78: {  	_ =	shalt  }
0x79: {  	_ =	shalt  }
0x7a: {  	_ =	shalt  }
0x7b: {  	_ =	shalt  }
0x7c: {  	_ =	shalt  }
0x7d: {  	_ =	shalt  }
0x7e: {  	_ =	shalt  }
0x7f: {  	_ =	shalt  }
0x80: {  	_ =	shalt  }
0x81: {  	_ =	shalt  }
0x82: {  	_ =	shalt  }
0x83: {  	_ =	shalt  }
0x84: {  	_ =	shalt  }
0x85: {  	_ =	shalt  }
0x86: {  	_ =	shalt  }
0x87: {  	_ =	shalt  }
.Lfunc_end0:
.L_simem_size_0:
called_computation.1_lowered:
.L_overlay_start_0:
0x88: {  	s2 =	sld [smem:$0x3FD9]  }
0x89: {  	s3 =	sld [smem:$0x3FFE];
	_ =	sdelay $0x1  }
0x8a: {  	s1 =	srdreg.scid  }
0x8b: {  	s0 =	sand.u32 $0x1, s1  }
0x8c: {  	s17 =	sshll.u32 s0, $0xA;
	s2 =	sadd.s32 s3, s2  }
0x8d: {  	s2 =	sadd.s32 s2, s17  }
0x8e: {  	[smem:$0x3FC0] =	sst s2  }
0x8f: {  	_ = 	snop  }
0x90: {  	s2 =	sld [smem:$0x3FD0];
	(tm) =	ssettm $0x1  }
0x91: {  	s18 =	sld [smem:$0x3FFB];
	_ =	sdelay $0x3  }
0x92: {  	_ =	strace s18  }
0x93: {  	s3 =	sld [smem:$0x3FFC];
	_ =	sdelay $0x3  }
0x94: {  	_ =	strace s3  }
0x95: {  	s3 =	sld [smem:$0x3FFD];
	_ =	sdelay $0x3  }
0x96: {  	_ =	strace s3  }
0x97: {  	_ =	strace $0x8FFFFFFF  }
0x98: {  	s19 =	sld [smem:$0x3FDB];
	_ =	sdelay $0x1  }
0x99: {  	s4 =	simm.s32 $_scs_section_size  }
0x9a: {  	s5 =	simm.s32 $_size__tile_overlayer_lowered;
	s6 =	simm.s32 $_tile_overlayer_lowered  }
0x9b: {  	s22 =	simm.s32 $0x1BFF;
	s21 =	sshll.u32 s6, $0x1;
	s3 =	sadd.s32 s4, s19  }
0x9c: {  	s7 =	simm.s32 $0x0;
	s20 =	sshll.u32 s5, $0x1;
	s5 =	sadd.s32 s21, s3  }
0x9d: {  	[timem:s7], [sflag:s22] =	dma.local [hbm:s5], s20  }
0x9e: {  	_ =	swait.ge [sflag:s22], s20  }
0x9f: {  	s4 =	ssub.s32 $0x0, s20;
	[sflag:s22] =	ssyncset.done $0x0  }
0xa0: {  	[sflag:s22] =	ssyncadd.s32 s4;
	_ =	sdelay $0x1  }
0xa1: {  	s23 =	simm.s32 $0x1B8B  }
0xa2: {  	_ =	swait.ge [sflag:s23], $0x1  }
0xa3: {  	[sflag:s23] =	ssyncset.done $0x0  }
0xa4: {  	s25 =	simm.s32 $0x1B8E;
	s24 =	sld [smem:$0x3FFE];
	[sflag:s23] =	ssyncadd.s32 $0xFFFFFFFF  }
0xa5: {  	s26 =	simm.s32 $execute0_lowered;
	[smem:$0x3FD2] =	sst s25  }
0xa6: {  	s5 =	sshll.u32 s26, $0x1;
	_ =	strace $0x80000049;
	[dreg:$0x1] =	wrdreg $0xFFFFFFFF  }
0xa7: {  	s28 =	simm.s32 $_size_execute0_lowered;
	s3 =	sadd.s32 s3, s5;
	[dreg:$0x0] =	wrdreg $0x0  }
0xa8: {  	s5 =	sshll.u32 s28, $0x1;
	[dreg:$0x2] =	wrdreg s3  }
0xa9: {  	[dreg:$0x3] =	wrdreg s5  }
0xaa: {  	[dreg:$0x4] =	wrdreg $0xC0  }
0xab: {  	_ =	task [dreg:s7], $0x5FFFF  }
0xac: {  	[dreg:$0x1] =	wrdreg $0xFFFFFFFF  }
0xad: {  	[dreg:$0x0] =	wrdreg $0x60  }
0xae: {  	[dreg:$0x2] =	wrdreg s2  }
0xaf: {  	[dreg:$0x3] =	wrdreg s24  }
0xb0: {  	[dreg:$0x4] =	wrdreg $0xA8000  }
0xb1: {  	[dreg:$0x5] =	wrdreg $0x9  }
0xb2: {  	_ =	task.clear_ibuf [dreg:s7], $0x6FFFF;
	_ =	strace $0x90000049  }
0xb3: {  	s29 =	simm.s32 $0x9;
	_ =	strace $0x8000004B  }
0xb4: {  	_ =	swait.ge [sflag:s29], $0x1  }
0xb5: {  	[sflag:s29] =	ssyncadd.s32 $0xFFFFFFFF  }
0xb6: {  	_ =	strace $0x9000004B  }
0xb7: {  	_ =	sfence  }
0xb8: {  	s30 =	sld [smem:$0x0];
	_ =	sdelay $0x2  }
0xb9: {  	s31 =	sshll.u32 s1, $0xD;
	s1 =	sshrl.u32 s1, $0x2  }
0xba: {  	s3 =	sand.u32 $0x4000, s31;
	s1 =	sadd.s32 s1, s30  }
0xbb: {  	s0 =	sor.u32 s3, s0;
	s1 =	sshll.u32 s1, $0x11  }
0xbc: {  	s0 =	sor.u32 s1, s0  }
0xbd: {  	s0 =	sadd.s32 $0x8F2B, s0  }
0xbe: {  	[sflag:s0] =	ssyncadd.remote.s32 $0x1  }
0xbf: {  	_ =	sfence.sel $0xFFFF  }
0xc0: {  	[dreg:$0x0] =	wrdreg $0xFFFFFFFF;
	(pc) =	sbr.abs _section_cstart, $3  }
0xc1: {  	[dreg:$0x1] =	wrdreg $0xFFFFFFFF  }
0xc2: {  	_ =	task.clear_ibuf [dreg:s7], $0x2FFFF;
	_ =	strace $0x9FFFFFFF  }
0xc3: {  	(tm) =	ssettm $0x7FFFFFFF  }
tec
execute0_lowered:
.L_overlay_start_1:
0x0: {  	(tag) =	ssettag $0x1  }
0x1: {  	s1 =	rddreg [dreg:$0x0]  }
0x2: {  	s5 =	rddreg [dreg:$0x1]  }
0x3: {  	s3 =	rddreg [dreg:$0x2]  }
0x4: {  	s0 =	rddreg [dreg:$0x3];
	s4 =	simm.s32 $0x0;
	s2 =	stileid.u32  }
0x5: {  	s6 =	srdreg.scid;
	s17 =	simm.s32 $0x2800;
	s18 =	simm.s32 $0x6800  }
0x6: {  	s19 =	simm.s32 $0x1;
	s20 =	simm.s32 $0x2;
	s21 =	simm.s32 $0x3  }
0x7: {  	s22 =	simm.s32 $0x4;
	s23 =	simm.s32 $0x0;
	s7 =	smul.u32 $0x13C00, s2  }
0x8: {  	[smem:$0x7FF] =	sst s4;
	s6 =	sand.u32 $0x1, s6;
	s25 =	smul.u32 $0x4F000, s2  }
0x9: {  	s9 =	sadd.s32 $0x7D600, s5;
	s10 =	sadd.s32 $0x1E00, s5;
	s14 =	smul.u32 $0x2800, s2  }
0xa: {  	s28 =	sshll.u32 s2, $0x6;
	_ =	strace $0x8000004A;
	s8 =	smul.u32 $0x13C000, s6  }
0xb: {  	s12 =	ssub.s32 $0x2, s6;
	s13 =	smul.u32 $0x28000, s6;
	s6 =	sor.u32 $0x1C05, s28  }
0xc: {  	s11 =	sshrl.u32 s7, $0x3;
	s26 =	sshrl.u32 s12, $0x1;
	s30 =	sadd.s32 $0x1400, s14  }
0xd: {  	s31 =	sshrl.u32 s14, $0x3;
	s11 =	sadd.s32 s11, s5;
	s7 =	sadd.s32 s7, s8  }
0xe: {  	s8 =	sshrl.u32 s25, $0x2;
	s12 =	ssub.s32 s12, s26;
	s29 =	sadd.s32 s14, s13  }
0xf: {  	s13 =	sadd.s32 s13, s30;
	s14 =	simm.s32 $0x5;
	s7 =	sshrl.u32 s7, $0x3  }
0x10: {  	s16 =	sadd.s32 s8, s3;
	s8 =	sadd.s32 s10, s31;
	s13 =	sshrl.u32 s13, $0x3  }
0x11: {  	s12 =	smax.u32 s12, $0x1;
	s15 =	sadd.s32 s7, s5;
	s7 =	sshrl.u32 s29, $0x3  }
0x12: {  	s5 =	sadd.s32 $0x6E00, s11;
	s11 =	sshrl.u32 s30, $0x3;
	s7 =	sadd.s32 s9, s7  }
0x13: {  	s9 =	sadd.s32 s9, s13;
	s10 =	sadd.s32 s10, s11;
	s11 =	sadd.s32 $0x2E600, s15  }
0x14: {  	s13 =	sshrl.u32 s16, $0x3;
	s15 =	simm.s32 $0x1400;
	s16 =	simm.s32 $0x80  }
.LBB2_1:
0x15: {  	[spmem:s13], [sflag:s6] =	dma.local [hbm:s5], $0x2780  }
0x16: {  	_ =	swait.ge [sflag:s14], $0x2780  }
0x17: {  	[sflag:s14] =	ssyncset.done $0x0  }
0x18: {  	[sflag:s14] =	ssyncadd.s32 $0xFFFFD880  }
0x19: {  	[tilespmem:s4], [sflag:$0x5] =	stream.linear.gather [hbm4b:s7+s4], $0x1400, $0x38;
	[tilespmem:$0x1E400] =	vst v63  }
0x1a: {  	_ =	swait.ge [sflag:s14], $0x1400  }
0x1b: {  	[sflag:s14] =	ssyncset.done $0x0  }
0x1c: {  	[sflag:s14] =	ssyncadd.s32 $0xFFFFEC00  }
0x1d: {  	[tilespmem:s15], [sflag:$0x5] =	stream.linear.gather [hbm4b:s8+s4], $0x1400, $0x38;
	[tilespmem:$0x1E400] =	vst v63  }
0x1e: {  	_ =	swait.ge [sflag:s14], $0x1400  }
0x1f: {  	[sflag:s14] =	ssyncset.done $0x0  }
0x20: {  	[sflag:s14] =	ssyncadd.s32 $0xFFFFEC00  }
0x21: {  	s24 =	simm.s32 $0x0;
	[bflag:$0x0] =	sbarrier.arrive $0xFFFF  }
0x22: {  	[tilespmem:s17], [sflag:$0x1] =	stream.indirect.gather [hbm4b:s1+s16], $0x80, s24, s16, $0xb8;
	[tilespmem:$0x1E400] =	vst v63  }
0x23: {  	s29 =	simm.s32 $0x80  }
0x24: {  	[tilespmem:s18], [sflag:$0x2] =	stream.indirect.gather [hbm4b:s1+s16], $0x80, s29, s16, $0xb8;
	[tilespmem:$0x1E400] =	vst v63  }
0x25: {  	_ =	swait.ge [sflag:s19], $0x4000  }
0x26: {  	[sflag:s19] =	ssyncset.done $0x0  }
0x27: {  	s30 =	simm.s32 $0x1400;
	[sflag:s19] =	ssyncadd.s32 $0xFFFFC000  }
0x28: {  	[spmem:s3] =	stream.indirect.scatter.add.f32 [tilespmem:s17], [sflag:$0x3], $0x80, s30, s16, $0xb8;
	[tilespmem:$0x1E400] =	vst v63  }
0x29: {  	_ =	swait.ge [sflag:s20], $0x4000  }
0x2a: {  	[sflag:s20] =	ssyncset.done $0x0  }
0x2b: {  	s31 =	simm.s32 $0x1480;
	[sflag:s20] =	ssyncadd.s32 $0xFFFFC000  }
0x2c: {  	[spmem:s3] =	stream.indirect.scatter.add.f32 [tilespmem:s18], [sflag:$0x4], $0x80, s31, s16, $0xb8;
	[tilespmem:$0x1E400] =	vst v63  }
0x2d: {  	_ =	swait.ge [sflag:s21], $0x4000  }
0x2e: {  	[sflag:s21] =	ssyncset.done $0x0  }
0x2f: {  	[sflag:s21] =	ssyncadd.s32 $0xFFFFC000  }
0x30: {  	_ =	swait.ge [sflag:s22], $0x4000  }
0x31: {  	s25 =	simm.s32 $0x800;
	s24 =	simm.s32 $0x400;
	[sflag:s22] =	ssyncset.done $0x0  }
.LBB2_2:
0x32: {  	s26 =	sshra.s32 s24, $0x2  }
0x33: {  	[sflag:s22] =	ssyncadd.s32 $0xFFFFC000;
	s24 =	smov.u32 s25;
	s28 =	sadd.s32 $0x400, s25  }
0x34: {  	[tilespmem:s17], [sflag:$0x1] =	stream.indirect.gather [hbm4b:s1+s16], $0x80, s26, s16, $0xb8;
	[tilespmem:$0x1E400] =	vst v63  }
0x35: {  	p0 =	sne.s32 s25, $0x4C00;
	s25 =	sadd.s32 $0x80, s26  }
0x36: {  	[tilespmem:s18], [sflag:$0x2] =	stream.indirect.gather [hbm4b:s1+s16], $0x80, s25, s16, $0xb8;
	[tilespmem:$0x1E400] =	vst v63  }
0x37: {  	_ =	swait.ge [sflag:s19], $0x4000  }
0x38: {  	[sflag:s19] =	ssyncset.done $0x0  }
0x39: {  	s25 =	sadd.s32 $0x1400, s26;
	[sflag:s19] =	ssyncadd.s32 $0xFFFFC000  }
0x3a: {  	[spmem:s3] =	stream.indirect.scatter.add.f32 [tilespmem:s17], [sflag:$0x3], $0x80, s25, s16, $0xb8;
	[tilespmem:$0x1E400] =	vst v63  }
0x3b: {  	_ =	swait.ge [sflag:s20], $0x4000  }
0x3c: {  	[sflag:s20] =	ssyncset.done $0x0  }
0x3d: {  	s25 =	sadd.s32 $0x1480, s26;
	[sflag:s20] =	ssyncadd.s32 $0xFFFFC000  }
0x3e: {  	[spmem:s3] =	stream.indirect.scatter.add.f32 [tilespmem:s18], [sflag:$0x4], $0x80, s25, s16, $0xb8;
	[tilespmem:$0x1E400] =	vst v63  }
.Ltmp0:
0x3f: {  	_ =	swait.ge [sflag:s21], $0x4000;
	(pc) =	sbr.rel @p0 .LBB2_2-.Ltmp0, $4  }
0x40: {  	[sflag:s21] =	ssyncset.done $0x0  }
0x41: {  	[sflag:s21] =	ssyncadd.s32 $0xFFFFC000  }
0x42: {  	_ =	swait.ge [sflag:s22], $0x4000  }
0x43: {  	s25 =	smov.u32 s28;
	[sflag:s22] =	ssyncset.done $0x0  }
0x44: {  	s24 =	sshra.s32 s24, $0x2;
	[sflag:s22] =	ssyncadd.s32 $0xFFFFC000  }
0x45: {  	[tilespmem:s17], [sflag:$0x1] =	stream.indirect.gather [hbm4b:s1+s16], $0x80, s24, s16, $0xb8;
	[tilespmem:$0x1E400] =	vst v63  }
0x46: {  	s25 =	sadd.s32 $0x80, s24  }
0x47: {  	[tilespmem:s18], [sflag:$0x2] =	stream.indirect.gather [hbm4b:s1+s16], $0x80, s25, s16, $0xb8;
	[tilespmem:$0x1E400] =	vst v63  }
0x48: {  	_ =	swait.ge [sflag:s19], $0x4000  }
0x49: {  	[sflag:s19] =	ssyncset.done $0x0  }
0x4a: {  	s31 =	sadd.s32 $0x1400, s24;
	[sflag:s19] =	ssyncadd.s32 $0xFFFFC000  }
0x4b: {  	[spmem:s3] =	stream.indirect.scatter.add.f32 [tilespmem:s17], [sflag:$0x3], $0x80, s31, s16, $0xb8;
	[tilespmem:$0x1E400] =	vst v63  }
0x4c: {  	_ =	swait.ge [sflag:s20], $0x4000  }
0x4d: {  	[sflag:s20] =	ssyncset.done $0x0  }
0x4e: {  	s24 =	sadd.s32 $0x1480, s24;
	[sflag:s20] =	ssyncadd.s32 $0xFFFFC000  }
0x4f: {  	[spmem:s3] =	stream.indirect.scatter.add.f32 [tilespmem:s18], [sflag:$0x4], $0x80, s24, s16, $0xb8;
	[tilespmem:$0x1E400] =	vst v63  }
0x50: {  	_ =	swait.ge [sflag:s21], $0x4000  }
0x51: {  	[sflag:s21] =	ssyncset.done $0x0  }
0x52: {  	[sflag:s21] =	ssyncadd.s32 $0xFFFFC000  }
0x53: {  	_ =	swait.ge [sflag:s22], $0x4000  }
0x54: {  	[sflag:s22] =	ssyncset.done $0x0  }
0x55: {  	s26 =	simm.s32 $0x0;
	[sflag:s22] =	ssyncadd.s32 $0xFFFFC000  }
0x56: {  	[tilespmem:s26], [sflag:$0x5] =	stream.linear.gather [hbm4b:s9+s26], $0x1400, $0x38;
	[tilespmem:$0x1E400] =	vst v63  }
0x57: {  	_ =	swait.ge [sflag:s14], $0x1400  }
0x58: {  	[sflag:s14] =	ssyncset.done $0x0  }
0x59: {  	[sflag:s14] =	ssyncadd.s32 $0xFFFFEC00  }
0x5a: {  	[tilespmem:s15], [sflag:$0x5] =	stream.linear.gather [hbm4b:s10+s26], $0x1400, $0x38;
	[tilespmem:$0x1E400] =	vst v63  }
0x5b: {  	_ =	swait.ge [sflag:s14], $0x1400  }
0x5c: {  	[sflag:s14] =	ssyncset.done $0x0  }
0x5d: {  	s28 =	simm.s32 $0x0;
	[sflag:s14] =	ssyncadd.s32 $0xFFFFEC00  }
0x5e: {  	[tilespmem:s17], [sflag:$0x1] =	stream.indirect.gather [hbm4b:s1+s16], $0x80, s28, s16, $0xb8;
	[tilespmem:$0x1E400] =	vst v63  }
0x5f: {  	s29 =	simm.s32 $0x80  }
0x60: {  	[tilespmem:s18], [sflag:$0x2] =	stream.indirect.gather [hbm4b:s1+s16], $0x80, s29, s16, $0xb8;
	[tilespmem:$0x1E400] =	vst v63  }
0x61: {  	_ =	swait.ge [sflag:s19], $0x4000  }
0x62: {  	[sflag:s19] =	ssyncset.done $0x0  }
0x63: {  	s30 =	simm.s32 $0x1400;
	[sflag:s19] =	ssyncadd.s32 $0xFFFFC000  }
0x64: {  	[spmem:s3] =	stream.indirect.scatter.add.f32 [tilespmem:s17], [sflag:$0x3], $0x80, s30, s16, $0xb8;
	[tilespmem:$0x1E400] =	vst v63  }
0x65: {  	_ =	swait.ge [sflag:s20], $0x4000  }
0x66: {  	[sflag:s20] =	ssyncset.done $0x0  }
0x67: {  	s31 =	simm.s32 $0x1480;
	[sflag:s20] =	ssyncadd.s32 $0xFFFFC000  }
0x68: {  	[spmem:s3] =	stream.indirect.scatter.add.f32 [tilespmem:s18], [sflag:$0x4], $0x80, s31, s16, $0xb8;
	[tilespmem:$0x1E400] =	vst v63  }
0x69: {  	_ =	swait.ge [sflag:s21], $0x4000  }
0x6a: {  	[sflag:s21] =	ssyncset.done $0x0  }
0x6b: {  	[sflag:s21] =	ssyncadd.s32 $0xFFFFC000  }
0x6c: {  	_ =	swait.ge [sflag:s22], $0x4000  }
0x6d: {  	s25 =	simm.s32 $0x800;
	s24 =	simm.s32 $0x400;
	[sflag:s22] =	ssyncset.done $0x0  }
.LBB2_4:
0x6e: {  	s26 =	sshra.s32 s24, $0x2  }
0x6f: {  	[sflag:s22] =	ssyncadd.s32 $0xFFFFC000;
	s24 =	smov.u32 s25;
	s28 =	sadd.s32 $0x400, s25  }
0x70: {  	[tilespmem:s17], [sflag:$0x1] =	stream.indirect.gather [hbm4b:s1+s16], $0x80, s26, s16, $0xb8;
	[tilespmem:$0x1E400] =	vst v63  }
0x71: {  	p0 =	sne.s32 s25, $0x4C00;
	s25 =	sadd.s32 $0x80, s26  }
0x72: {  	[tilespmem:s18], [sflag:$0x2] =	stream.indirect.gather [hbm4b:s1+s16], $0x80, s25, s16, $0xb8;
	[tilespmem:$0x1E400] =	vst v63  }
0x73: {  	_ =	swait.ge [sflag:s19], $0x4000  }
0x74: {  	[sflag:s19] =	ssyncset.done $0x0  }
0x75: {  	s25 =	sadd.s32 $0x1400, s26;
	[sflag:s19] =	ssyncadd.s32 $0xFFFFC000  }
0x76: {  	[spmem:s3] =	stream.indirect.scatter.add.f32 [tilespmem:s17], [sflag:$0x3], $0x80, s25, s16, $0xb8;
	[tilespmem:$0x1E400] =	vst v63  }
0x77: {  	_ =	swait.ge [sflag:s20], $0x4000  }
0x78: {  	[sflag:s20] =	ssyncset.done $0x0  }
0x79: {  	s25 =	sadd.s32 $0x1480, s26;
	[sflag:s20] =	ssyncadd.s32 $0xFFFFC000  }
0x7a: {  	[spmem:s3] =	stream.indirect.scatter.add.f32 [tilespmem:s18], [sflag:$0x4], $0x80, s25, s16, $0xb8;
	[tilespmem:$0x1E400] =	vst v63  }
.Ltmp1:
0x7b: {  	_ =	swait.ge [sflag:s21], $0x4000;
	(pc) =	sbr.rel @p0 .LBB2_4-.Ltmp1, $4  }
0x7c: {  	[sflag:s21] =	ssyncset.done $0x0  }
0x7d: {  	[sflag:s21] =	ssyncadd.s32 $0xFFFFC000  }
0x7e: {  	_ =	swait.ge [sflag:s22], $0x4000  }
0x7f: {  	s25 =	smov.u32 s28;
	[sflag:s22] =	ssyncset.done $0x0  }
0x80: {  	s24 =	sshra.s32 s24, $0x2;
	[sflag:s22] =	ssyncadd.s32 $0xFFFFC000  }
0x81: {  	[tilespmem:s17], [sflag:$0x1] =	stream.indirect.gather [hbm4b:s1+s16], $0x80, s24, s16, $0xb8;
	[tilespmem:$0x1E400] =	vst v63  }
0x82: {  	s25 =	sadd.s32 $0x80, s24  }
0x83: {  	[tilespmem:s18], [sflag:$0x2] =	stream.indirect.gather [hbm4b:s1+s16], $0x80, s25, s16, $0xb8;
	[tilespmem:$0x1E400] =	vst v63  }
0x84: {  	_ =	swait.ge [sflag:s19], $0x4000  }
0x85: {  	[sflag:s19] =	ssyncset.done $0x0  }
0x86: {  	s31 =	sadd.s32 $0x1400, s24;
	[sflag:s19] =	ssyncadd.s32 $0xFFFFC000  }
0x87: {  	[spmem:s3] =	stream.indirect.scatter.add.f32 [tilespmem:s17], [sflag:$0x3], $0x80, s31, s16, $0xb8;
	[tilespmem:$0x1E400] =	vst v63  }
0x88: {  	_ =	swait.ge [sflag:s20], $0x4000  }
0x89: {  	[sflag:s20] =	ssyncset.done $0x0  }
0x8a: {  	s24 =	sadd.s32 $0x1480, s24;
	[sflag:s20] =	ssyncadd.s32 $0xFFFFC000  }
0x8b: {  	[spmem:s3] =	stream.indirect.scatter.add.f32 [tilespmem:s18], [sflag:$0x4], $0x80, s24, s16, $0xb8;
	[tilespmem:$0x1E400] =	vst v63  }
0x8c: {  	_ =	swait.ge [sflag:s21], $0x4000  }
0x8d: {  	[sflag:s21] =	ssyncset.done $0x0  }
0x8e: {  	[sflag:s21] =	ssyncadd.s32 $0xFFFFC000  }
0x8f: {  	_ =	swait.ge [sflag:s22], $0x4000  }
0x90: {  	s23 =	sadd.s32 $0x1, s23;
	[sflag:s22] =	ssyncset.done $0x0  }
0x91: {  	p0 =	sne.s32 s23, s12;
	[sflag:s22] =	ssyncadd.s32 $0xFFFFC000  }
.Ltmp2:
0x92: {  	[bflag:$0x0] =	sbarrier.arrive $0xFFFF;
	(pc) =	sbr.rel @p0 .LBB2_1-.Ltmp2, $4  }
0x93: {  	[hbm:s11], [sflag:s6] =	dma.local [spmem:s13], $0x2780  }
0x94: {  	_ =	swait.ge [sflag:s14], $0x2780  }
0x95: {  	[sflag:s14] =	ssyncset.done $0x0  }
0x96: {  	[sflag:s14] =	ssyncadd.s32 $0xFFFFD880  }
0x97: {  	_ =	sfence.sel $0x180000  }
0x98: {  	[bflag:$0x0] =	sbarrier.arrive $0xFFFF  }
0x99: {  	p0 =	sne.s32 s2, $0x0;
	_ =	strace $0x9000004A  }
0x9a: {  	s0 =	sadd.s32 @!p0 $0x100000, s0;
	[bflag:$0x2] =	sbarrier.arrive $0xFFFF  }
0x9b: {  	[sflag:s0] =	ssyncadd.tile.s32 @!p0 $0x1;
	_ =	shalt  }
.Lfunc_end2:
_tile_overlayer_lowered:
.L_overlay_start_2:
0x9c: {  	(tag) =	ssettag $0x2  }
0x9d: {  	s0 =	rddreg [dreg:$0x0];
	s2 =	stileid.u32  }
0x9e: {  	s1 =	rddreg [dreg:$0x1];
	p0 =	sne.s32 s2, $0x0  }
0x9f: {  	s3 =	rddreg [dreg:$0x2];
	[bflag:$0x3] =	sbarrier.arrive $0xFFFF;
	s2 =	simm.s32 @!p0 $0x1C05  }
0xa0: {  	[timem:s3], [sflag:s2] =	dma.local @!p0 [hbm:s0], s1  }
0xa1: {  	s0 =	simm.s32 @!p0 $0x5  }
0xa2: {  	_ =	swait.ge @!p0 [sflag:s0], s1  }
0xa3: {  	s1 =	ssub.s32 @!p0 $0x0, s1;
	[sflag:s0] =	ssyncset.done @!p0 $0x0  }
0xa4: {  	[sflag:s0] =	ssyncadd.s32 @!p0 s1  }
0xa5: {  	[bflag:$0x3] =	sbarrier.arrive $0xFFFF  }
0xa6: {  	_ =	shalt  }

// kernel: kernel.16.cloned.1.call-start
scs
__scs_entry_jumppad:
0x0: {  	(pc) =	sbr.rel $0x88, $3  }
0x1: {  	(tag) =	ssettag $0x0;
	lr =	simm.s32 $0x1  }
0x2: {  	[smem:$0x3F99] =	sst lr;
	_ =	strace $0xD0000000  }
0x3: {  	_ = 	snop  }
0x4: {  	_ = 	snop  }
0x5: {  	_ = 	snop  }
0x6: {  	_ = 	snop  }
0x7: {  	_ = 	snop  }
__scs_overlays_trampoline_lowered:
0x8: {  	[smem:$0x3FA8] =	sst s0  }
0x9: {  	[smem:$0x3FA9] =	sst s1  }
0xa: {  	[smem:$0x3FAA] =	sst s2  }
0xb: {  	[smem:$0x3FAB] =	sst s3  }
0xc: {  	[smem:$0x3FAC] =	sst s4  }
0xd: {  	[smem:$0x3FAD] =	sst s5  }
0xe: {  	[smem:$0x3FAE] =	sst s6  }
0xf: {  	[smem:$0x3FAF] =	sst s7  }
0x10: {  	[smem:$0x3FB0] =	sst s8  }
0x11: {  	[smem:$0x3FB1] =	sst s9;
	s0 =	simm.s32 @!p0 $0x0  }
0x12: {  	s1 =	sld [smem:$0x3F97];
	s0 =	simm.s32 @p0 $0x1  }
0x13: {  	[smem:$0x3FB2] =	sst s0;
	s0 =	simm.s32 @!p1 $0x0  }
0x14: {  	s2 =	sld [smem:$0x3F96];
	s0 =	simm.s32 @p1 $0x1  }
0x15: {  	[smem:$0x3FB3] =	sst s0;
	s0 =	simm.s32 @!p2 $0x0  }
0x16: {  	s3 =	sld [smem:$0x3FDB];
	s0 =	simm.s32 @p2 $0x1  }
0x17: {  	s4 =	simm.s32 $0x1BF5;
	[smem:$0x3FB5] =	sst s0  }
0x18: {  	s0 =	sld [smem:$0x3F98];
	_ =	swait.ge [sflag:s4], $0x0  }
0x19: {  	s7 =	sld [smem:$0x3F99]  }
0x1a: {  	s8 =	sadd.s32 $0xFFFFE003, lr  }
0x1b: {  	s9 =	sadd.s32 $0xFFFFFEF7, lr;
	s5 =	simm.s32 $0xFFFFFFFF;
	p2 =	slt.u32 s8, $0xFFFFF086  }
0x1c: {  	p1 =	slt.u32 s9, $0xF7A;
	s5 =	simm.s32 @!p2 $0x0  }
0x1d: {  	s5 =	simm.s32 @p1 $0x1;
	p0 =	seq.s32 s7, s2  }
0x1e: {  	s7 =	smul.u32 @!p0 $0xF7A, s2;
	p2 =	seq.s32 @!p0 s5, $0x0  }
0x1f: {  	s9 =	smul.u32 $0xF7A, s1;
	s8 =	simm.s32 @!p0 $0x1BF5;
	p2 =	por !p2, p0  }
0x20: {  	[sflag:s8] =	ssyncset.s32 @!p0 $0xFFFFF086;
	s6 =	sadd.s32 @!p0 s3, s7;
	s7 =	simm.s32 @!p0 $0x108  }
0x21: {  	s3 =	sadd.s32 s3, s9;
	s6 =	sadd.s32 @!p0 $0x88, s6;
	s7 =	simm.s32 @p2 $0x1082  }
0x22: {  	[simem:s7], [sflag:s8] =	dma.local @!p0 [hbm:s6], $0xF7A  }
0x23: {  	s9 =	sor.u32 $0xD0000000, s2;
	s6 =	simm.s32 $0x108;
	_ =	swait.ge @!p0 [sflag:s8], $0x0  }
0x24: {  	s3 =	sadd.s32 $0x88, s3;
	s6 =	simm.s32 @!p1 $0x1082;
	[sflag:s4] =	ssyncset.s32 $0xFFFFF086  }
0x25: {  	[simem:s6], [sflag:s4] =	dma.local [hbm:s3], $0xF7A  }
0x26: {  	[smem:$0x3F99] =	sst s1;
	(tag) =	ssettag s2;
	_ =	strace s9  }
0x27: {  	s1 =	sld [smem:$0x3FA9]  }
0x28: {  	s2 =	sld [smem:$0x3FAA]  }
0x29: {  	s4 =	sld [smem:$0x3FAC]  }
0x2a: {  	p0 =	seq.s32 s5, $0x0;
	s5 =	sld [smem:$0x3FAD]  }
0x2b: {  	s6 =	sld [smem:$0x3FAE]  }
0x2c: {  	s7 =	sld [smem:$0x3FAF]  }
0x2d: {  	s3 =	simm.s32 $0x108;
	s8 =	sld [smem:$0x3FB0]  }
0x2e: {  	s3 =	simm.s32 @!p0 $0x1082;
	s9 =	sld [smem:$0x3FB1]  }
0x2f: {  	lr =	sadd.s32 s0, s3;
	s0 =	sld [smem:$0x3FA8]  }
0x30: {  	s3 =	sld [smem:$0x3FAB]  }
0x31: {  	[smem:$0x3FB4] =	sst s10  }
0x32: {  	s10 =	sld [smem:$0x3FB2];
	_ =	sdelay $0x3  }
0x33: {  	p0 =	seq.s32 s10, $0x1;
	s10 =	sld [smem:$0x3FB4];
	_ =	sdelay $0x3  }
0x34: {  	[smem:$0x3FB4] =	sst s10  }
0x35: {  	s10 =	sld [smem:$0x3FB3];
	_ =	sdelay $0x3  }
0x36: {  	p1 =	seq.s32 s10, $0x1;
	s10 =	sld [smem:$0x3FB4];
	_ =	sdelay $0x3  }
0x37: {  	[smem:$0x3FB4] =	sst s10  }
0x38: {  	s10 =	sld [smem:$0x3FB5]  }
0x39: {  	_ = 	snop;
	(pc) =	sbr.ind lr, $3  }
0x3a: {  	_ = 	snop  }
0x3b: {  	_ = 	snop  }
0x3c: {  	p2 =	seq.s32 s10, $0x1;
	s10 =	sld [smem:$0x3FB4]  }
0x3d: {  	_ =	shalt  }
0x3e: {  	_ =	shalt  }
0x3f: {  	_ =	shalt  }
0x40: {  	_ =	shalt  }
0x41: {  	_ =	shalt  }
0x42: {  	_ =	shalt  }
0x43: {  	_ =	shalt  }
0x44: {  	_ =	shalt  }
0x45: {  	_ =	shalt  }
0x46: {  	_ =	shalt  }
0x47: {  	_ =	shalt  }
0x48: {  	_ =	shalt  }
0x49: {  	_ =	shalt  }
0x4a: {  	_ =	shalt  }
0x4b: {  	_ =	shalt  }
0x4c: {  	_ =	shalt  }
0x4d: {  	_ =	shalt  }
0x4e: {  	_ =	shalt  }
0x4f: {  	_ =	shalt  }
0x50: {  	_ =	shalt  }
0x51: {  	_ =	shalt  }
0x52: {  	_ =	shalt  }
0x53: {  	_ =	shalt  }
0x54: {  	_ =	shalt  }
0x55: {  	_ =	shalt  }
0x56: {  	_ =	shalt  }
0x57: {  	_ =	shalt  }
0x58: {  	_ =	shalt  }
0x59: {  	_ =	shalt  }
0x5a: {  	_ =	shalt  }
0x5b: {  	_ =	shalt  }
0x5c: {  	_ =	shalt  }
0x5d: {  	_ =	shalt  }
0x5e: {  	_ =	shalt  }
0x5f: {  	_ =	shalt  }
0x60: {  	_ =	shalt  }
0x61: {  	_ =	shalt  }
0x62: {  	_ =	shalt  }
0x63: {  	_ =	shalt  }
0x64: {  	_ =	shalt  }
0x65: {  	_ =	shalt  }
0x66: {  	_ =	shalt  }
0x67: {  	_ =	shalt  }
0x68: {  	_ =	shalt  }
0x69: {  	_ =	shalt  }
0x6a: {  	_ =	shalt  }
0x6b: {  	_ =	shalt  }
0x6c: {  	_ =	shalt  }
0x6d: {  	_ =	shalt  }
0x6e: {  	_ =	shalt  }
0x6f: {  	_ =	shalt  }
0x70: {  	_ =	shalt  }
0x71: {  	_ =	shalt  }
0x72: {  	_ =	shalt  }
0x73: {  	_ =	shalt  }
0x74: {  	_ =	shalt  }
0x75: {  	_ =	shalt  }
0x76: {  	_ =	shalt  }
0x77: {  	_ =	shalt  }
0x78: {  	_ =	shalt  }
0x79: {  	_ =	shalt  }
0x7a: {  	_ =	shalt  }
0x7b: {  	_ =	shalt  }
0x7c: {  	_ =	shalt  }
0x7d: {  	_ =	shalt  }
0x7e: {  	_ =	shalt  }
0x7f: {  	_ =	shalt  }
0x80: {  	_ =	shalt  }
0x81: {  	_ =	shalt  }
0x82: {  	_ =	shalt  }
0x83: {  	_ =	shalt  }
0x84: {  	_ =	shalt  }
0x85: {  	_ =	shalt  }
0x86: {  	_ =	shalt  }
0x87: {  	_ =	shalt  }
.Lfunc_end0:
.L_simem_size_0:
called_computation.2_lowered:
.L_overlay_start_0:
0x88: {  	s2 =	sld [smem:$0x3FD9]  }
0x89: {  	s3 =	sld [smem:$0x3FFE];
	_ =	sdelay $0x1  }
0x8a: {  	s1 =	srdreg.scid  }
0x8b: {  	s0 =	sand.u32 $0x1, s1  }
0x8c: {  	s17 =	sshll.u32 s0, $0xA;
	s2 =	sadd.s32 s3, s2  }
0x8d: {  	s2 =	sadd.s32 s2, s17  }
0x8e: {  	[smem:$0x3FC0] =	sst s2  }
0x8f: {  	_ = 	snop  }
0x90: {  	s2 =	sld [smem:$0x3FD0];
	(tm) =	ssettm $0x1  }
0x91: {  	s18 =	sld [smem:$0x3FFB];
	_ =	sdelay $0x3  }
0x92: {  	_ =	strace s18  }
0x93: {  	s3 =	sld [smem:$0x3FFC];
	_ =	sdelay $0x3  }
0x94: {  	_ =	strace s3  }
0x95: {  	s3 =	sld [smem:$0x3FFD];
	_ =	sdelay $0x3  }
0x96: {  	_ =	strace s3  }
0x97: {  	_ =	strace $0x8FFFFFFF  }
0x98: {  	s19 =	sld [smem:$0x3FDB];
	_ =	sdelay $0x1  }
0x99: {  	s4 =	simm.s32 $_scs_section_size  }
0x9a: {  	s5 =	simm.s32 $_size__tile_overlayer_lowered;
	s6 =	simm.s32 $_tile_overlayer_lowered  }
0x9b: {  	s22 =	simm.s32 $0x1BFF;
	s21 =	sshll.u32 s6, $0x1;
	s3 =	sadd.s32 s4, s19  }
0x9c: {  	s7 =	simm.s32 $0x0;
	s20 =	sshll.u32 s5, $0x1;
	s5 =	sadd.s32 s21, s3  }
0x9d: {  	[timem:s7], [sflag:s22] =	dma.local [hbm:s5], s20  }
0x9e: {  	_ =	swait.ge [sflag:s22], s20  }
0x9f: {  	s4 =	ssub.s32 $0x0, s20;
	[sflag:s22] =	ssyncset.done $0x0  }
0xa0: {  	[sflag:s22] =	ssyncadd.s32 s4;
	_ =	sdelay $0x1  }
0xa1: {  	s23 =	simm.s32 $0x1B8B  }
0xa2: {  	_ =	swait.ge [sflag:s23], $0x1  }
0xa3: {  	[sflag:s23] =	ssyncset.done $0x0  }
0xa4: {  	s25 =	simm.s32 $0x1B8E;
	s24 =	sld [smem:$0x3FFE];
	[sflag:s23] =	ssyncadd.s32 $0xFFFFFFFF  }
0xa5: {  	s26 =	simm.s32 $execute0_lowered;
	[smem:$0x3FD2] =	sst s25  }
0xa6: {  	s5 =	sshll.u32 s26, $0x1;
	_ =	strace $0x8000004C;
	[dreg:$0x1] =	wrdreg $0xFFFFFFFF  }
0xa7: {  	s28 =	simm.s32 $_size_execute0_lowered;
	s3 =	sadd.s32 s3, s5;
	[dreg:$0x0] =	wrdreg $0x0  }
0xa8: {  	s5 =	sshll.u32 s28, $0x1;
	[dreg:$0x2] =	wrdreg s3  }
0xa9: {  	[dreg:$0x3] =	wrdreg s5  }
0xaa: {  	[dreg:$0x4] =	wrdreg $0xC0  }
0xab: {  	_ =	task [dreg:s7], $0x5FFFF  }
0xac: {  	[dreg:$0x1] =	wrdreg $0xFFFFFFFF  }
0xad: {  	[dreg:$0x0] =	wrdreg $0x60  }
0xae: {  	[dreg:$0x2] =	wrdreg s2  }
0xaf: {  	[dreg:$0x3] =	wrdreg s24  }
0xb0: {  	[dreg:$0x4] =	wrdreg $0xA8000  }
0xb1: {  	[dreg:$0x5] =	wrdreg $0x9  }
0xb2: {  	_ =	task.clear_ibuf [dreg:s7], $0x6FFFF;
	_ =	strace $0x9000004C  }
0xb3: {  	s29 =	simm.s32 $0x9;
	_ =	strace $0x8000004E  }
0xb4: {  	_ =	swait.ge [sflag:s29], $0x1  }
0xb5: {  	[sflag:s29] =	ssyncadd.s32 $0xFFFFFFFF  }
0xb6: {  	_ =	strace $0x9000004E  }
0xb7: {  	_ =	sfence  }
0xb8: {  	s30 =	sld [smem:$0x0];
	_ =	sdelay $0x2  }
0xb9: {  	s31 =	sshll.u32 s1, $0xD;
	s1 =	sshrl.u32 s1, $0x2  }
0xba: {  	s3 =	sand.u32 $0x4000, s31;
	s1 =	sadd.s32 s1, s30  }
0xbb: {  	s0 =	sor.u32 s3, s0;
	s1 =	sshll.u32 s1, $0x11  }
0xbc: {  	s0 =	sor.u32 s1, s0  }
0xbd: {  	s0 =	sadd.s32 $0x8F2B, s0  }
0xbe: {  	[sflag:s0] =	ssyncadd.remote.s32 $0x1  }
0xbf: {  	_ =	sfence.sel $0xFFFF  }
0xc0: {  	[dreg:$0x0] =	wrdreg $0xFFFFFFFF;
	(pc) =	sbr.abs _section_cstart, $3  }
0xc1: {  	[dreg:$0x1] =	wrdreg $0xFFFFFFFF  }
0xc2: {  	_ =	task.clear_ibuf [dreg:s7], $0x2FFFF;
	_ =	strace $0x9FFFFFFF  }
0xc3: {  	(tm) =	ssettm $0x7FFFFFFF  }
tec
execute0_lowered:
.L_overlay_start_1:
0x0: {  	(tag) =	ssettag $0x1  }
0x1: {  	s1 =	rddreg [dreg:$0x0]  }
0x2: {  	s5 =	rddreg [dreg:$0x1]  }
0x3: {  	s3 =	rddreg [dreg:$0x2]  }
0x4: {  	s0 =	rddreg [dreg:$0x3];
	s4 =	simm.s32 $0x0;
	s2 =	stileid.u32  }
0x5: {  	s6 =	srdreg.scid;
	s17 =	simm.s32 $0x2800;
	s18 =	simm.s32 $0x6800  }
0x6: {  	s19 =	simm.s32 $0x1;
	s20 =	simm.s32 $0x2;
	s21 =	simm.s32 $0x3  }
0x7: {  	s22 =	simm.s32 $0x4;
	s23 =	simm.s32 $0x0;
	s7 =	smul.u32 $0x13C00, s2  }
0x8: {  	[smem:$0x7FF] =	sst s4;
	s6 =	sand.u32 $0x1, s6;
	s25 =	smul.u32 $0x4F000, s2  }
0x9: {  	s9 =	sadd.s32 $0x7D600, s5;
	s10 =	sadd.s32 $0x1E00, s5;
	s14 =	smul.u32 $0x2800, s2  }
0xa: {  	s28 =	sshll.u32 s2, $0x6;
	_ =	strace $0x8000004D;
	s8 =	smul.u32 $0x13C000, s6  }
0xb: {  	s12 =	ssub.s32 $0x2, s6;
	s13 =	smul.u32 $0x28000, s6;
	s6 =	sor.u32 $0x1C05, s28  }
0xc: {  	s11 =	sshrl.u32 s7, $0x3;
	s26 =	sshrl.u32 s12, $0x1;
	s30 =	sadd.s32 $0x1400, s14  }
0xd: {  	s31 =	sshrl.u32 s14, $0x3;
	s11 =	sadd.s32 s11, s5;
	s7 =	sadd.s32 s7, s8  }
0xe: {  	s8 =	sshrl.u32 s25, $0x2;
	s12 =	ssub.s32 s12, s26;
	s29 =	sadd.s32 s14, s13  }
0xf: {  	s13 =	sadd.s32 s13, s30;
	s14 =	simm.s32 $0x5;
	s7 =	sshrl.u32 s7, $0x3  }
0x10: {  	s16 =	sadd.s32 s8, s3;
	s8 =	sadd.s32 s10, s31;
	s13 =	sshrl.u32 s13, $0x3  }
0x11: {  	s12 =	smax.u32 s12, $0x1;
	s15 =	sadd.s32 s7, s5;
	s7 =	sshrl.u32 s29, $0x3  }
0x12: {  	s5 =	sadd.s32 $0x6E00, s11;
	s11 =	sshrl.u32 s30, $0x3;
	s7 =	sadd.s32 s9, s7  }
0x13: {  	s9 =	sadd.s32 s9, s13;
	s10 =	sadd.s32 s10, s11;
	s11 =	sadd.s32 $0x2E600, s15  }
0x14: {  	s13 =	sshrl.u32 s16, $0x3;
	s15 =	simm.s32 $0x1400;
	s16 =	simm.s32 $0x80  }
.LBB2_1:
0x15: {  	[spmem:s13], [sflag:s6] =	dma.local [hbm:s5], $0x2780  }
0x16: {  	_ =	swait.ge [sflag:s14], $0x2780  }
0x17: {  	[sflag:s14] =	ssyncset.done $0x0  }
0x18: {  	[sflag:s14] =	ssyncadd.s32 $0xFFFFD880  }
0x19: {  	[tilespmem:s4], [sflag:$0x5] =	stream.linear.gather [hbm4b:s7+s4], $0x1400, $0x38;
	[tilespmem:$0x1E400] =	vst v63  }
0x1a: {  	_ =	swait.ge [sflag:s14], $0x1400  }
0x1b: {  	[sflag:s14] =	ssyncset.done $0x0  }
0x1c: {  	[sflag:s14] =	ssyncadd.s32 $0xFFFFEC00  }
0x1d: {  	[tilespmem:s15], [sflag:$0x5] =	stream.linear.gather [hbm4b:s8+s4], $0x1400, $0x38;
	[tilespmem:$0x1E400] =	vst v63  }
0x1e: {  	_ =	swait.ge [sflag:s14], $0x1400  }
0x1f: {  	[sflag:s14] =	ssyncset.done $0x0  }
0x20: {  	[sflag:s14] =	ssyncadd.s32 $0xFFFFEC00  }
0x21: {  	s24 =	simm.s32 $0x0;
	[bflag:$0x0] =	sbarrier.arrive $0xFFFF  }
0x22: {  	[tilespmem:s17], [sflag:$0x1] =	stream.indirect.gather [hbm4b:s1+s16], $0x80, s24, s16, $0xb8;
	[tilespmem:$0x1E400] =	vst v63  }
0x23: {  	s29 =	simm.s32 $0x80  }
0x24: {  	[tilespmem:s18], [sflag:$0x2] =	stream.indirect.gather [hbm4b:s1+s16], $0x80, s29, s16, $0xb8;
	[tilespmem:$0x1E400] =	vst v63  }
0x25: {  	_ =	swait.ge [sflag:s19], $0x4000  }
0x26: {  	[sflag:s19] =	ssyncset.done $0x0  }
0x27: {  	s30 =	simm.s32 $0x1400;
	[sflag:s19] =	ssyncadd.s32 $0xFFFFC000  }
0x28: {  	[spmem:s3] =	stream.indirect.scatter.add.f32 [tilespmem:s17], [sflag:$0x3], $0x80, s30, s16, $0xb8;
	[tilespmem:$0x1E400] =	vst v63  }
0x29: {  	_ =	swait.ge [sflag:s20], $0x4000  }
0x2a: {  	[sflag:s20] =	ssyncset.done $0x0  }
0x2b: {  	s31 =	simm.s32 $0x1480;
	[sflag:s20] =	ssyncadd.s32 $0xFFFFC000  }
0x2c: {  	[spmem:s3] =	stream.indirect.scatter.add.f32 [tilespmem:s18], [sflag:$0x4], $0x80, s31, s16, $0xb8;
	[tilespmem:$0x1E400] =	vst v63  }
0x2d: {  	_ =	swait.ge [sflag:s21], $0x4000  }
0x2e: {  	[sflag:s21] =	ssyncset.done $0x0  }
0x2f: {  	[sflag:s21] =	ssyncadd.s32 $0xFFFFC000  }
0x30: {  	_ =	swait.ge [sflag:s22], $0x4000  }
0x31: {  	s25 =	simm.s32 $0x800;
	s24 =	simm.s32 $0x400;
	[sflag:s22] =	ssyncset.done $0x0  }
.LBB2_2:
0x32: {  	s26 =	sshra.s32 s24, $0x2  }
0x33: {  	[sflag:s22] =	ssyncadd.s32 $0xFFFFC000;
	s24 =	smov.u32 s25;
	s28 =	sadd.s32 $0x400, s25  }
0x34: {  	[tilespmem:s17], [sflag:$0x1] =	stream.indirect.gather [hbm4b:s1+s16], $0x80, s26, s16, $0xb8;
	[tilespmem:$0x1E400] =	vst v63  }
0x35: {  	p0 =	sne.s32 s25, $0x4C00;
	s25 =	sadd.s32 $0x80, s26  }
0x36: {  	[tilespmem:s18], [sflag:$0x2] =	stream.indirect.gather [hbm4b:s1+s16], $0x80, s25, s16, $0xb8;
	[tilespmem:$0x1E400] =	vst v63  }
0x37: {  	_ =	swait.ge [sflag:s19], $0x4000  }
0x38: {  	[sflag:s19] =	ssyncset.done $0x0  }
0x39: {  	s25 =	sadd.s32 $0x1400, s26;
	[sflag:s19] =	ssyncadd.s32 $0xFFFFC000  }
0x3a: {  	[spmem:s3] =	stream.indirect.scatter.add.f32 [tilespmem:s17], [sflag:$0x3], $0x80, s25, s16, $0xb8;
	[tilespmem:$0x1E400] =	vst v63  }
0x3b: {  	_ =	swait.ge [sflag:s20], $0x4000  }
0x3c: {  	[sflag:s20] =	ssyncset.done $0x0  }
0x3d: {  	s25 =	sadd.s32 $0x1480, s26;
	[sflag:s20] =	ssyncadd.s32 $0xFFFFC000  }
0x3e: {  	[spmem:s3] =	stream.indirect.scatter.add.f32 [tilespmem:s18], [sflag:$0x4], $0x80, s25, s16, $0xb8;
	[tilespmem:$0x1E400] =	vst v63  }
.Ltmp0:
0x3f: {  	_ =	swait.ge [sflag:s21], $0x4000;
	(pc) =	sbr.rel @p0 .LBB2_2-.Ltmp0, $4  }
0x40: {  	[sflag:s21] =	ssyncset.done $0x0  }
0x41: {  	[sflag:s21] =	ssyncadd.s32 $0xFFFFC000  }
0x42: {  	_ =	swait.ge [sflag:s22], $0x4000  }
0x43: {  	s25 =	smov.u32 s28;
	[sflag:s22] =	ssyncset.done $0x0  }
0x44: {  	s24 =	sshra.s32 s24, $0x2;
	[sflag:s22] =	ssyncadd.s32 $0xFFFFC000  }
0x45: {  	[tilespmem:s17], [sflag:$0x1] =	stream.indirect.gather [hbm4b:s1+s16], $0x80, s24, s16, $0xb8;
	[tilespmem:$0x1E400] =	vst v63  }
0x46: {  	s25 =	sadd.s32 $0x80, s24  }
0x47: {  	[tilespmem:s18], [sflag:$0x2] =	stream.indirect.gather [hbm4b:s1+s16], $0x80, s25, s16, $0xb8;
	[tilespmem:$0x1E400] =	vst v63  }
0x48: {  	_ =	swait.ge [sflag:s19], $0x4000  }
0x49: {  	[sflag:s19] =	ssyncset.done $0x0  }
0x4a: {  	s31 =	sadd.s32 $0x1400, s24;
	[sflag:s19] =	ssyncadd.s32 $0xFFFFC000  }
0x4b: {  	[spmem:s3] =	stream.indirect.scatter.add.f32 [tilespmem:s17], [sflag:$0x3], $0x80, s31, s16, $0xb8;
	[tilespmem:$0x1E400] =	vst v63  }
0x4c: {  	_ =	swait.ge [sflag:s20], $0x4000  }
0x4d: {  	[sflag:s20] =	ssyncset.done $0x0  }
0x4e: {  	s24 =	sadd.s32 $0x1480, s24;
	[sflag:s20] =	ssyncadd.s32 $0xFFFFC000  }
0x4f: {  	[spmem:s3] =	stream.indirect.scatter.add.f32 [tilespmem:s18], [sflag:$0x4], $0x80, s24, s16, $0xb8;
	[tilespmem:$0x1E400] =	vst v63  }
0x50: {  	_ =	swait.ge [sflag:s21], $0x4000  }
0x51: {  	[sflag:s21] =	ssyncset.done $0x0  }
0x52: {  	[sflag:s21] =	ssyncadd.s32 $0xFFFFC000  }
0x53: {  	_ =	swait.ge [sflag:s22], $0x4000  }
0x54: {  	[sflag:s22] =	ssyncset.done $0x0  }
0x55: {  	s26 =	simm.s32 $0x0;
	[sflag:s22] =	ssyncadd.s32 $0xFFFFC000  }
0x56: {  	[tilespmem:s26], [sflag:$0x5] =	stream.linear.gather [hbm4b:s9+s26], $0x1400, $0x38;
	[tilespmem:$0x1E400] =	vst v63  }
0x57: {  	_ =	swait.ge [sflag:s14], $0x1400  }
0x58: {  	[sflag:s14] =	ssyncset.done $0x0  }
0x59: {  	[sflag:s14] =	ssyncadd.s32 $0xFFFFEC00  }
0x5a: {  	[tilespmem:s15], [sflag:$0x5] =	stream.linear.gather [hbm4b:s10+s26], $0x1400, $0x38;
	[tilespmem:$0x1E400] =	vst v63  }
0x5b: {  	_ =	swait.ge [sflag:s14], $0x1400  }
0x5c: {  	[sflag:s14] =	ssyncset.done $0x0  }
0x5d: {  	s28 =	simm.s32 $0x0;
	[sflag:s14] =	ssyncadd.s32 $0xFFFFEC00  }
0x5e: {  	[tilespmem:s17], [sflag:$0x1] =	stream.indirect.gather [hbm4b:s1+s16], $0x80, s28, s16, $0xb8;
	[tilespmem:$0x1E400] =	vst v63  }
0x5f: {  	s29 =	simm.s32 $0x80  }
0x60: {  	[tilespmem:s18], [sflag:$0x2] =	stream.indirect.gather [hbm4b:s1+s16], $0x80, s29, s16, $0xb8;
	[tilespmem:$0x1E400] =	vst v63  }
0x61: {  	_ =	swait.ge [sflag:s19], $0x4000  }
0x62: {  	[sflag:s19] =	ssyncset.done $0x0  }
0x63: {  	s30 =	simm.s32 $0x1400;
	[sflag:s19] =	ssyncadd.s32 $0xFFFFC000  }
0x64: {  	[spmem:s3] =	stream.indirect.scatter.add.f32 [tilespmem:s17], [sflag:$0x3], $0x80, s30, s16, $0xb8;
	[tilespmem:$0x1E400] =	vst v63  }
0x65: {  	_ =	swait.ge [sflag:s20], $0x4000  }
0x66: {  	[sflag:s20] =	ssyncset.done $0x0  }
0x67: {  	s31 =	simm.s32 $0x1480;
	[sflag:s20] =	ssyncadd.s32 $0xFFFFC000  }
0x68: {  	[spmem:s3] =	stream.indirect.scatter.add.f32 [tilespmem:s18], [sflag:$0x4], $0x80, s31, s16, $0xb8;
	[tilespmem:$0x1E400] =	vst v63  }
0x69: {  	_ =	swait.ge [sflag:s21], $0x4000  }
0x6a: {  	[sflag:s21] =	ssyncset.done $0x0  }
0x6b: {  	[sflag:s21] =	ssyncadd.s32 $0xFFFFC000  }
0x6c: {  	_ =	swait.ge [sflag:s22], $0x4000  }
0x6d: {  	s25 =	simm.s32 $0x800;
	s24 =	simm.s32 $0x400;
	[sflag:s22] =	ssyncset.done $0x0  }
.LBB2_4:
0x6e: {  	s26 =	sshra.s32 s24, $0x2  }
0x6f: {  	[sflag:s22] =	ssyncadd.s32 $0xFFFFC000;
	s24 =	smov.u32 s25;
	s28 =	sadd.s32 $0x400, s25  }
0x70: {  	[tilespmem:s17], [sflag:$0x1] =	stream.indirect.gather [hbm4b:s1+s16], $0x80, s26, s16, $0xb8;
	[tilespmem:$0x1E400] =	vst v63  }
0x71: {  	p0 =	sne.s32 s25, $0x4C00;
	s25 =	sadd.s32 $0x80, s26  }
0x72: {  	[tilespmem:s18], [sflag:$0x2] =	stream.indirect.gather [hbm4b:s1+s16], $0x80, s25, s16, $0xb8;
	[tilespmem:$0x1E400] =	vst v63  }
0x73: {  	_ =	swait.ge [sflag:s19], $0x4000  }
0x74: {  	[sflag:s19] =	ssyncset.done $0x0  }
0x75: {  	s25 =	sadd.s32 $0x1400, s26;
	[sflag:s19] =	ssyncadd.s32 $0xFFFFC000  }
0x76: {  	[spmem:s3] =	stream.indirect.scatter.add.f32 [tilespmem:s17], [sflag:$0x3], $0x80, s25, s16, $0xb8;
	[tilespmem:$0x1E400] =	vst v63  }
0x77: {  	_ =	swait.ge [sflag:s20], $0x4000  }
0x78: {  	[sflag:s20] =	ssyncset.done $0x0  }
0x79: {  	s25 =	sadd.s32 $0x1480, s26;
	[sflag:s20] =	ssyncadd.s32 $0xFFFFC000  }
0x7a: {  	[spmem:s3] =	stream.indirect.scatter.add.f32 [tilespmem:s18], [sflag:$0x4], $0x80, s25, s16, $0xb8;
	[tilespmem:$0x1E400] =	vst v63  }
.Ltmp1:
0x7b: {  	_ =	swait.ge [sflag:s21], $0x4000;
	(pc) =	sbr.rel @p0 .LBB2_4-.Ltmp1, $4  }
0x7c: {  	[sflag:s21] =	ssyncset.done $0x0  }
0x7d: {  	[sflag:s21] =	ssyncadd.s32 $0xFFFFC000  }
0x7e: {  	_ =	swait.ge [sflag:s22], $0x4000  }
0x7f: {  	s25 =	smov.u32 s28;
	[sflag:s22] =	ssyncset.done $0x0  }
0x80: {  	s24 =	sshra.s32 s24, $0x2;
	[sflag:s22] =	ssyncadd.s32 $0xFFFFC000  }
0x81: {  	[tilespmem:s17], [sflag:$0x1] =	stream.indirect.gather [hbm4b:s1+s16], $0x80, s24, s16, $0xb8;
	[tilespmem:$0x1E400] =	vst v63  }
0x82: {  	s25 =	sadd.s32 $0x80, s24  }
0x83: {  	[tilespmem:s18], [sflag:$0x2] =	stream.indirect.gather [hbm4b:s1+s16], $0x80, s25, s16, $0xb8;
	[tilespmem:$0x1E400] =	vst v63  }
0x84: {  	_ =	swait.ge [sflag:s19], $0x4000  }
0x85: {  	[sflag:s19] =	ssyncset.done $0x0  }
0x86: {  	s31 =	sadd.s32 $0x1400, s24;
	[sflag:s19] =	ssyncadd.s32 $0xFFFFC000  }
0x87: {  	[spmem:s3] =	stream.indirect.scatter.add.f32 [tilespmem:s17], [sflag:$0x3], $0x80, s31, s16, $0xb8;
	[tilespmem:$0x1E400] =	vst v63  }
0x88: {  	_ =	swait.ge [sflag:s20], $0x4000  }
0x89: {  	[sflag:s20] =	ssyncset.done $0x0  }
0x8a: {  	s24 =	sadd.s32 $0x1480, s24;
	[sflag:s20] =	ssyncadd.s32 $0xFFFFC000  }
0x8b: {  	[spmem:s3] =	stream.indirect.scatter.add.f32 [tilespmem:s18], [sflag:$0x4], $0x80, s24, s16, $0xb8;
	[tilespmem:$0x1E400] =	vst v63  }
0x8c: {  	_ =	swait.ge [sflag:s21], $0x4000  }
0x8d: {  	[sflag:s21] =	ssyncset.done $0x0  }
0x8e: {  	[sflag:s21] =	ssyncadd.s32 $0xFFFFC000  }
0x8f: {  	_ =	swait.ge [sflag:s22], $0x4000  }
0x90: {  	s23 =	sadd.s32 $0x1, s23;
	[sflag:s22] =	ssyncset.done $0x0  }
0x91: {  	p0 =	sne.s32 s23, s12;
	[sflag:s22] =	ssyncadd.s32 $0xFFFFC000  }
.Ltmp2:
0x92: {  	[bflag:$0x0] =	sbarrier.arrive $0xFFFF;
	(pc) =	sbr.rel @p0 .LBB2_1-.Ltmp2, $4  }
0x93: {  	[hbm:s11], [sflag:s6] =	dma.local [spmem:s13], $0x2780  }
0x94: {  	_ =	swait.ge [sflag:s14], $0x2780  }
0x95: {  	[sflag:s14] =	ssyncset.done $0x0  }
0x96: {  	[sflag:s14] =	ssyncadd.s32 $0xFFFFD880  }
0x97: {  	_ =	sfence.sel $0x180000  }
0x98: {  	[bflag:$0x0] =	sbarrier.arrive $0xFFFF  }
0x99: {  	p0 =	sne.s32 s2, $0x0;
	_ =	strace $0x9000004D  }
0x9a: {  	s0 =	sadd.s32 @!p0 $0x100000, s0;
	[bflag:$0x2] =	sbarrier.arrive $0xFFFF  }
0x9b: {  	[sflag:s0] =	ssyncadd.tile.s32 @!p0 $0x1;
	_ =	shalt  }
.Lfunc_end2:
_tile_overlayer_lowered:
.L_overlay_start_2:
0x9c: {  	(tag) =	ssettag $0x2  }
0x9d: {  	s0 =	rddreg [dreg:$0x0];
	s2 =	stileid.u32  }
0x9e: {  	s1 =	rddreg [dreg:$0x1];
	p0 =	sne.s32 s2, $0x0  }
0x9f: {  	s3 =	rddreg [dreg:$0x2];
	[bflag:$0x3] =	sbarrier.arrive $0xFFFF;
	s2 =	simm.s32 @!p0 $0x1C05  }
0xa0: {  	[timem:s3], [sflag:s2] =	dma.local @!p0 [hbm:s0], s1  }
0xa1: {  	s0 =	simm.s32 @!p0 $0x5  }
0xa2: {  	_ =	swait.ge @!p0 [sflag:s0], s1  }
0xa3: {  	s1 =	ssub.s32 @!p0 $0x0, s1;
	[sflag:s0] =	ssyncset.done @!p0 $0x0  }
0xa4: {  	[sflag:s0] =	ssyncadd.s32 @!p0 s1  }
0xa5: {  	[bflag:$0x3] =	sbarrier.arrive $0xFFFF  }
0xa6: {  	_ =	shalt  }

// kernel: kernel.19.cloned.1.call-start
scs
__scs_entry_jumppad:
0x0: {  	(pc) =	sbr.rel $0x88, $3  }
0x1: {  	(tag) =	ssettag $0x0;
	lr =	simm.s32 $0x1  }
0x2: {  	[smem:$0x3F99] =	sst lr;
	_ =	strace $0xD0000000  }
0x3: {  	_ = 	snop  }
0x4: {  	_ = 	snop  }
0x5: {  	_ = 	snop  }
0x6: {  	_ = 	snop  }
0x7: {  	_ = 	snop  }
__scs_overlays_trampoline_lowered:
0x8: {  	[smem:$0x3FA8] =	sst s0  }
0x9: {  	[smem:$0x3FA9] =	sst s1  }
0xa: {  	[smem:$0x3FAA] =	sst s2  }
0xb: {  	[smem:$0x3FAB] =	sst s3  }
0xc: {  	[smem:$0x3FAC] =	sst s4  }
0xd: {  	[smem:$0x3FAD] =	sst s5  }
0xe: {  	[smem:$0x3FAE] =	sst s6  }
0xf: {  	[smem:$0x3FAF] =	sst s7  }
0x10: {  	[smem:$0x3FB0] =	sst s8  }
0x11: {  	[smem:$0x3FB1] =	sst s9;
	s0 =	simm.s32 @!p0 $0x0  }
0x12: {  	s1 =	sld [smem:$0x3F97];
	s0 =	simm.s32 @p0 $0x1  }
0x13: {  	[smem:$0x3FB2] =	sst s0;
	s0 =	simm.s32 @!p1 $0x0  }
0x14: {  	s2 =	sld [smem:$0x3F96];
	s0 =	simm.s32 @p1 $0x1  }
0x15: {  	[smem:$0x3FB3] =	sst s0;
	s0 =	simm.s32 @!p2 $0x0  }
0x16: {  	s3 =	sld [smem:$0x3FDB];
	s0 =	simm.s32 @p2 $0x1  }
0x17: {  	s4 =	simm.s32 $0x1BF5;
	[smem:$0x3FB5] =	sst s0  }
0x18: {  	s0 =	sld [smem:$0x3F98];
	_ =	swait.ge [sflag:s4], $0x0  }
0x19: {  	s7 =	sld [smem:$0x3F99]  }
0x1a: {  	s8 =	sadd.s32 $0xFFFFE003, lr  }
0x1b: {  	s9 =	sadd.s32 $0xFFFFFEF7, lr;
	s5 =	simm.s32 $0xFFFFFFFF;
	p2 =	slt.u32 s8, $0xFFFFF086  }
0x1c: {  	p1 =	slt.u32 s9, $0xF7A;
	s5 =	simm.s32 @!p2 $0x0  }
0x1d: {  	s5 =	simm.s32 @p1 $0x1;
	p0 =	seq.s32 s7, s2  }
0x1e: {  	s7 =	smul.u32 @!p0 $0xF7A, s2;
	p2 =	seq.s32 @!p0 s5, $0x0  }
0x1f: {  	s9 =	smul.u32 $0xF7A, s1;
	s8 =	simm.s32 @!p0 $0x1BF5;
	p2 =	por !p2, p0  }
0x20: {  	[sflag:s8] =	ssyncset.s32 @!p0 $0xFFFFF086;
	s6 =	sadd.s32 @!p0 s3, s7;
	s7 =	simm.s32 @!p0 $0x108  }
0x21: {  	s3 =	sadd.s32 s3, s9;
	s6 =	sadd.s32 @!p0 $0x88, s6;
	s7 =	simm.s32 @p2 $0x1082  }
0x22: {  	[simem:s7], [sflag:s8] =	dma.local @!p0 [hbm:s6], $0xF7A  }
0x23: {  	s9 =	sor.u32 $0xD0000000, s2;
	s6 =	simm.s32 $0x108;
	_ =	swait.ge @!p0 [sflag:s8], $0x0  }
0x24: {  	s3 =	sadd.s32 $0x88, s3;
	s6 =	simm.s32 @!p1 $0x1082;
	[sflag:s4] =	ssyncset.s32 $0xFFFFF086  }
0x25: {  	[simem:s6], [sflag:s4] =	dma.local [hbm:s3], $0xF7A  }
0x26: {  	[smem:$0x3F99] =	sst s1;
	(tag) =	ssettag s2;
	_ =	strace s9  }
0x27: {  	s1 =	sld [smem:$0x3FA9]  }
0x28: {  	s2 =	sld [smem:$0x3FAA]  }
0x29: {  	s4 =	sld [smem:$0x3FAC]  }
0x2a: {  	p0 =	seq.s32 s5, $0x0;
	s5 =	sld [smem:$0x3FAD]  }
0x2b: {  	s6 =	sld [smem:$0x3FAE]  }
0x2c: {  	s7 =	sld [smem:$0x3FAF]  }
0x2d: {  	s3 =	simm.s32 $0x108;
	s8 =	sld [smem:$0x3FB0]  }
0x2e: {  	s3 =	simm.s32 @!p0 $0x1082;
	s9 =	sld [smem:$0x3FB1]  }
0x2f: {  	lr =	sadd.s32 s0, s3;
	s0 =	sld [smem:$0x3FA8]  }
0x30: {  	s3 =	sld [smem:$0x3FAB]  }
0x31: {  	[smem:$0x3FB4] =	sst s10  }
0x32: {  	s10 =	sld [smem:$0x3FB2];
	_ =	sdelay $0x3  }
0x33: {  	p0 =	seq.s32 s10, $0x1;
	s10 =	sld [smem:$0x3FB4];
	_ =	sdelay $0x3  }
0x34: {  	[smem:$0x3FB4] =	sst s10  }
0x35: {  	s10 =	sld [smem:$0x3FB3];
	_ =	sdelay $0x3  }
0x36: {  	p1 =	seq.s32 s10, $0x1;
	s10 =	sld [smem:$0x3FB4];
	_ =	sdelay $0x3  }
0x37: {  	[smem:$0x3FB4] =	sst s10  }
0x38: {  	s10 =	sld [smem:$0x3FB5]  }
0x39: {  	_ = 	snop;
	(pc) =	sbr.ind lr, $3  }
0x3a: {  	_ = 	snop  }
0x3b: {  	_ = 	snop  }
0x3c: {  	p2 =	seq.s32 s10, $0x1;
	s10 =	sld [smem:$0x3FB4]  }
0x3d: {  	_ =	shalt  }
0x3e: {  	_ =	shalt  }
0x3f: {  	_ =	shalt  }
0x40: {  	_ =	shalt  }
0x41: {  	_ =	shalt  }
0x42: {  	_ =	shalt  }
0x43: {  	_ =	shalt  }
0x44: {  	_ =	shalt  }
0x45: {  	_ =	shalt  }
0x46: {  	_ =	shalt  }
0x47: {  	_ =	shalt  }
0x48: {  	_ =	shalt  }
0x49: {  	_ =	shalt  }
0x4a: {  	_ =	shalt  }
0x4b: {  	_ =	shalt  }
0x4c: {  	_ =	shalt  }
0x4d: {  	_ =	shalt  }
0x4e: {  	_ =	shalt  }
0x4f: {  	_ =	shalt  }
0x50: {  	_ =	shalt  }
0x51: {  	_ =	shalt  }
0x52: {  	_ =	shalt  }
0x53: {  	_ =	shalt  }
0x54: {  	_ =	shalt  }
0x55: {  	_ =	shalt  }
0x56: {  	_ =	shalt  }
0x57: {  	_ =	shalt  }
0x58: {  	_ =	shalt  }
0x59: {  	_ =	shalt  }
0x5a: {  	_ =	shalt  }
0x5b: {  	_ =	shalt  }
0x5c: {  	_ =	shalt  }
0x5d: {  	_ =	shalt  }
0x5e: {  	_ =	shalt  }
0x5f: {  	_ =	shalt  }
0x60: {  	_ =	shalt  }
0x61: {  	_ =	shalt  }
0x62: {  	_ =	shalt  }
0x63: {  	_ =	shalt  }
0x64: {  	_ =	shalt  }
0x65: {  	_ =	shalt  }
0x66: {  	_ =	shalt  }
0x67: {  	_ =	shalt  }
0x68: {  	_ =	shalt  }
0x69: {  	_ =	shalt  }
0x6a: {  	_ =	shalt  }
0x6b: {  	_ =	shalt  }
0x6c: {  	_ =	shalt  }
0x6d: {  	_ =	shalt  }
0x6e: {  	_ =	shalt  }
0x6f: {  	_ =	shalt  }
0x70: {  	_ =	shalt  }
0x71: {  	_ =	shalt  }
0x72: {  	_ =	shalt  }
0x73: {  	_ =	shalt  }
0x74: {  	_ =	shalt  }
0x75: {  	_ =	shalt  }
0x76: {  	_ =	shalt  }
0x77: {  	_ =	shalt  }
0x78: {  	_ =	shalt  }
0x79: {  	_ =	shalt  }
0x7a: {  	_ =	shalt  }
0x7b: {  	_ =	shalt  }
0x7c: {  	_ =	shalt  }
0x7d: {  	_ =	shalt  }
0x7e: {  	_ =	shalt  }
0x7f: {  	_ =	shalt  }
0x80: {  	_ =	shalt  }
0x81: {  	_ =	shalt  }
0x82: {  	_ =	shalt  }
0x83: {  	_ =	shalt  }
0x84: {  	_ =	shalt  }
0x85: {  	_ =	shalt  }
0x86: {  	_ =	shalt  }
0x87: {  	_ =	shalt  }
.Lfunc_end0:
.L_simem_size_0:
called_computation.3_lowered:
.L_overlay_start_0:
0x88: {  	s2 =	sld [smem:$0x3FD9]  }
0x89: {  	s3 =	sld [smem:$0x3FFE];
	_ =	sdelay $0x1  }
0x8a: {  	s1 =	srdreg.scid  }
0x8b: {  	s0 =	sand.u32 $0x1, s1  }
0x8c: {  	s17 =	sshll.u32 s0, $0xA;
	s2 =	sadd.s32 s3, s2  }
0x8d: {  	s2 =	sadd.s32 s2, s17  }
0x8e: {  	[smem:$0x3FC0] =	sst s2  }
0x8f: {  	_ = 	snop  }
0x90: {  	s2 =	sld [smem:$0x3FD0];
	(tm) =	ssettm $0x1  }
0x91: {  	s18 =	sld [smem:$0x3FFB];
	_ =	sdelay $0x3  }
0x92: {  	_ =	strace s18  }
0x93: {  	s3 =	sld [smem:$0x3FFC];
	_ =	sdelay $0x3  }
0x94: {  	_ =	strace s3  }
0x95: {  	s3 =	sld [smem:$0x3FFD];
	_ =	sdelay $0x3  }
0x96: {  	_ =	strace s3  }
0x97: {  	_ =	strace $0x8FFFFFFF  }
0x98: {  	s19 =	sld [smem:$0x3FDB];
	_ =	sdelay $0x1  }
0x99: {  	s4 =	simm.s32 $_scs_section_size  }
0x9a: {  	s5 =	simm.s32 $_size__tile_overlayer_lowered;
	s6 =	simm.s32 $_tile_overlayer_lowered  }
0x9b: {  	s22 =	simm.s32 $0x1BFF;
	s21 =	sshll.u32 s6, $0x1;
	s3 =	sadd.s32 s4, s19  }
0x9c: {  	s7 =	simm.s32 $0x0;
	s20 =	sshll.u32 s5, $0x1;
	s5 =	sadd.s32 s21, s3  }
0x9d: {  	[timem:s7], [sflag:s22] =	dma.local [hbm:s5], s20  }
0x9e: {  	_ =	swait.ge [sflag:s22], s20  }
0x9f: {  	s4 =	ssub.s32 $0x0, s20;
	[sflag:s22] =	ssyncset.done $0x0  }
0xa0: {  	[sflag:s22] =	ssyncadd.s32 s4;
	_ =	sdelay $0x1  }
0xa1: {  	s23 =	simm.s32 $0x1B8B  }
0xa2: {  	_ =	swait.ge [sflag:s23], $0x1  }
0xa3: {  	[sflag:s23] =	ssyncset.done $0x0  }
0xa4: {  	s25 =	simm.s32 $0x1B8E;
	s24 =	sld [smem:$0x3FFE];
	[sflag:s23] =	ssyncadd.s32 $0xFFFFFFFF  }
0xa5: {  	s26 =	simm.s32 $execute0_lowered;
	[smem:$0x3FD2] =	sst s25  }
0xa6: {  	s5 =	sshll.u32 s26, $0x1;
	_ =	strace $0x8000004F;
	[dreg:$0x1] =	wrdreg $0xFFFFFFFF  }
0xa7: {  	s28 =	simm.s32 $_size_execute0_lowered;
	s3 =	sadd.s32 s3, s5;
	[dreg:$0x0] =	wrdreg $0x0  }
0xa8: {  	s5 =	sshll.u32 s28, $0x1;
	[dreg:$0x2] =	wrdreg s3  }
0xa9: {  	[dreg:$0x3] =	wrdreg s5  }
0xaa: {  	[dreg:$0x4] =	wrdreg $0xC0  }
0xab: {  	_ =	task [dreg:s7], $0x5FFFF  }
0xac: {  	[dreg:$0x1] =	wrdreg $0xFFFFFFFF  }
0xad: {  	[dreg:$0x0] =	wrdreg $0x60  }
0xae: {  	[dreg:$0x2] =	wrdreg s2  }
0xaf: {  	[dreg:$0x3] =	wrdreg s24  }
0xb0: {  	[dreg:$0x4] =	wrdreg $0xA8000  }
0xb1: {  	[dreg:$0x5] =	wrdreg $0x9  }
0xb2: {  	_ =	task.clear_ibuf [dreg:s7], $0x6FFFF;
	_ =	strace $0x9000004F  }
0xb3: {  	s29 =	simm.s32 $0x9;
	_ =	strace $0x80000051  }
0xb4: {  	_ =	swait.ge [sflag:s29], $0x1  }
0xb5: {  	[sflag:s29] =	ssyncadd.s32 $0xFFFFFFFF  }
0xb6: {  	_ =	strace $0x90000051  }
0xb7: {  	_ =	sfence  }
0xb8: {  	s30 =	sld [smem:$0x0];
	_ =	sdelay $0x2  }
0xb9: {  	s31 =	sshll.u32 s1, $0xD;
	s1 =	sshrl.u32 s1, $0x2  }
0xba: {  	s3 =	sand.u32 $0x4000, s31;
	s1 =	sadd.s32 s1, s30  }
0xbb: {  	s0 =	sor.u32 s3, s0;
	s1 =	sshll.u32 s1, $0x11  }
0xbc: {  	s0 =	sor.u32 s1, s0  }
0xbd: {  	s0 =	sadd.s32 $0x8F2B, s0  }
0xbe: {  	[sflag:s0] =	ssyncadd.remote.s32 $0x1  }
0xbf: {  	_ =	sfence.sel $0xFFFF  }
0xc0: {  	[dreg:$0x0] =	wrdreg $0xFFFFFFFF;
	(pc) =	sbr.abs _section_cstart, $3  }
0xc1: {  	[dreg:$0x1] =	wrdreg $0xFFFFFFFF  }
0xc2: {  	_ =	task.clear_ibuf [dreg:s7], $0x2FFFF;
	_ =	strace $0x9FFFFFFF  }
0xc3: {  	(tm) =	ssettm $0x7FFFFFFF  }
tec
execute0_lowered:
.L_overlay_start_1:
0x0: {  	(tag) =	ssettag $0x1  }
0x1: {  	s1 =	rddreg [dreg:$0x0]  }
0x2: {  	s5 =	rddreg [dreg:$0x1]  }
0x3: {  	s3 =	rddreg [dreg:$0x2]  }
0x4: {  	s0 =	rddreg [dreg:$0x3];
	s4 =	simm.s32 $0x0;
	s2 =	stileid.u32  }
0x5: {  	s6 =	srdreg.scid;
	s17 =	simm.s32 $0x2800;
	s18 =	simm.s32 $0x6800  }
0x6: {  	s19 =	simm.s32 $0x1;
	s20 =	simm.s32 $0x2;
	s21 =	simm.s32 $0x3  }
0x7: {  	s22 =	simm.s32 $0x4;
	s23 =	simm.s32 $0x0;
	s7 =	smul.u32 $0x13C00, s2  }
0x8: {  	[smem:$0x7FF] =	sst s4;
	s6 =	sand.u32 $0x1, s6;
	s25 =	smul.u32 $0x4F000, s2  }
0x9: {  	s9 =	sadd.s32 $0x7D600, s5;
	s10 =	sadd.s32 $0x1E00, s5;
	s14 =	smul.u32 $0x2800, s2  }
0xa: {  	s28 =	sshll.u32 s2, $0x6;
	_ =	strace $0x80000050;
	s8 =	smul.u32 $0x13C000, s6  }
0xb: {  	s12 =	ssub.s32 $0x2, s6;
	s13 =	smul.u32 $0x28000, s6;
	s6 =	sor.u32 $0x1C05, s28  }
0xc: {  	s11 =	sshrl.u32 s7, $0x3;
	s26 =	sshrl.u32 s12, $0x1;
	s30 =	sadd.s32 $0x1400, s14  }
0xd: {  	s31 =	sshrl.u32 s14, $0x3;
	s11 =	sadd.s32 s11, s5;
	s7 =	sadd.s32 s7, s8  }
0xe: {  	s8 =	sshrl.u32 s25, $0x2;
	s12 =	ssub.s32 s12, s26;
	s29 =	sadd.s32 s14, s13  }
0xf: {  	s13 =	sadd.s32 s13, s30;
	s14 =	simm.s32 $0x5;
	s7 =	sshrl.u32 s7, $0x3  }
0x10: {  	s16 =	sadd.s32 s8, s3;
	s8 =	sadd.s32 s10, s31;
	s13 =	sshrl.u32 s13, $0x3  }
0x11: {  	s12 =	smax.u32 s12, $0x1;
	s15 =	sadd.s32 s7, s5;
	s7 =	sshrl.u32 s29, $0x3  }
0x12: {  	s5 =	sadd.s32 $0x6E00, s11;
	s11 =	sshrl.u32 s30, $0x3;
	s7 =	sadd.s32 s9, s7  }
0x13: {  	s9 =	sadd.s32 s9, s13;
	s10 =	sadd.s32 s10, s11;
	s11 =	sadd.s32 $0x2E600, s15  }
0x14: {  	s13 =	sshrl.u32 s16, $0x3;
	s15 =	simm.s32 $0x1400;
	s16 =	simm.s32 $0x80  }
.LBB2_1:
0x15: {  	[spmem:s13], [sflag:s6] =	dma.local [hbm:s5], $0x2780  }
0x16: {  	_ =	swait.ge [sflag:s14], $0x2780  }
0x17: {  	[sflag:s14] =	ssyncset.done $0x0  }
0x18: {  	[sflag:s14] =	ssyncadd.s32 $0xFFFFD880  }
0x19: {  	[tilespmem:s4], [sflag:$0x5] =	stream.linear.gather [hbm4b:s7+s4], $0x1400, $0x38;
	[tilespmem:$0x1E400] =	vst v63  }
0x1a: {  	_ =	swait.ge [sflag:s14], $0x1400  }
0x1b: {  	[sflag:s14] =	ssyncset.done $0x0  }
0x1c: {  	[sflag:s14] =	ssyncadd.s32 $0xFFFFEC00  }
0x1d: {  	[tilespmem:s15], [sflag:$0x5] =	stream.linear.gather [hbm4b:s8+s4], $0x1400, $0x38;
	[tilespmem:$0x1E400] =	vst v63  }
0x1e: {  	_ =	swait.ge [sflag:s14], $0x1400  }
0x1f: {  	[sflag:s14] =	ssyncset.done $0x0  }
0x20: {  	[sflag:s14] =	ssyncadd.s32 $0xFFFFEC00  }
0x21: {  	s24 =	simm.s32 $0x0;
	[bflag:$0x0] =	sbarrier.arrive $0xFFFF  }
0x22: {  	[tilespmem:s17], [sflag:$0x1] =	stream.indirect.gather [hbm4b:s1+s16], $0x80, s24, s16, $0xb8;
	[tilespmem:$0x1E400] =	vst v63  }
0x23: {  	s29 =	simm.s32 $0x80  }
0x24: {  	[tilespmem:s18], [sflag:$0x2] =	stream.indirect.gather [hbm4b:s1+s16], $0x80, s29, s16, $0xb8;
	[tilespmem:$0x1E400] =	vst v63  }
0x25: {  	_ =	swait.ge [sflag:s19], $0x4000  }
0x26: {  	[sflag:s19] =	ssyncset.done $0x0  }
0x27: {  	s30 =	simm.s32 $0x1400;
	[sflag:s19] =	ssyncadd.s32 $0xFFFFC000  }
0x28: {  	[spmem:s3] =	stream.indirect.scatter.add.f32 [tilespmem:s17], [sflag:$0x3], $0x80, s30, s16, $0xb8;
	[tilespmem:$0x1E400] =	vst v63  }
0x29: {  	_ =	swait.ge [sflag:s20], $0x4000  }
0x2a: {  	[sflag:s20] =	ssyncset.done $0x0  }
0x2b: {  	s31 =	simm.s32 $0x1480;
	[sflag:s20] =	ssyncadd.s32 $0xFFFFC000  }
0x2c: {  	[spmem:s3] =	stream.indirect.scatter.add.f32 [tilespmem:s18], [sflag:$0x4], $0x80, s31, s16, $0xb8;
	[tilespmem:$0x1E400] =	vst v63  }
0x2d: {  	_ =	swait.ge [sflag:s21], $0x4000  }
0x2e: {  	[sflag:s21] =	ssyncset.done $0x0  }
0x2f: {  	[sflag:s21] =	ssyncadd.s32 $0xFFFFC000  }
0x30: {  	_ =	swait.ge [sflag:s22], $0x4000  }
0x31: {  	s25 =	simm.s32 $0x800;
	s24 =	simm.s32 $0x400;
	[sflag:s22] =	ssyncset.done $0x0  }
.LBB2_2:
0x32: {  	s26 =	sshra.s32 s24, $0x2  }
0x33: {  	[sflag:s22] =	ssyncadd.s32 $0xFFFFC000;
	s24 =	smov.u32 s25;
	s28 =	sadd.s32 $0x400, s25  }
0x34: {  	[tilespmem:s17], [sflag:$0x1] =	stream.indirect.gather [hbm4b:s1+s16], $0x80, s26, s16, $0xb8;
	[tilespmem:$0x1E400] =	vst v63  }
0x35: {  	p0 =	sne.s32 s25, $0x4C00;
	s25 =	sadd.s32 $0x80, s26  }
0x36: {  	[tilespmem:s18], [sflag:$0x2] =	stream.indirect.gather [hbm4b:s1+s16], $0x80, s25, s16, $0xb8;
	[tilespmem:$0x1E400] =	vst v63  }
0x37: {  	_ =	swait.ge [sflag:s19], $0x4000  }
0x38: {  	[sflag:s19] =	ssyncset.done $0x0  }
0x39: {  	s25 =	sadd.s32 $0x1400, s26;
	[sflag:s19] =	ssyncadd.s32 $0xFFFFC000  }
0x3a: {  	[spmem:s3] =	stream.indirect.scatter.add.f32 [tilespmem:s17], [sflag:$0x3], $0x80, s25, s16, $0xb8;
	[tilespmem:$0x1E400] =	vst v63  }
0x3b: {  	_ =	swait.ge [sflag:s20], $0x4000  }
0x3c: {  	[sflag:s20] =	ssyncset.done $0x0  }
0x3d: {  	s25 =	sadd.s32 $0x1480, s26;
	[sflag:s20] =	ssyncadd.s32 $0xFFFFC000  }
0x3e: {  	[spmem:s3] =	stream.indirect.scatter.add.f32 [tilespmem:s18], [sflag:$0x4], $0x80, s25, s16, $0xb8;
	[tilespmem:$0x1E400] =	vst v63  }
.Ltmp0:
0x3f: {  	_ =	swait.ge [sflag:s21], $0x4000;
	(pc) =	sbr.rel @p0 .LBB2_2-.Ltmp0, $4  }
0x40: {  	[sflag:s21] =	ssyncset.done $0x0  }
0x41: {  	[sflag:s21] =	ssyncadd.s32 $0xFFFFC000  }
0x42: {  	_ =	swait.ge [sflag:s22], $0x4000  }
0x43: {  	s25 =	smov.u32 s28;
	[sflag:s22] =	ssyncset.done $0x0  }
0x44: {  	s24 =	sshra.s32 s24, $0x2;
	[sflag:s22] =	ssyncadd.s32 $0xFFFFC000  }
0x45: {  	[tilespmem:s17], [sflag:$0x1] =	stream.indirect.gather [hbm4b:s1+s16], $0x80, s24, s16, $0xb8;
	[tilespmem:$0x1E400] =	vst v63  }
0x46: {  	s25 =	sadd.s32 $0x80, s24  }
0x47: {  	[tilespmem:s18], [sflag:$0x2] =	stream.indirect.gather [hbm4b:s1+s16], $0x80, s25, s16, $0xb8;
	[tilespmem:$0x1E400] =	vst v63  }
0x48: {  	_ =	swait.ge [sflag:s19], $0x4000  }
0x49: {  	[sflag:s19] =	ssyncset.done $0x0  }
0x4a: {  	s31 =	sadd.s32 $0x1400, s24;
	[sflag:s19] =	ssyncadd.s32 $0xFFFFC000  }
0x4b: {  	[spmem:s3] =	stream.indirect.scatter.add.f32 [tilespmem:s17], [sflag:$0x3], $0x80, s31, s16, $0xb8;
	[tilespmem:$0x1E400] =	vst v63  }
0x4c: {  	_ =	swait.ge [sflag:s20], $0x4000  }
0x4d: {  	[sflag:s20] =	ssyncset.done $0x0  }
0x4e: {  	s24 =	sadd.s32 $0x1480, s24;
	[sflag:s20] =	ssyncadd.s32 $0xFFFFC000  }
0x4f: {  	[spmem:s3] =	stream.indirect.scatter.add.f32 [tilespmem:s18], [sflag:$0x4], $0x80, s24, s16, $0xb8;
	[tilespmem:$0x1E400] =	vst v63  }
0x50: {  	_ =	swait.ge [sflag:s21], $0x4000  }
0x51: {  	[sflag:s21] =	ssyncset.done $0x0  }
0x52: {  	[sflag:s21] =	ssyncadd.s32 $0xFFFFC000  }
0x53: {  	_ =	swait.ge [sflag:s22], $0x4000  }
0x54: {  	[sflag:s22] =	ssyncset.done $0x0  }
0x55: {  	s26 =	simm.s32 $0x0;
	[sflag:s22] =	ssyncadd.s32 $0xFFFFC000  }
0x56: {  	[tilespmem:s26], [sflag:$0x5] =	stream.linear.gather [hbm4b:s9+s26], $0x1400, $0x38;
	[tilespmem:$0x1E400] =	vst v63  }
0x57: {  	_ =	swait.ge [sflag:s14], $0x1400  }
0x58: {  	[sflag:s14] =	ssyncset.done $0x0  }
0x59: {  	[sflag:s14] =	ssyncadd.s32 $0xFFFFEC00  }
0x5a: {  	[tilespmem:s15], [sflag:$0x5] =	stream.linear.gather [hbm4b:s10+s26], $0x1400, $0x38;
	[tilespmem:$0x1E400] =	vst v63  }
0x5b: {  	_ =	swait.ge [sflag:s14], $0x1400  }
0x5c: {  	[sflag:s14] =	ssyncset.done $0x0  }
0x5d: {  	s28 =	simm.s32 $0x0;
	[sflag:s14] =	ssyncadd.s32 $0xFFFFEC00  }
0x5e: {  	[tilespmem:s17], [sflag:$0x1] =	stream.indirect.gather [hbm4b:s1+s16], $0x80, s28, s16, $0xb8;
	[tilespmem:$0x1E400] =	vst v63  }
0x5f: {  	s29 =	simm.s32 $0x80  }
0x60: {  	[tilespmem:s18], [sflag:$0x2] =	stream.indirect.gather [hbm4b:s1+s16], $0x80, s29, s16, $0xb8;
	[tilespmem:$0x1E400] =	vst v63  }
0x61: {  	_ =	swait.ge [sflag:s19], $0x4000  }
0x62: {  	[sflag:s19] =	ssyncset.done $0x0  }
0x63: {  	s30 =	simm.s32 $0x1400;
	[sflag:s19] =	ssyncadd.s32 $0xFFFFC000  }
0x64: {  	[spmem:s3] =	stream.indirect.scatter.add.f32 [tilespmem:s17], [sflag:$0x3], $0x80, s30, s16, $0xb8;
	[tilespmem:$0x1E400] =	vst v63  }
0x65: {  	_ =	swait.ge [sflag:s20], $0x4000  }
0x66: {  	[sflag:s20] =	ssyncset.done $0x0  }
0x67: {  	s31 =	simm.s32 $0x1480;
	[sflag:s20] =	ssyncadd.s32 $0xFFFFC000  }
0x68: {  	[spmem:s3] =	stream.indirect.scatter.add.f32 [tilespmem:s18], [sflag:$0x4], $0x80, s31, s16, $0xb8;
	[tilespmem:$0x1E400] =	vst v63  }
0x69: {  	_ =	swait.ge [sflag:s21], $0x4000  }
0x6a: {  	[sflag:s21] =	ssyncset.done $0x0  }
0x6b: {  	[sflag:s21] =	ssyncadd.s32 $0xFFFFC000  }
0x6c: {  	_ =	swait.ge [sflag:s22], $0x4000  }
0x6d: {  	s25 =	simm.s32 $0x800;
	s24 =	simm.s32 $0x400;
	[sflag:s22] =	ssyncset.done $0x0  }
.LBB2_4:
0x6e: {  	s26 =	sshra.s32 s24, $0x2  }
0x6f: {  	[sflag:s22] =	ssyncadd.s32 $0xFFFFC000;
	s24 =	smov.u32 s25;
	s28 =	sadd.s32 $0x400, s25  }
0x70: {  	[tilespmem:s17], [sflag:$0x1] =	stream.indirect.gather [hbm4b:s1+s16], $0x80, s26, s16, $0xb8;
	[tilespmem:$0x1E400] =	vst v63  }
0x71: {  	p0 =	sne.s32 s25, $0x4C00;
	s25 =	sadd.s32 $0x80, s26  }
0x72: {  	[tilespmem:s18], [sflag:$0x2] =	stream.indirect.gather [hbm4b:s1+s16], $0x80, s25, s16, $0xb8;
	[tilespmem:$0x1E400] =	vst v63  }
0x73: {  	_ =	swait.ge [sflag:s19], $0x4000  }
0x74: {  	[sflag:s19] =	ssyncset.done $0x0  }
0x75: {  	s25 =	sadd.s32 $0x1400, s26;
	[sflag:s19] =	ssyncadd.s32 $0xFFFFC000  }
0x76: {  	[spmem:s3] =	stream.indirect.scatter.add.f32 [tilespmem:s17], [sflag:$0x3], $0x80, s25, s16, $0xb8;
	[tilespmem:$0x1E400] =	vst v63  }
0x77: {  	_ =	swait.ge [sflag:s20], $0x4000  }
0x78: {  	[sflag:s20] =	ssyncset.done $0x0  }
0x79: {  	s25 =	sadd.s32 $0x1480, s26;
	[sflag:s20] =	ssyncadd.s32 $0xFFFFC000  }
0x7a: {  	[spmem:s3] =	stream.indirect.scatter.add.f32 [tilespmem:s18], [sflag:$0x4], $0x80, s25, s16, $0xb8;
	[tilespmem:$0x1E400] =	vst v63  }
.Ltmp1:
0x7b: {  	_ =	swait.ge [sflag:s21], $0x4000;
	(pc) =	sbr.rel @p0 .LBB2_4-.Ltmp1, $4  }
0x7c: {  	[sflag:s21] =	ssyncset.done $0x0  }
0x7d: {  	[sflag:s21] =	ssyncadd.s32 $0xFFFFC000  }
0x7e: {  	_ =	swait.ge [sflag:s22], $0x4000  }
0x7f: {  	s25 =	smov.u32 s28;
	[sflag:s22] =	ssyncset.done $0x0  }
0x80: {  	s24 =	sshra.s32 s24, $0x2;
	[sflag:s22] =	ssyncadd.s32 $0xFFFFC000  }
0x81: {  	[tilespmem:s17], [sflag:$0x1] =	stream.indirect.gather [hbm4b:s1+s16], $0x80, s24, s16, $0xb8;
	[tilespmem:$0x1E400] =	vst v63  }
0x82: {  	s25 =	sadd.s32 $0x80, s24  }
0x83: {  	[tilespmem:s18], [sflag:$0x2] =	stream.indirect.gather [hbm4b:s1+s16], $0x80, s25, s16, $0xb8;
	[tilespmem:$0x1E400] =	vst v63  }
0x84: {  	_ =	swait.ge [sflag:s19], $0x4000  }
0x85: {  	[sflag:s19] =	ssyncset.done $0x0  }
0x86: {  	s31 =	sadd.s32 $0x1400, s24;
	[sflag:s19] =	ssyncadd.s32 $0xFFFFC000  }
0x87: {  	[spmem:s3] =	stream.indirect.scatter.add.f32 [tilespmem:s17], [sflag:$0x3], $0x80, s31, s16, $0xb8;
	[tilespmem:$0x1E400] =	vst v63  }
0x88: {  	_ =	swait.ge [sflag:s20], $0x4000  }
0x89: {  	[sflag:s20] =	ssyncset.done $0x0  }
0x8a: {  	s24 =	sadd.s32 $0x1480, s24;
	[sflag:s20] =	ssyncadd.s32 $0xFFFFC000  }
0x8b: {  	[spmem:s3] =	stream.indirect.scatter.add.f32 [tilespmem:s18], [sflag:$0x4], $0x80, s24, s16, $0xb8;
	[tilespmem:$0x1E400] =	vst v63  }
0x8c: {  	_ =	swait.ge [sflag:s21], $0x4000  }
0x8d: {  	[sflag:s21] =	ssyncset.done $0x0  }
0x8e: {  	[sflag:s21] =	ssyncadd.s32 $0xFFFFC000  }
0x8f: {  	_ =	swait.ge [sflag:s22], $0x4000  }
0x90: {  	s23 =	sadd.s32 $0x1, s23;
	[sflag:s22] =	ssyncset.done $0x0  }
0x91: {  	p0 =	sne.s32 s23, s12;
	[sflag:s22] =	ssyncadd.s32 $0xFFFFC000  }
.Ltmp2:
0x92: {  	[bflag:$0x0] =	sbarrier.arrive $0xFFFF;
	(pc) =	sbr.rel @p0 .LBB2_1-.Ltmp2, $4  }
0x93: {  	[hbm:s11], [sflag:s6] =	dma.local [spmem:s13], $0x2780  }
0x94: {  	_ =	swait.ge [sflag:s14], $0x2780  }
0x95: {  	[sflag:s14] =	ssyncset.done $0x0  }
0x96: {  	[sflag:s14] =	ssyncadd.s32 $0xFFFFD880  }
0x97: {  	_ =	sfence.sel $0x180000  }
0x98: {  	[bflag:$0x0] =	sbarrier.arrive $0xFFFF  }
0x99: {  	p0 =	sne.s32 s2, $0x0;
	_ =	strace $0x90000050  }
0x9a: {  	s0 =	sadd.s32 @!p0 $0x100000, s0;
	[bflag:$0x2] =	sbarrier.arrive $0xFFFF  }
0x9b: {  	[sflag:s0] =	ssyncadd.tile.s32 @!p0 $0x1;
	_ =	shalt  }
.Lfunc_end2:
_tile_overlayer_lowered:
.L_overlay_start_2:
0x9c: {  	(tag) =	ssettag $0x2  }
0x9d: {  	s0 =	rddreg [dreg:$0x0];
	s2 =	stileid.u32  }
0x9e: {  	s1 =	rddreg [dreg:$0x1];
	p0 =	sne.s32 s2, $0x0  }
0x9f: {  	s3 =	rddreg [dreg:$0x2];
	[bflag:$0x3] =	sbarrier.arrive $0xFFFF;
	s2 =	simm.s32 @!p0 $0x1C05  }
0xa0: {  	[timem:s3], [sflag:s2] =	dma.local @!p0 [hbm:s0], s1  }
0xa1: {  	s0 =	simm.s32 @!p0 $0x5  }
0xa2: {  	_ =	swait.ge @!p0 [sflag:s0], s1  }
0xa3: {  	s1 =	ssub.s32 @!p0 $0x0, s1;
	[sflag:s0] =	ssyncset.done @!p0 $0x0  }
0xa4: {  	[sflag:s0] =	ssyncadd.s32 @!p0 s1  }
0xa5: {  	[bflag:$0x3] =	sbarrier.arrive $0xFFFF  }
0xa6: {  	_ =	shalt  }

</sc_bundles>
